<compile_context>
chip_gen: v7x
topology: tpu7x:2x2x1
jax: 0.10.2.dev20260603
libtpu: 0.0.44.dev20260713+nightly
codegen_flags: <defaults>
</compile_context>

<pallas_src>
import functools

import jax
import jax.numpy as jnp
import numpy as np
from jax import lax
from jax.experimental import pallas as pl
from jax.experimental.pallas import tpu as pltpu
from jax.experimental.pallas import tpu_sc as plsc

B = 64
H = 512
W = 512
HW = H * W
N_RAYS = 1024
N_PTS = 64
MIN_DEPTH = 0.1
MAX_DEPTH = 8.0

_K_IDX = (507451445, 1853169794)
_K_STRAT = (1948878966, 4237131848)

_TINY = float(np.finfo(np.float32).tiny)

_NT = 1024
_NCHUNK = HW // _NT
_NGROUP = N_RAYS // 8


def _u32(x):
    return jnp.uint32(x)


def _threefry(x0, x1, k0, k1):
    ks0 = np.uint32(k0)
    ks1 = np.uint32(k1)
    ks2 = np.uint32(int(ks0) ^ int(ks1) ^ 0x1BD11BDA)
    ks = (ks0, ks1, ks2)
    rots = ((13, 15, 26, 6), (17, 29, 16, 24))
    for d in range(5):
        for r in rots[d % 2]:
            x0 = x0 + x1
            x1 = (x1 << _u32(r)) | (x1 >> _u32(32 - r))
            x1 = x1 ^ x0
        x0 = x0 + ks[(d + 1) % 3]
        x1 = x1 + np.uint32((int(ks[(d + 2) % 3]) + d + 1) & 0xFFFFFFFF)
    return x0, x1


def _bits_to_unit(bits):
    fb = (bits >> _u32(9)) | _u32(0x3F800000)
    return jax.lax.bitcast_convert_type(fb, jnp.float32) - jnp.float32(1.0)


def _race_body(mask_ref, idx_ref, invp_ref):
    b = pl.program_id(0)
    invp_ref[...] = jnp.float32(1.0) / jnp.maximum(mask_ref[0], jnp.float32(1e-12))

    x0_init = (jnp.uint32(b) >> _u32(4)) + _u32(_K_IDX[0])
    lo_base = ((jnp.uint32(b) & _u32(15)) * _u32(N_RAYS)) << _u32(18)

    tile_iota = (
        jax.lax.broadcasted_iota(jnp.uint32, (8, _NT), 0) << _u32(18)
    ) | jax.lax.broadcasted_iota(jnp.uint32, (8, _NT), 1)
    lane_i32 = jax.lax.broadcasted_iota(jnp.int32, (8, _NT), 1)

    def group_body(g, _):
        ray0 = g * 8
        grp_base = lo_base + (jnp.uint32(ray0) << _u32(18)) + _u32(_K_IDX[1])

        def chunk8_body(c8, carry):
            best, bchunk = carry
            pairs = []
            for t in range(8):
                c = c8 * 8 + t
                x1 = tile_iota + (grp_base + jnp.uint32(c) * _u32(_NT))
                o0, o1 = _threefry(x0_init, x1, _K_IDX[0], _K_IDX[1])
                u = _bits_to_unit(o0 ^ o1)
                invp = invp_ref[c, :]
                score = jnp.log(u) * jnp.broadcast_to(invp[None, :],
                                                      (8, _NT))
                pairs.append((score, c))
            while len(pairs) > 1:
                nxt = []
                for (sa, ca), (sb, cb) in zip(pairs[0::2], pairs[1::2]):
                    tk = sb > sa
                    nxt.append((jnp.maximum(sb, sa), jnp.where(tk, cb, ca)))
                pairs = nxt
            s_win, c_win = pairs[0]
            take = s_win > best
            return (jnp.maximum(s_win, best), jnp.where(take, c_win, bchunk))

        init = (jnp.full((8, _NT), -jnp.inf, jnp.float32),
                jnp.zeros((8, _NT), jnp.int32))
        best, bchunk = jax.lax.fori_loop(0, _NCHUNK // 8, chunk8_body, init)
        bidx = bchunk * _NT + lane_i32
        mx = jnp.max(best, axis=1, keepdims=True)
        win = jnp.min(jnp.where(best == mx, bidx, jnp.int32(2**30)), axis=1)
        idx_ref[0, g, :] = win
        return 0

    jax.lax.fori_loop(0, _NGROUP, group_body, 0)


_N_SC = 13
_B_TC = B - _N_SC
_QPIX = 65536
_NQ = HW // _QPIX

_LN_COEF = (1.0, -0.5, 0.3333331, -0.25000036, 0.20002101, -0.16667072,
            0.1422135, -0.12421434, 0.11880776, -0.11574958, 0.06652067)
_SQRT2 = float(np.sqrt(2.0))
_LN2 = float(np.log(2.0))


def _soft_ln(u):
    bu = jax.lax.bitcast_convert_type(u, jnp.int32)
    e = (bu >> jnp.int32(23)) - jnp.int32(127)
    r = jax.lax.bitcast_convert_type(
        (bu & jnp.int32(0x7FFFFF)) | jnp.int32(0x3F800000), jnp.float32)
    big = r > jnp.float32(_SQRT2)
    r = jnp.where(big, r * jnp.float32(0.5), r)
    e = jnp.where(big, e + jnp.int32(1), e)
    s = r - jnp.float32(1.0)
    acc = jnp.float32(_LN_COEF[10])
    for d in range(9, -1, -1):
        acc = acc * s + jnp.float32(_LN_COEF[d])
    return e.astype(jnp.float32) * jnp.float32(_LN2) + s * acc


def _sc_race_body(mask_hbm, best_hbm, bidx_hbm, maskbuf, best_ref, bidx_ref):
    wid = lax.axis_index("s") * 2 + lax.axis_index("c")
    lane_i = lax.iota(jnp.int32, 16)
    lane_u = lane_i.astype(jnp.uint32)

    def cam_body(cam, _):
        b = cam + _B_TC
        x0c = (jnp.uint32(b) >> _u32(4)) + _u32(_K_IDX[0])
        row0 = (jnp.uint32(b) & _u32(15)) * _u32(N_RAYS)

        def init_body(r, _c):
            best_ref[r] = jnp.full((16,), -3.0e38, jnp.float32)
            bidx_ref[r] = jnp.zeros((16,), jnp.int32)
            return 0
        lax.fori_loop(0, 32, init_body, 0)

        def q_body(q, _c):
            pltpu.sync_copy(mask_hbm.at[cam, q], maskbuf)
            qoff = q * _QPIX

            def ray_body(r, _c2):
                ray = wid * 32 + r
                base = (((row0 + jnp.uint32(ray)) << _u32(18))
                        + _u32(_K_IDX[1]) + jnp.uint32(qoff)) + lane_u

                def step(j, car):
                    best, bidx = car
                    x1 = base + jnp.uint32(j) * _u32(16)
                    o0, o1 = _threefry(x0c, x1, _K_IDX[0], _K_IDX[1])
                    k = (o0 ^ o1) >> _u32(9)
                    f = jax.lax.bitcast_convert_type(k, jnp.int32).astype(
                        jnp.float32)
                    u = f * jnp.float32(2.0 ** -23)
                    ln_u = _soft_ln(u)
                    m = maskbuf[pl.ds(j * 16, 16)]
                    score = ln_u / jnp.maximum(m, jnp.float32(1e-12))
                    take = score > best
                    cur = lane_i + (qoff + j * 16)
                    return (jnp.maximum(score, best),
                            jnp.where(take, cur, bidx))

                car = lax.fori_loop(0, _QPIX // 16, step,
                                    (best_ref[r], bidx_ref[r]))
                best_ref[r] = car[0]
                bidx_ref[r] = car[1]
                return 0
            lax.fori_loop(0, 32, ray_body, 0)
            return 0
        lax.fori_loop(0, _NQ, q_body, 0)

        pltpu.sync_copy(best_ref, best_hbm.at[cam, pl.ds(wid * 32, 32)])
        pltpu.sync_copy(bidx_ref, bidx_hbm.at[cam, pl.ds(wid * 32, 32)])
        return 0

    lax.fori_loop(0, _N_SC, cam_body, 0)


_sc_race = functools.partial(
    pl.kernel,
    mesh=plsc.VectorSubcoreMesh(core_axis_name="c", subcore_axis_name="s"),
    out_type=[
        jax.ShapeDtypeStruct((_N_SC, N_RAYS, 16), jnp.float32),
        jax.ShapeDtypeStruct((_N_SC, N_RAYS, 16), jnp.int32),
    ],
    scratch_types=[
        pltpu.VMEM((_QPIX,), jnp.float32),
        pltpu.VMEM((32, 16), jnp.float32),
        pltpu.VMEM((32, 16), jnp.int32),
    ],
)(_sc_race_body)


def _sc_merge_body(best_ref, bidx_ref, out_ref):
    best = best_ref[0]
    bidx = bidx_ref[0]
    mx = jnp.max(best, axis=1, keepdims=True)
    out_ref[0, 0] = jnp.min(
        jnp.where(best == mx, bidx, jnp.int32(2 ** 30)), axis=1)


def _post_body(idx_ref, r9_ref, t_ref, fl_ref, pp_ref, xys_ref, dir_ref, org_ref):
    idx = idx_ref[0, 0, :]
    wcol = idx & jnp.int32(W - 1)
    hrow = idx >> jnp.int32(9)
    c0 = jnp.float32(1.0 - 1.0 / W)
    step = jnp.float32(1.0 / 256.0)
    xf = c0 - wcol.astype(jnp.float32) * step
    yf = c0 - hrow.astype(jnp.float32) * step

    a, bb, c = r9_ref[0, 0, 0], r9_ref[0, 0, 1], r9_ref[0, 0, 2]
    d, e, f = r9_ref[0, 0, 3], r9_ref[0, 0, 4], r9_ref[0, 0, 5]
    g, h, i = r9_ref[0, 0, 6], r9_ref[0, 0, 7], r9_ref[0, 0, 8]
    det = a * (e * i - f * h) - bb * (d * i - f * g) + c * (d * h - e * g)
    inv_det = jnp.float32(1.0) / det
    i00 = (e * i - f * h) * inv_det
    i01 = (c * h - bb * i) * inv_det
    i02 = (bb * f - c * e) * inv_det
    i10 = (f * g - d * i) * inv_det
    i11 = (a * i - c * g) * inv_det
    i12 = (c * d - a * f) * inv_det
    i20 = (d * h - e * g) * inv_det
    i21 = (bb * g - a * h) * inv_det
    i22 = (a * e - bb * d) * inv_det

    px, py = pp_ref[0, 0, 0], pp_ref[0, 0, 1]
    fx, fy = fl_ref[0, 0, 0], fl_ref[0, 0, 1]
    dx = (xf - px) / fx
    dy = (yf - py) / fy

    d0 = dx * i00 + dy * i10 + i20
    d1 = dx * i01 + dy * i11 + i21
    d2 = dx * i02 + dy * i12 + i22
    nrm = jnp.sqrt(d0 * d0 + d1 * d1 + d2 * d2)
    dir_ref[0, 0, 0, :] = d0 / nrm
    dir_ref[0, 1, 0, :] = d1 / nrm
    dir_ref[0, 2, 0, :] = d2 / nrm

    t0, t1, t2 = t_ref[0, 0, 0], t_ref[0, 0, 1], t_ref[0, 0, 2]
    cc0 = -(t0 * i00 + t1 * i10 + t2 * i20)
    cc1 = -(t0 * i01 + t1 * i11 + t2 * i21)
    cc2 = -(t0 * i02 + t1 * i12 + t2 * i22)
    org_ref[0, 0, 0, :] = jnp.broadcast_to(cc0, (N_RAYS,))
    org_ref[0, 1, 0, :] = jnp.broadcast_to(cc1, (N_RAYS,))
    org_ref[0, 2, 0, :] = jnp.broadcast_to(cc2, (N_RAYS,))

    xys_ref[0, 0, 0, :] = xf
    xys_ref[0, 1, 0, :] = yf


def _lengths_body(base_ref, out_ref):
    b = pl.program_id(0)
    e = (
        jax.lax.broadcasted_iota(jnp.uint32, (N_RAYS, N_PTS), 0) * _u32(N_PTS)
        + jax.lax.broadcasted_iota(jnp.uint32, (N_RAYS, N_PTS), 1)
        + jnp.uint32(b) * _u32(N_RAYS * N_PTS)
        + _u32(_K_STRAT[1])
    )
    o0, o1 = _threefry(_u32(_K_STRAT[0]), e, _K_STRAT[0], _K_STRAT[1])
    u = _bits_to_unit(o0 ^ o1)
    delta = np.float32((MAX_DEPTH - MIN_DEPTH) / (N_PTS - 1))
    jit = (u - jnp.float32(0.5)) * delta
    out_ref[0] = jnp.broadcast_to(base_ref[0][None, :], (N_RAYS, N_PTS)) + jit


@functools.partial(jax.jit)
def kernel(mask, R, T, focal_length, principal_point):
    mask3 = mask.reshape(B, _NCHUNK, _NT)

    idx3 = pl.pallas_call(
        _race_body,
        grid=(_B_TC,),
        in_specs=[pl.BlockSpec((1, _NCHUNK, _NT), lambda b: (b, 0, 0))],
        out_specs=pl.BlockSpec((1, _NGROUP, 8), lambda b: (b, 0, 0)),
        out_shape=jax.ShapeDtypeStruct((_B_TC, _NGROUP, 8), jnp.int32),
        scratch_shapes=[pltpu.VMEM((_NCHUNK, _NT), jnp.float32)],
        compiler_params=pltpu.CompilerParams(
            dimension_semantics=("parallel",),
        ),
    )(mask3[:_B_TC])

    sc_best, sc_bidx = _sc_race(
        mask.reshape(B, HW)[_B_TC:].reshape(_N_SC, _NQ, _QPIX))
    idx_sc = pl.pallas_call(
        _sc_merge_body,
        grid=(_N_SC,),
        in_specs=[
            pl.BlockSpec((1, N_RAYS, 16), lambda b: (b, 0, 0)),
            pl.BlockSpec((1, N_RAYS, 16), lambda b: (b, 0, 0)),
        ],
        out_specs=pl.BlockSpec((1, 1, N_RAYS), lambda b: (b, 0, 0)),
        out_shape=jax.ShapeDtypeStruct((_N_SC, 1, N_RAYS), jnp.int32),
    )(sc_best, sc_bidx)

    idxf = jnp.concatenate(
        [idx3.reshape(_B_TC, N_RAYS), idx_sc.reshape(_N_SC, N_RAYS)],
        axis=0).reshape(B, 1, N_RAYS)
    r9 = R.reshape(B, 1, 9)

    smem = functools.partial(pl.BlockSpec, memory_space=pltpu.SMEM)
    xys4, dir4, org4 = pl.pallas_call(
        _post_body,
        grid=(B,),
        in_specs=[
            pl.BlockSpec((1, 1, N_RAYS), lambda b: (b, 0, 0)),
            smem((1, 1, 9), lambda b: (b, 0, 0)),
            smem((1, 1, 3), lambda b: (b, 0, 0)),
            smem((1, 1, 2), lambda b: (b, 0, 0)),
            smem((1, 1, 2), lambda b: (b, 0, 0)),
        ],
        out_specs=[
            pl.BlockSpec((1, 2, 1, N_RAYS), lambda b: (b, 0, 0, 0)),
            pl.BlockSpec((1, 3, 1, N_RAYS), lambda b: (b, 0, 0, 0)),
            pl.BlockSpec((1, 3, 1, N_RAYS), lambda b: (b, 0, 0, 0)),
        ],
        out_shape=[
            jax.ShapeDtypeStruct((B, 2, 1, N_RAYS), jnp.float32),
            jax.ShapeDtypeStruct((B, 3, 1, N_RAYS), jnp.float32),
            jax.ShapeDtypeStruct((B, 3, 1, N_RAYS), jnp.float32),
        ],
    )(idxf, r9, T.reshape(B, 1, 3), focal_length.reshape(B, 1, 2),
      principal_point.reshape(B, 1, 2))

    base = jnp.linspace(MIN_DEPTH, MAX_DEPTH, N_PTS, dtype=jnp.float32)
    lengths = pl.pallas_call(
        _lengths_body,
        grid=(B,),
        in_specs=[pl.BlockSpec((1, N_PTS), lambda b: (0, 0))],
        out_specs=pl.BlockSpec((1, N_RAYS, N_PTS), lambda b: (b, 0, 0)),
        out_shape=jax.ShapeDtypeStruct((B, N_RAYS, N_PTS), jnp.float32),
    )(base.reshape(1, N_PTS))

    xys = xys4.reshape(B, 2, N_RAYS).transpose(0, 2, 1)
    directions = dir4.reshape(B, 3, N_RAYS).transpose(0, 2, 1)
    origins = org4.reshape(B, 3, N_RAYS).transpose(0, 2, 1)
    return origins, directions, lengths, xys

# --- scband reference (transcript-rebuilt; emitter-appended) ---
"""Pipeline reference for scband-ray-sampler-53730040872982 (READ-ONLY COPY).

The authoritative reference and input builder live on the scoring server;
editing this copy changes nothing except your own understanding.
"""

import jax, jax.numpy as jnp
import numpy as np

B = 64
H = 512
W = 512
N_RAYS = 1024
N_PTS = 64
MIN_DEPTH = 0.1
MAX_DEPTH = 8.0


def _ndc_grid():
    # NDC pixel-center grid, pytorch3d convention: x goes from +1 to -1 (left to right),
    # y goes from +1 to -1 (top to bottom), with half-pixel offsets.
    half_x = 1.0 / W
    half_y = 1.0 / H
    xs = jnp.linspace(1.0 - half_x, -(1.0 - half_x), W, dtype=jnp.float32)
    ys = jnp.linspace(1.0 - half_y, -(1.0 - half_y), H, dtype=jnp.float32)
    gy, gx = jnp.meshgrid(ys, xs, indexing='ij')
    return jnp.stack([gx, gy], axis=-1).reshape(-1, 2)  # (H*W, 2)


def setup_inputs(seed: int = 0):
    key = jax.random.key(seed)
    k1, k2, k3 = jax.random.split(key, 3)
    mask = jax.random.uniform(k1, (B, 1, H, W), dtype=jnp.float32)
    R = jax.random.normal(k2, (B, 3, 3), dtype=jnp.float32)
    T = jax.random.normal(k3, (B, 3), dtype=jnp.float32)
    focal_length = jnp.ones((B, 2), dtype=jnp.float32)
    principal_point = jnp.zeros((B, 2), dtype=jnp.float32)
    return {'mask': mask, 'R': R, 'T': T, 'focal_length': focal_length, 'principal_point': principal_point}


def reference(mask, R, T, focal_length, principal_point):
    # RaySampler.forward in TRAINING / mask_sample mode with scene_extent <= 0.
    key = jax.random.key(1)
    k_idx, k_strat = jax.random.split(key)
    # nearest-interpolate mask to (H, W): identity since mask already (B,1,H,W), then drop channel
    sample_mask = mask[:, 0]
    # multinomial ray sampling proportional to per-pixel mask values (with replacement)
    probs = sample_mask.reshape(B, H * W)
    logits = jnp.log(jnp.maximum(probs, 1e-12))
    idx = jax.random.categorical(k_idx, logits[:, None, :], axis=-1, shape=(B, N_RAYS))
    grid = _ndc_grid()
    xys = jnp.take(grid, idx, axis=0)  # (B, N_RAYS, 2) gather of sampled NDC coords
    # unproject NDC points at depth 1 to camera space, then rotate to world
    dir_cam = jnp.concatenate([
        (xys - principal_point[:, None, :]) / focal_length[:, None, :],
        jnp.ones((B, N_RAYS, 1), dtype=jnp.float32)], axis=-1)
    R_inv = jnp.linalg.inv(R)
    directions = jnp.einsum('bnj,bjk->bnk', dir_cam, R_inv)
    # unit_directions=True
    directions = directions / jnp.linalg.norm(directions, axis=-1, keepdims=True)
    # camera centers in world coords (row-vector convention: x_cam = x_world R + T)
    cam_centers = -jnp.einsum('bj,bjk->bk', T, R_inv)
    origins = jnp.broadcast_to(cam_centers[:, None, :], (B, N_RAYS, 3))
    # stratified depth sampling between min_depth and max_depth
    base = jnp.linspace(MIN_DEPTH, MAX_DEPTH, N_PTS, dtype=jnp.float32)
    delta = (MAX_DEPTH - MIN_DEPTH) / (N_PTS - 1)
    jitter = (jax.random.uniform(k_strat, (B, N_RAYS, N_PTS), dtype=jnp.float32) - 0.5) * delta
    lengths = base[None, None, :] + jitter
    # RayBundle(origins, directions, lengths, xys)
    return origins, directions, lengths, xys

if __name__ == "__main__":
    import jax
    _d = setup_inputs()
    print(jax.jit(kernel)(*tuple(_d.values())))

</pallas_src>

<mosaic_0001>
#map = affine_map<(d0, d1) -> (0, 0, 0)>
module attributes {stable_mosaic.version = 14 : i64} {
  func.func @_sc_race_body(%arg0: i32, %arg1: i32, %arg2: memref<13x4x65536xf32, #tpu.memory_space<hbm>>, %arg3: memref<13x1024x16xf32, #tpu.memory_space<hbm>>, %arg4: memref<13x1024x16xi32, #tpu.memory_space<hbm>>, %arg5: memref<65536xf32, #tpu.memory_space<vmem>>, %arg6: memref<32x16xf32, #tpu.memory_space<vmem>>, %arg7: memref<32x16xi32, #tpu.memory_space<vmem>>) attributes {dimension_semantics = [#tpu.dimension_semantics<core_parallel>, #tpu.dimension_semantics<subcore_parallel>], iteration_bounds = array<i64: 2, 16>, scalar_prefetch = 0 : i64, scratch_operands = 3 : i64, tpu.core_type = #tpu.core_type<sc_vector_subcore>, window_params = [{transform_indices = #map}, {transform_indices = #map}, {transform_indices = #map}]} {
    %mul3A = arith.constant 2 : i32
    %mul3A_0 = arith.muli %arg1, %mul3A : i32
    %add3A = arith.addi %mul3A_0, %arg0 : i32
    %iota3A = tpu.iota {dimensions = array<i32: 0>} : vector<16xi32>
    %scan3A = arith.constant 0 : i32
    %scan3A_1 = arith.constant 0 : i32
    %scan3A_2 = arith.constant 13 : i32
    %scan3A_3 = arith.addi %scan3A_1, %scan3A_2 : i32
    %scan3A_4 = arith.constant 1 : i32
    %scan3A_5 = scf.for %scan3A_7 = %scan3A_1 to %scan3A_3 step %scan3A_4 iter_args(%scan3A_8 = %scan3A) -> (i32)  : i32 {
      %add3A_9 = arith.constant 51 : i32
      %add3A_10 = arith.addi %scan3A_7, %add3A_9 : i32
      %shift_right_logical3A = arith.constant 4 : i32
      %shift_right_logical3A_11 = arith.shrui %add3A_10, %shift_right_logical3A : i32
      %add3A_12 = arith.constant 507451445 : i32
      %add3A_13 = arith.addi %shift_right_logical3A_11, %add3A_12 : i32
      %and3A = arith.constant 15 : i32
      %and3A_14 = arith.andi %add3A_10, %and3A : i32
      %mul3A_15 = arith.constant 1024 : i32
      %mul3A_16 = arith.muli %and3A_14, %mul3A_15 : i32
      %scan3A_17 = arith.constant 0 : i32
      %scan3A_18 = arith.constant 0 : i32
      %scan3A_19 = arith.constant 32 : i32
      %scan3A_20 = arith.addi %scan3A_18, %scan3A_19 : i32
      %scan3A_21 = arith.constant 1 : i32
      %scan3A_22 = scf.for %scan3A_36 = %scan3A_18 to %scan3A_20 step %scan3A_21 iter_args(%scan3A_37 = %scan3A_17) -> (i32)  : i32 {
        %broadcast_in_dim3A = arith.constant -3.000000e+38 : f32
        %broadcast_in_dim3A_38 = vector.broadcast %broadcast_in_dim3A : f32 to vector<16xf32>
        %swap3A = arith.index_cast %scan3A_36 : i32 to index
        %swap3A_39 = arith.constant 0 : index
        %swap3A_40 = tpu.vector_load %arg6[%swap3A, %swap3A_39] {strides = array<i32>} : memref<32x16xf32, #tpu.memory_space<vmem>>, vector<1x16xf32>,
        %swap3A_41 = vector.shape_cast %swap3A_40 : vector<1x16xf32> to vector<16xf32>
        %swap3A_42 = vector.shape_cast %broadcast_in_dim3A_38 : vector<16xf32> to vector<1x16xf32>
        tpu.vector_store %arg6[%swap3A, %swap3A_39], %swap3A_42 {strides = array<i32>} : memref<32x16xf32, #tpu.memory_space<vmem>>, vector<1x16xf32>,
        %broadcast_in_dim3A_43 = arith.constant 0 : i32
        %broadcast_in_dim3A_44 = vector.broadcast %broadcast_in_dim3A_43 : i32 to vector<16xi32>
        %swap3A_45 = arith.index_cast %scan3A_36 : i32 to index
        %swap3A_46 = arith.constant 0 : index
        %swap3A_47 = tpu.vector_load %arg7[%swap3A_45, %swap3A_46] {strides = array<i32>} : memref<32x16xi32, #tpu.memory_space<vmem>>, vector<1x16xi32>,
        %swap3A_48 = vector.shape_cast %swap3A_47 : vector<1x16xi32> to vector<16xi32>
        %swap3A_49 = vector.shape_cast %broadcast_in_dim3A_44 : vector<16xi32> to vector<1x16xi32>
        tpu.vector_store %arg7[%swap3A_45, %swap3A_46], %swap3A_49 {strides = array<i32>} : memref<32x16xi32, #tpu.memory_space<vmem>>, vector<1x16xi32>,
        %scan3A_50 = arith.constant 0 : i32
        scf.yield %scan3A_50 : i32
      }
      %scan3A_23 = arith.constant 32 : i32
      %scan3A_24 = arith.constant 0 : i32
      %scan3A_25 = arith.constant 0 : i32
      %scan3A_26 = arith.constant 4 : i32
      %scan3A_27 = arith.addi %scan3A_25, %scan3A_26 : i32
      %scan3A_28 = arith.constant 1 : i32
      %scan3A_29 = scf.for %scan3A_36 = %scan3A_25 to %scan3A_27 step %scan3A_28 iter_args(%scan3A_37 = %scan3A_24) -> (i32)  : i32 {
        "tpu.region"() ({
          %run_scoped3A = tpu.sem_alloc : memref<!tpu.dma_semaphore, #tpu.memory_space<semaphore_mem>>
          %dma_start3A = arith.constant 0 : i32
          %dma_start3A_48 = tpu.memref_slice %arg2[%scan3A_7, %scan3A_36, %dma_start3A] : memref<13x4x65536xf32, #tpu.memory_space<hbm>> -> memref<1x1x65536xf32, #tpu.memory_space<hbm>>
          %dma_start3A_49 = tpu.memref_squeeze %dma_start3A_48 : memref<1x1x65536xf32, #tpu.memory_space<hbm>> -> memref<65536xf32, #tpu.memory_space<hbm>>
          %dma_start3A_50 = arith.constant 0 : i32
          %dma_start3A_51 = tpu.memref_slice %arg2[%scan3A_7, %scan3A_36, %dma_start3A_50] : memref<13x4x65536xf32, #tpu.memory_space<hbm>> -> memref<1x1x65536xf32, #tpu.memory_space<hbm>>
          %dma_start3A_52 = tpu.memref_squeeze %dma_start3A_51 : memref<1x1x65536xf32, #tpu.memory_space<hbm>> -> memref<65536xf32, #tpu.memory_space<hbm>>
          tpu.enqueue_dma source(%dma_start3A_52 : memref<65536xf32, #tpu.memory_space<hbm>>) target(%arg5 : memref<65536xf32, #tpu.memory_space<vmem>>) target_semaphore(%run_scoped3A : memref<!tpu.dma_semaphore, #tpu.memory_space<semaphore_mem>>)
          %dma_wait3A = arith.constant 0 : i32
          %dma_wait3A_53 = tpu.memref_slice %arg2[%scan3A_7, %scan3A_36, %dma_wait3A] : memref<13x4x65536xf32, #tpu.memory_space<hbm>> -> memref<1x1x65536xf32, #tpu.memory_space<hbm>>
          %dma_wait3A_54 = tpu.memref_squeeze %dma_wait3A_53 : memref<1x1x65536xf32, #tpu.memory_space<hbm>> -> memref<65536xf32, #tpu.memory_space<hbm>>
          %dma_wait3A_55 = arith.constant 0 : i32
          %dma_wait3A_56 = tpu.memref_slice %arg2[%scan3A_7, %scan3A_36, %dma_wait3A_55] : memref<13x4x65536xf32, #tpu.memory_space<hbm>> -> memref<1x1x65536xf32, #tpu.memory_space<hbm>>
          %dma_wait3A_57 = tpu.memref_squeeze %dma_wait3A_56 : memref<1x1x65536xf32, #tpu.memory_space<hbm>> -> memref<65536xf32, #tpu.memory_space<hbm>>
          tpu.wait_dma2 semaphore(%run_scoped3A : memref<!tpu.dma_semaphore, #tpu.memory_space<semaphore_mem>>) src(%dma_wait3A_57 : memref<65536xf32, #tpu.memory_space<hbm>>) dst(%arg5 : memref<65536xf32, #tpu.memory_space<vmem>>)
          tpu.yield
        }) : () -> ()
        %mul3A_38 = arith.constant 65536 : i32
        %mul3A_39 = arith.muli %scan3A_36, %mul3A_38 : i32
        %scan3A_40 = arith.constant 0 : i32
        %scan3A_41 = arith.constant 0 : i32
        %scan3A_42 = arith.constant 32 : i32
        %scan3A_43 = arith.addi %scan3A_41, %scan3A_42 : i32
        %scan3A_44 = arith.constant 1 : i32
        %scan3A_45 = scf.for %scan3A_48 = %scan3A_41 to %scan3A_43 step %scan3A_44 iter_args(%scan3A_49 = %scan3A_40) -> (i32)  : i32 {
          %mul3A_50 = arith.constant 32 : i32
          %mul3A_51 = arith.muli %add3A, %mul3A_50 : i32
          %add3A_52 = arith.addi %mul3A_51, %scan3A_48 : i32
          %add3A_53 = arith.addi %mul3A_16, %add3A_52 : i32
          %shift_left3A = arith.constant 18 : i32
          %shift_left3A_54 = arith.shli %add3A_53, %shift_left3A : i32
          %add3A_55 = arith.constant 1853169794 : i32
          %add3A_56 = arith.addi %shift_left3A_54, %add3A_55 : i32
          %add3A_57 = arith.addi %add3A_56, %mul3A_39 : i32
          %add3A_58 = vector.broadcast %add3A_57 : i32 to vector<16xi32>
          %add3A_59 = arith.addi %add3A_58, %iota3A : vector<16xi32>
          %get3A = arith.index_cast %scan3A_48 : i32 to index
          %get3A_60 = arith.constant 0 : index
          %get3A_61 = tpu.vector_load %arg6[%get3A, %get3A_60] {strides = array<i32>} : memref<32x16xf32, #tpu.memory_space<vmem>>, vector<1x16xf32>,
          %get3A_62 = vector.shape_cast %get3A_61 : vector<1x16xf32> to vector<16xf32>
          %get3A_63 = arith.index_cast %scan3A_48 : i32 to index
          %get3A_64 = arith.constant 0 : index
          %get3A_65 = tpu.vector_load %arg7[%get3A_63, %get3A_64] {strides = array<i32>} : memref<32x16xi32, #tpu.memory_space<vmem>>, vector<1x16xi32>,
          %get3A_66 = vector.shape_cast %get3A_65 : vector<1x16xi32> to vector<16xi32>
          %scan3A_67 = arith.constant 0 : i32
          %scan3A_68 = arith.constant 4096 : i32
          %scan3A_69 = arith.addi %scan3A_67, %scan3A_68 : i32
          %scan3A_70 = arith.constant 1 : i32
          %scan3A_71:2 = scf.for %scan3A_83 = %scan3A_67 to %scan3A_69 step %scan3A_70 iter_args(%scan3A_84 = %get3A_62, %scan3A_85 = %get3A_66) -> (vector<16xf32>, vector<16xi32>)  : i32 {
            %mul3A_86 = arith.constant 16 : i32
            %mul3A_87 = arith.muli %scan3A_83, %mul3A_86 : i32
            %add3A_88 = vector.broadcast %mul3A_87 : i32 to vector<16xi32>
            %add3A_89 = arith.addi %add3A_59, %add3A_88 : vector<16xi32>
            %add3A_90 = vector.broadcast %add3A_13 : i32 to vector<16xi32>
            %add3A_91 = arith.addi %add3A_90, %add3A_89 : vector<16xi32>
            %shift_left3A_92 = arith.constant 13 : i32
            %shift_left3A_93 = vector.broadcast %shift_left3A_92 : i32 to vector<16xi32>
            %shift_left3A_94 = arith.shli %add3A_89, %shift_left3A_93 : vector<16xi32>
            %shift_right_logical3A_95 = arith.constant 19 : i32
            %shift_right_logical3A_96 = vector.broadcast %shift_right_logical3A_95 : i32 to vector<16xi32>
            %shift_right_logical3A_97 = arith.shrui %add3A_89, %shift_right_logical3A_96 : vector<16xi32>
            %or3A = arith.ori %shift_left3A_94, %shift_right_logical3A_97 : vector<16xi32>
            %xor3A = arith.xori %or3A, %add3A_91 : vector<16xi32>
            %add3A_98 = arith.addi %add3A_91, %xor3A : vector<16xi32>
            %shift_left3A_99 = arith.constant 15 : i32
            %shift_left3A_100 = vector.broadcast %shift_left3A_99 : i32 to vector<16xi32>
            %shift_left3A_101 = arith.shli %xor3A, %shift_left3A_100 : vector<16xi32>
            %shift_right_logical3A_102 = arith.constant 17 : i32
            %shift_right_logical3A_103 = vector.broadcast %shift_right_logical3A_102 : i32 to vector<16xi32>
            %shift_right_logical3A_104 = arith.shrui %xor3A, %shift_right_logical3A_103 : vector<16xi32>
            %or3A_105 = arith.ori %shift_left3A_101, %shift_right_logical3A_104 : vector<16xi32>
            %xor3A_106 = arith.xori %or3A_105, %add3A_98 : vector<16xi32>
            %add3A_107 = arith.addi %add3A_98, %xor3A_106 : vector<16xi32>
            %shift_left3A_108 = arith.constant 26 : i32
            %shift_left3A_109 = vector.broadcast %shift_left3A_108 : i32 to vector<16xi32>
            %shift_left3A_110 = arith.shli %xor3A_106, %shift_left3A_109 : vector<16xi32>
            %shift_right_logical3A_111 = arith.constant 6 : i32
            %shift_right_logical3A_112 = vector.broadcast %shift_right_logical3A_111 : i32 to vector<16xi32>
            %shift_right_logical3A_113 = arith.shrui %xor3A_106, %shift_right_logical3A_112 : vector<16xi32>
            %or3A_114 = arith.ori %shift_left3A_110, %shift_right_logical3A_113 : vector<16xi32>
            %xor3A_115 = arith.xori %or3A_114, %add3A_107 : vector<16xi32>
            %add3A_116 = arith.addi %add3A_107, %xor3A_115 : vector<16xi32>
            %shift_left3A_117 = arith.constant 6 : i32
            %shift_left3A_118 = vector.broadcast %shift_left3A_117 : i32 to vector<16xi32>
            %shift_left3A_119 = arith.shli %xor3A_115, %shift_left3A_118 : vector<16xi32>
            %shift_right_logical3A_120 = arith.constant 26 : i32
            %shift_right_logical3A_121 = vector.broadcast %shift_right_logical3A_120 : i32 to vector<16xi32>
            %shift_right_logical3A_122 = arith.shrui %xor3A_115, %shift_right_logical3A_121 : vector<16xi32>
            %or3A_123 = arith.ori %shift_left3A_119, %shift_right_logical3A_122 : vector<16xi32>
            %xor3A_124 = arith.xori %or3A_123, %add3A_116 : vector<16xi32>
            %add3A_125 = arith.constant 1853169794 : i32
            %add3A_126 = vector.broadcast %add3A_125 : i32 to vector<16xi32>
            %add3A_127 = arith.addi %add3A_116, %add3A_126 : vector<16xi32>
            %add3A_128 = arith.constant 1805329262 : i32
            %add3A_129 = vector.broadcast %add3A_128 : i32 to vector<16xi32>
            %add3A_130 = arith.addi %xor3A_124, %add3A_129 : vector<16xi32>
            %add3A_131 = arith.addi %add3A_127, %add3A_130 : vector<16xi32>
            %shift_left3A_132 = arith.constant 17 : i32
            %shift_left3A_133 = vector.broadcast %shift_left3A_132 : i32 to vector<16xi32>
            %shift_left3A_134 = arith.shli %add3A_130, %shift_left3A_133 : vector<16xi32>
            %shift_right_logical3A_135 = arith.constant 15 : i32
            %shift_right_logical3A_136 = vector.broadcast %shift_right_logical3A_135 : i32 to vector<16xi32>
            %shift_right_logical3A_137 = arith.shrui %add3A_130, %shift_right_logical3A_136 : vector<16xi32>
            %or3A_138 = arith.ori %shift_left3A_134, %shift_right_logical3A_137 : vector<16xi32>
            %xor3A_139 = arith.xori %or3A_138, %add3A_131 : vector<16xi32>
            %add3A_140 = arith.addi %add3A_131, %xor3A_139 : vector<16xi32>
            %shift_left3A_141 = arith.constant 29 : i32
            %shift_left3A_142 = vector.broadcast %shift_left3A_141 : i32 to vector<16xi32>
            %shift_left3A_143 = arith.shli %xor3A_139, %shift_left3A_142 : vector<16xi32>
            %shift_right_logical3A_144 = arith.constant 3 : i32
            %shift_right_logical3A_145 = vector.broadcast %shift_right_logical3A_144 : i32 to vector<16xi32>
            %shift_right_logical3A_146 = arith.shrui %xor3A_139, %shift_right_logical3A_145 : vector<16xi32>
            %or3A_147 = arith.ori %shift_left3A_143, %shift_right_logical3A_146 : vector<16xi32>
            %xor3A_148 = arith.xori %or3A_147, %add3A_140 : vector<16xi32>
            %add3A_149 = arith.addi %add3A_140, %xor3A_148 : vector<16xi32>
            %shift_left3A_150 = arith.constant 16 : i32
            %shift_left3A_151 = vector.broadcast %shift_left3A_150 : i32 to vector<16xi32>
            %shift_left3A_152 = arith.shli %xor3A_148, %shift_left3A_151 : vector<16xi32>
            %shift_right_logical3A_153 = arith.constant 16 : i32
            %shift_right_logical3A_154 = vector.broadcast %shift_right_logical3A_153 : i32 to vector<16xi32>
            %shift_right_logical3A_155 = arith.shrui %xor3A_148, %shift_right_logical3A_154 : vector<16xi32>
            %or3A_156 = arith.ori %shift_left3A_152, %shift_right_logical3A_155 : vector<16xi32>
            %xor3A_157 = arith.xori %or3A_156, %add3A_149 : vector<16xi32>
            %add3A_158 = arith.addi %add3A_149, %xor3A_157 : vector<16xi32>
            %shift_left3A_159 = arith.constant 24 : i32
            %shift_left3A_160 = vector.broadcast %shift_left3A_159 : i32 to vector<16xi32>
            %shift_left3A_161 = arith.shli %xor3A_157, %shift_left3A_160 : vector<16xi32>
            %shift_right_logical3A_162 = arith.constant 8 : i32
            %shift_right_logical3A_163 = vector.broadcast %shift_right_logical3A_162 : i32 to vector<16xi32>
            %shift_right_logical3A_164 = arith.shrui %xor3A_157, %shift_right_logical3A_163 : vector<16xi32>
            %or3A_165 = arith.ori %shift_left3A_161, %shift_right_logical3A_164 : vector<16xi32>
            %xor3A_166 = arith.xori %or3A_165, %add3A_158 : vector<16xi32>
            %add3A_167 = arith.constant 1805329261 : i32
            %add3A_168 = vector.broadcast %add3A_167 : i32 to vector<16xi32>
            %add3A_169 = arith.addi %add3A_158, %add3A_168 : vector<16xi32>
            %add3A_170 = arith.constant 507451447 : i32
            %add3A_171 = vector.broadcast %add3A_170 : i32 to vector<16xi32>
            %add3A_172 = arith.addi %xor3A_166, %add3A_171 : vector<16xi32>
            %add3A_173 = arith.addi %add3A_169, %add3A_172 : vector<16xi32>
            %shift_left3A_174 = arith.constant 13 : i32
            %shift_left3A_175 = vector.broadcast %shift_left3A_174 : i32 to vector<16xi32>
            %shift_left3A_176 = arith.shli %add3A_172, %shift_left3A_175 : vector<16xi32>
            %shift_right_logical3A_177 = arith.constant 19 : i32
            %shift_right_logical3A_178 = vector.broadcast %shift_right_logical3A_177 : i32 to vector<16xi32>
            %shift_right_logical3A_179 = arith.shrui %add3A_172, %shift_right_logical3A_178 : vector<16xi32>
            %or3A_180 = arith.ori %shift_left3A_176, %shift_right_logical3A_179 : vector<16xi32>
            %xor3A_181 = arith.xori %or3A_180, %add3A_173 : vector<16xi32>
            %add3A_182 = arith.addi %add3A_173, %xor3A_181 : vector<16xi32>
            %shift_left3A_183 = arith.constant 15 : i32
            %shift_left3A_184 = vector.broadcast %shift_left3A_183 : i32 to vector<16xi32>
            %shift_left3A_185 = arith.shli %xor3A_181, %shift_left3A_184 : vector<16xi32>
            %shift_right_logical3A_186 = arith.constant 17 : i32
            %shift_right_logical3A_187 = vector.broadcast %shift_right_logical3A_186 : i32 to vector<16xi32>
            %shift_right_logical3A_188 = arith.shrui %xor3A_181, %shift_right_logical3A_187 : vector<16xi32>
            %or3A_189 = arith.ori %shift_left3A_185, %shift_right_logical3A_188 : vector<16xi32>
            %xor3A_190 = arith.xori %or3A_189, %add3A_182 : vector<16xi32>
            %add3A_191 = arith.addi %add3A_182, %xor3A_190 : vector<16xi32>
            %shift_left3A_192 = arith.constant 26 : i32
            %shift_left3A_193 = vector.broadcast %shift_left3A_192 : i32 to vector<16xi32>
            %shift_left3A_194 = arith.shli %xor3A_190, %shift_left3A_193 : vector<16xi32>
            %shift_right_logical3A_195 = arith.constant 6 : i32
            %shift_right_logical3A_196 = vector.broadcast %shift_right_logical3A_195 : i32 to vector<16xi32>
            %shift_right_logical3A_197 = arith.shrui %xor3A_190, %shift_right_logical3A_196 : vector<16xi32>
            %or3A_198 = arith.ori %shift_left3A_194, %shift_right_logical3A_197 : vector<16xi32>
            %xor3A_199 = arith.xori %or3A_198, %add3A_191 : vector<16xi32>
            %add3A_200 = arith.addi %add3A_191, %xor3A_199 : vector<16xi32>
            %shift_left3A_201 = arith.constant 6 : i32
            %shift_left3A_202 = vector.broadcast %shift_left3A_201 : i32 to vector<16xi32>
            %shift_left3A_203 = arith.shli %xor3A_199, %shift_left3A_202 : vector<16xi32>
            %shift_right_logical3A_204 = arith.constant 26 : i32
            %shift_right_logical3A_205 = vector.broadcast %shift_right_logical3A_204 : i32 to vector<16xi32>
            %shift_right_logical3A_206 = arith.shrui %xor3A_199, %shift_right_logical3A_205 : vector<16xi32>
            %or3A_207 = arith.ori %shift_left3A_203, %shift_right_logical3A_206 : vector<16xi32>
            %xor3A_208 = arith.xori %or3A_207, %add3A_200 : vector<16xi32>
            %add3A_209 = arith.constant 507451445 : i32
            %add3A_210 = vector.broadcast %add3A_209 : i32 to vector<16xi32>
            %add3A_211 = arith.addi %add3A_200, %add3A_210 : vector<16xi32>
            %add3A_212 = arith.constant 1853169797 : i32
            %add3A_213 = vector.broadcast %add3A_212 : i32 to vector<16xi32>
            %add3A_214 = arith.addi %xor3A_208, %add3A_213 : vector<16xi32>
            %add3A_215 = arith.addi %add3A_211, %add3A_214 : vector<16xi32>
            %shift_left3A_216 = arith.constant 17 : i32
            %shift_left3A_217 = vector.broadcast %shift_left3A_216 : i32 to vector<16xi32>
            %shift_left3A_218 = arith.shli %add3A_214, %shift_left3A_217 : vector<16xi32>
            %shift_right_logical3A_219 = arith.constant 15 : i32
            %shift_right_logical3A_220 = vector.broadcast %shift_right_logical3A_219 : i32 to vector<16xi32>
            %shift_right_logical3A_221 = arith.shrui %add3A_214, %shift_right_logical3A_220 : vector<16xi32>
            %or3A_222 = arith.ori %shift_left3A_218, %shift_right_logical3A_221 : vector<16xi32>
            %xor3A_223 = arith.xori %or3A_222, %add3A_215 : vector<16xi32>
            %add3A_224 = arith.addi %add3A_215, %xor3A_223 : vector<16xi32>
            %shift_left3A_225 = arith.constant 29 : i32
            %shift_left3A_226 = vector.broadcast %shift_left3A_225 : i32 to vector<16xi32>
            %shift_left3A_227 = arith.shli %xor3A_223, %shift_left3A_226 : vector<16xi32>
            %shift_right_logical3A_228 = arith.constant 3 : i32
            %shift_right_logical3A_229 = vector.broadcast %shift_right_logical3A_228 : i32 to vector<16xi32>
            %shift_right_logical3A_230 = arith.shrui %xor3A_223, %shift_right_logical3A_229 : vector<16xi32>
            %or3A_231 = arith.ori %shift_left3A_227, %shift_right_logical3A_230 : vector<16xi32>
            %xor3A_232 = arith.xori %or3A_231, %add3A_224 : vector<16xi32>
            %add3A_233 = arith.addi %add3A_224, %xor3A_232 : vector<16xi32>
            %shift_left3A_234 = arith.constant 16 : i32
            %shift_left3A_235 = vector.broadcast %shift_left3A_234 : i32 to vector<16xi32>
            %shift_left3A_236 = arith.shli %xor3A_232, %shift_left3A_235 : vector<16xi32>
            %shift_right_logical3A_237 = arith.constant 16 : i32
            %shift_right_logical3A_238 = vector.broadcast %shift_right_logical3A_237 : i32 to vector<16xi32>
            %shift_right_logical3A_239 = arith.shrui %xor3A_232, %shift_right_logical3A_238 : vector<16xi32>
            %or3A_240 = arith.ori %shift_left3A_236, %shift_right_logical3A_239 : vector<16xi32>
            %xor3A_241 = arith.xori %or3A_240, %add3A_233 : vector<16xi32>
            %add3A_242 = arith.addi %add3A_233, %xor3A_241 : vector<16xi32>
            %shift_left3A_243 = arith.constant 24 : i32
            %shift_left3A_244 = vector.broadcast %shift_left3A_243 : i32 to vector<16xi32>
            %shift_left3A_245 = arith.shli %xor3A_241, %shift_left3A_244 : vector<16xi32>
            %shift_right_logical3A_246 = arith.constant 8 : i32
            %shift_right_logical3A_247 = vector.broadcast %shift_right_logical3A_246 : i32 to vector<16xi32>
            %shift_right_logical3A_248 = arith.shrui %xor3A_241, %shift_right_logical3A_247 : vector<16xi32>
            %or3A_249 = arith.ori %shift_left3A_245, %shift_right_logical3A_248 : vector<16xi32>
            %xor3A_250 = arith.xori %or3A_249, %add3A_242 : vector<16xi32>
            %add3A_251 = arith.constant 1853169794 : i32
            %add3A_252 = vector.broadcast %add3A_251 : i32 to vector<16xi32>
            %add3A_253 = arith.addi %add3A_242, %add3A_252 : vector<16xi32>
            %add3A_254 = arith.constant 1805329265 : i32
            %add3A_255 = vector.broadcast %add3A_254 : i32 to vector<16xi32>
            %add3A_256 = arith.addi %xor3A_250, %add3A_255 : vector<16xi32>
            %add3A_257 = arith.addi %add3A_253, %add3A_256 : vector<16xi32>
            %shift_left3A_258 = arith.constant 13 : i32
            %shift_left3A_259 = vector.broadcast %shift_left3A_258 : i32 to vector<16xi32>
            %shift_left3A_260 = arith.shli %add3A_256, %shift_left3A_259 : vector<16xi32>
            %shift_right_logical3A_261 = arith.constant 19 : i32
            %shift_right_logical3A_262 = vector.broadcast %shift_right_logical3A_261 : i32 to vector<16xi32>
            %shift_right_logical3A_263 = arith.shrui %add3A_256, %shift_right_logical3A_262 : vector<16xi32>
            %or3A_264 = arith.ori %shift_left3A_260, %shift_right_logical3A_263 : vector<16xi32>
            %xor3A_265 = arith.xori %or3A_264, %add3A_257 : vector<16xi32>
            %add3A_266 = arith.addi %add3A_257, %xor3A_265 : vector<16xi32>
            %shift_left3A_267 = arith.constant 15 : i32
            %shift_left3A_268 = vector.broadcast %shift_left3A_267 : i32 to vector<16xi32>
            %shift_left3A_269 = arith.shli %xor3A_265, %shift_left3A_268 : vector<16xi32>
            %shift_right_logical3A_270 = arith.constant 17 : i32
            %shift_right_logical3A_271 = vector.broadcast %shift_right_logical3A_270 : i32 to vector<16xi32>
            %shift_right_logical3A_272 = arith.shrui %xor3A_265, %shift_right_logical3A_271 : vector<16xi32>
            %or3A_273 = arith.ori %shift_left3A_269, %shift_right_logical3A_272 : vector<16xi32>
            %xor3A_274 = arith.xori %or3A_273, %add3A_266 : vector<16xi32>
            %add3A_275 = arith.addi %add3A_266, %xor3A_274 : vector<16xi32>
            %shift_left3A_276 = arith.constant 26 : i32
            %shift_left3A_277 = vector.broadcast %shift_left3A_276 : i32 to vector<16xi32>
            %shift_left3A_278 = arith.shli %xor3A_274, %shift_left3A_277 : vector<16xi32>
            %shift_right_logical3A_279 = arith.constant 6 : i32
            %shift_right_logical3A_280 = vector.broadcast %shift_right_logical3A_279 : i32 to vector<16xi32>
            %shift_right_logical3A_281 = arith.shrui %xor3A_274, %shift_right_logical3A_280 : vector<16xi32>
            %or3A_282 = arith.ori %shift_left3A_278, %shift_right_logical3A_281 : vector<16xi32>
            %xor3A_283 = arith.xori %or3A_282, %add3A_275 : vector<16xi32>
            %add3A_284 = arith.addi %add3A_275, %xor3A_283 : vector<16xi32>
            %shift_left3A_285 = arith.constant 6 : i32
            %shift_left3A_286 = vector.broadcast %shift_left3A_285 : i32 to vector<16xi32>
            %shift_left3A_287 = arith.shli %xor3A_283, %shift_left3A_286 : vector<16xi32>
            %shift_right_logical3A_288 = arith.constant 26 : i32
            %shift_right_logical3A_289 = vector.broadcast %shift_right_logical3A_288 : i32 to vector<16xi32>
            %shift_right_logical3A_290 = arith.shrui %xor3A_283, %shift_right_logical3A_289 : vector<16xi32>
            %or3A_291 = arith.ori %shift_left3A_287, %shift_right_logical3A_290 : vector<16xi32>
            %xor3A_292 = arith.xori %or3A_291, %add3A_284 : vector<16xi32>
            %add3A_293 = arith.constant 1805329261 : i32
            %add3A_294 = vector.broadcast %add3A_293 : i32 to vector<16xi32>
            %add3A_295 = arith.addi %add3A_284, %add3A_294 : vector<16xi32>
            %add3A_296 = arith.constant 507451450 : i32
            %add3A_297 = vector.broadcast %add3A_296 : i32 to vector<16xi32>
            %add3A_298 = arith.addi %xor3A_292, %add3A_297 : vector<16xi32>
            %xor3A_299 = arith.xori %add3A_295, %add3A_298 : vector<16xi32>
            %shift_right_logical3A_300 = arith.constant 9 : i32
            %shift_right_logical3A_301 = vector.broadcast %shift_right_logical3A_300 : i32 to vector<16xi32>
            %shift_right_logical3A_302 = arith.shrui %xor3A_299, %shift_right_logical3A_301 : vector<16xi32>
            %bitcast_convert_type3A = tpu.bitcast %shift_right_logical3A_302 : vector<16xi32> -> vector<16xi32>
            %convert_element_type3A = arith.sitofp %bitcast_convert_type3A : vector<16xi32> to vector<16xf32>
            %mul3A_303 = arith.constant 1.1920929E-7 : f32
            %mul3A_304 = vector.broadcast %mul3A_303 : f32 to vector<16xf32>
            %mul3A_305 = arith.mulf %convert_element_type3A, %mul3A_304 : vector<16xf32>
            %bitcast_convert_type3A_306 = tpu.bitcast %mul3A_305 : vector<16xf32> -> vector<16xi32>
            %shift_right_arithmetic3A = arith.constant 23 : i32
            %shift_right_arithmetic3A_307 = vector.broadcast %shift_right_arithmetic3A : i32 to vector<16xi32>
            %shift_right_arithmetic3A_308 = arith.shrsi %bitcast_convert_type3A_306, %shift_right_arithmetic3A_307 : vector<16xi32>
            %sub3A = arith.constant 127 : i32
            %sub3A_309 = vector.broadcast %sub3A : i32 to vector<16xi32>
            %sub3A_310 = arith.subi %shift_right_arithmetic3A_308, %sub3A_309 : vector<16xi32>
            %and3A_311 = arith.constant 8388607 : i32
            %and3A_312 = vector.broadcast %and3A_311 : i32 to vector<16xi32>
            %and3A_313 = arith.andi %bitcast_convert_type3A_306, %and3A_312 : vector<16xi32>
            %or3A_314 = arith.constant 1065353216 : i32
            %or3A_315 = vector.broadcast %or3A_314 : i32 to vector<16xi32>
            %or3A_316 = arith.ori %and3A_313, %or3A_315 : vector<16xi32>
            %bitcast_convert_type3A_317 = tpu.bitcast %or3A_316 : vector<16xi32> -> vector<16xf32>
            %gt3A = arith.constant 1.41421354 : f32
            %gt3A_318 = vector.broadcast %gt3A : f32 to vector<16xf32>
            %gt3A_319 = arith.cmpf ogt, %bitcast_convert_type3A_317, %gt3A_318 : vector<16xf32>
            %mul3A_320 = arith.constant 5.000000e-01 : f32
            %mul3A_321 = vector.broadcast %mul3A_320 : f32 to vector<16xf32>
            %mul3A_322 = arith.mulf %bitcast_convert_type3A_317, %mul3A_321 : vector<16xf32>
            %select_n3A = arith.select %gt3A_319, %mul3A_322, %bitcast_convert_type3A_317 : vector<16xi1>, vector<16xf32>
            %add3A_323 = arith.constant 1 : i32
            %add3A_324 = vector.broadcast %add3A_323 : i32 to vector<16xi32>
            %add3A_325 = arith.addi %sub3A_310, %add3A_324 : vector<16xi32>
            %select_n3A_326 = arith.select %gt3A_319, %add3A_325, %sub3A_310 : vector<16xi1>, vector<16xi32>
            %sub3A_327 = arith.constant 1.000000e+00 : f32
            %sub3A_328 = vector.broadcast %sub3A_327 : f32 to vector<16xf32>
            %sub3A_329 = arith.subf %select_n3A, %sub3A_328 : vector<16xf32>
            %mul3A_330 = arith.constant 0.0665206686 : f32
            %mul3A_331 = vector.broadcast %mul3A_330 : f32 to vector<16xf32>
            %mul3A_332 = arith.mulf %mul3A_331, %sub3A_329 : vector<16xf32>
            %add3A_333 = arith.constant -0.115749583 : f32
            %add3A_334 = vector.broadcast %add3A_333 : f32 to vector<16xf32>
            %add3A_335 = arith.addf %mul3A_332, %add3A_334 : vector<16xf32>
            %mul3A_336 = arith.mulf %add3A_335, %sub3A_329 : vector<16xf32>
            %add3A_337 = arith.constant 0.118807763 : f32
            %add3A_338 = vector.broadcast %add3A_337 : f32 to vector<16xf32>
            %add3A_339 = arith.addf %mul3A_336, %add3A_338 : vector<16xf32>
            %mul3A_340 = arith.mulf %add3A_339, %sub3A_329 : vector<16xf32>
            %add3A_341 = arith.constant -0.124214336 : f32
            %add3A_342 = vector.broadcast %add3A_341 : f32 to vector<16xf32>
            %add3A_343 = arith.addf %mul3A_340, %add3A_342 : vector<16xf32>
            %mul3A_344 = arith.mulf %add3A_343, %sub3A_329 : vector<16xf32>
            %add3A_345 = arith.constant 0.142213494 : f32
            %add3A_346 = vector.broadcast %add3A_345 : f32 to vector<16xf32>
            %add3A_347 = arith.addf %mul3A_344, %add3A_346 : vector<16xf32>
            %mul3A_348 = arith.mulf %add3A_347, %sub3A_329 : vector<16xf32>
            %add3A_349 = arith.constant -0.166670725 : f32
            %add3A_350 = vector.broadcast %add3A_349 : f32 to vector<16xf32>
            %add3A_351 = arith.addf %mul3A_348, %add3A_350 : vector<16xf32>
            %mul3A_352 = arith.mulf %add3A_351, %sub3A_329 : vector<16xf32>
            %add3A_353 = arith.constant 0.200021014 : f32
            %add3A_354 = vector.broadcast %add3A_353 : f32 to vector<16xf32>
            %add3A_355 = arith.addf %mul3A_352, %add3A_354 : vector<16xf32>
            %mul3A_356 = arith.mulf %add3A_355, %sub3A_329 : vector<16xf32>
            %add3A_357 = arith.constant -0.250000358 : f32
            %add3A_358 = vector.broadcast %add3A_357 : f32 to vector<16xf32>
            %add3A_359 = arith.addf %mul3A_356, %add3A_358 : vector<16xf32>
            %mul3A_360 = arith.mulf %add3A_359, %sub3A_329 : vector<16xf32>
            %add3A_361 = arith.constant 0.333333105 : f32
            %add3A_362 = vector.broadcast %add3A_361 : f32 to vector<16xf32>
            %add3A_363 = arith.addf %mul3A_360, %add3A_362 : vector<16xf32>
            %mul3A_364 = arith.mulf %add3A_363, %sub3A_329 : vector<16xf32>
            %add3A_365 = arith.constant -5.000000e-01 : f32
            %add3A_366 = vector.broadcast %add3A_365 : f32 to vector<16xf32>
            %add3A_367 = arith.addf %mul3A_364, %add3A_366 : vector<16xf32>
            %mul3A_368 = arith.mulf %add3A_367, %sub3A_329 : vector<16xf32>
            %add3A_369 = arith.constant 1.000000e+00 : f32
            %add3A_370 = vector.broadcast %add3A_369 : f32 to vector<16xf32>
            %add3A_371 = arith.addf %mul3A_368, %add3A_370 : vector<16xf32>
            %convert_element_type3A_372 = arith.sitofp %select_n3A_326 : vector<16xi32> to vector<16xf32>
            %mul3A_373 = arith.constant 0.693147182 : f32
            %mul3A_374 = vector.broadcast %mul3A_373 : f32 to vector<16xf32>
            %mul3A_375 = arith.mulf %convert_element_type3A_372, %mul3A_374 : vector<16xf32>
            %mul3A_376 = arith.mulf %sub3A_329, %add3A_371 : vector<16xf32>
            %add3A_377 = arith.addf %mul3A_375, %mul3A_376 : vector<16xf32>
            %mul3A_378 = arith.constant 16 : i32
            %mul3A_379 = arith.muli %scan3A_83, %mul3A_378 : i32
            %get3A_380 = arith.index_cast %mul3A_379 : i32 to index
            %get3A_381 = tpu.vector_load %arg5[%get3A_380] {strides = array<i32>} : memref<65536xf32, #tpu.memory_space<vmem>>, vector<16xf32>,
            %get3A_382 = vector.shape_cast %get3A_381 : vector<16xf32> to vector<16xf32>
            %max3A = arith.constant 9.99999996E-13 : f32
            %max3A_383 = vector.broadcast %max3A : f32 to vector<16xf32>
            %max3A_384 = arith.maximumf %get3A_382, %max3A_383 : vector<16xf32>
            %div3A = arith.divf %add3A_377, %max3A_384 : vector<16xf32>
            %gt3A_385 = arith.cmpf ogt, %div3A, %scan3A_84 : vector<16xf32>
            %mul3A_386 = arith.constant 16 : i32
            %mul3A_387 = arith.muli %scan3A_83, %mul3A_386 : i32
            %add3A_388 = arith.addi %mul3A_39, %mul3A_387 : i32
            %add3A_389 = vector.broadcast %add3A_388 : i32 to vector<16xi32>
            %add3A_390 = arith.addi %iota3A, %add3A_389 : vector<16xi32>
            %max3A_391 = arith.maximumf %div3A, %scan3A_84 : vector<16xf32>
            %select_n3A_392 = arith.select %gt3A_385, %add3A_390, %scan3A_85 : vector<16xi1>, vector<16xi32>
            scf.yield %max3A_391, %select_n3A_392 : vector<16xf32>, vector<16xi32>
          }
          %scan3A_72 = arith.constant 4096 : i32
          %swap3A = arith.index_cast %scan3A_48 : i32 to index
          %swap3A_73 = arith.constant 0 : index
          %swap3A_74 = tpu.vector_load %arg6[%swap3A, %swap3A_73] {strides = array<i32>} : memref<32x16xf32, #tpu.memory_space<vmem>>, vector<1x16xf32>,
          %swap3A_75 = vector.shape_cast %swap3A_74 : vector<1x16xf32> to vector<16xf32>
          %swap3A_76 = vector.shape_cast %scan3A_71#0 : vector<16xf32> to vector<1x16xf32>
          tpu.vector_store %arg6[%swap3A, %swap3A_73], %swap3A_76 {strides = array<i32>} : memref<32x16xf32, #tpu.memory_space<vmem>>, vector<1x16xf32>,
          %swap3A_77 = arith.index_cast %scan3A_48 : i32 to index
          %swap3A_78 = arith.constant 0 : index
          %swap3A_79 = tpu.vector_load %arg7[%swap3A_77, %swap3A_78] {strides = array<i32>} : memref<32x16xi32, #tpu.memory_space<vmem>>, vector<1x16xi32>,
          %swap3A_80 = vector.shape_cast %swap3A_79 : vector<1x16xi32> to vector<16xi32>
          %swap3A_81 = vector.shape_cast %scan3A_71#1 : vector<16xi32> to vector<1x16xi32>
          tpu.vector_store %arg7[%swap3A_77, %swap3A_78], %swap3A_81 {strides = array<i32>} : memref<32x16xi32, #tpu.memory_space<vmem>>, vector<1x16xi32>,
          %scan3A_82 = arith.constant 0 : i32
          scf.yield %scan3A_82 : i32
        }
        %scan3A_46 = arith.constant 32 : i32
        %scan3A_47 = arith.constant 0 : i32
        scf.yield %scan3A_47 : i32
      }
      %scan3A_30 = arith.constant 4 : i32
      %mul3A_31 = arith.constant 32 : i32
      %mul3A_32 = arith.muli %add3A, %mul3A_31 : i32
      "tpu.region"() ({
        %run_scoped3A = tpu.sem_alloc : memref<!tpu.dma_semaphore, #tpu.memory_space<semaphore_mem>>
        %dma_start3A = arith.constant 0 : i32
        %dma_start3A_36 = tpu.memref_slice %arg3[%scan3A_7, %mul3A_32, %dma_start3A] : memref<13x1024x16xf32, #tpu.memory_space<hbm>> -> memref<1x32x16xf32, #tpu.memory_space<hbm>>
        %dma_start3A_37 = tpu.memref_squeeze %dma_start3A_36 : memref<1x32x16xf32, #tpu.memory_space<hbm>> -> memref<32x16xf32, #tpu.memory_space<hbm>>
        %dma_start3A_38 = arith.constant 0 : i32
        %dma_start3A_39 = tpu.memref_slice %arg3[%scan3A_7, %mul3A_32, %dma_start3A_38] : memref<13x1024x16xf32, #tpu.memory_space<hbm>> -> memref<1x32x16xf32, #tpu.memory_space<hbm>>
        %dma_start3A_40 = tpu.memref_squeeze %dma_start3A_39 : memref<1x32x16xf32, #tpu.memory_space<hbm>> -> memref<32x16xf32, #tpu.memory_space<hbm>>
        tpu.enqueue_dma source(%arg6 : memref<32x16xf32, #tpu.memory_space<vmem>>) target(%dma_start3A_40 : memref<32x16xf32, #tpu.memory_space<hbm>>) target_semaphore(%run_scoped3A : memref<!tpu.dma_semaphore, #tpu.memory_space<semaphore_mem>>)
        %dma_wait3A = arith.constant 0 : i32
        %dma_wait3A_41 = tpu.memref_slice %arg3[%scan3A_7, %mul3A_32, %dma_wait3A] : memref<13x1024x16xf32, #tpu.memory_space<hbm>> -> memref<1x32x16xf32, #tpu.memory_space<hbm>>
        %dma_wait3A_42 = tpu.memref_squeeze %dma_wait3A_41 : memref<1x32x16xf32, #tpu.memory_space<hbm>> -> memref<32x16xf32, #tpu.memory_space<hbm>>
        %dma_wait3A_43 = arith.constant 0 : i32
        %dma_wait3A_44 = tpu.memref_slice %arg3[%scan3A_7, %mul3A_32, %dma_wait3A_43] : memref<13x1024x16xf32, #tpu.memory_space<hbm>> -> memref<1x32x16xf32, #tpu.memory_space<hbm>>
        %dma_wait3A_45 = tpu.memref_squeeze %dma_wait3A_44 : memref<1x32x16xf32, #tpu.memory_space<hbm>> -> memref<32x16xf32, #tpu.memory_space<hbm>>
        tpu.wait_dma2 semaphore(%run_scoped3A : memref<!tpu.dma_semaphore, #tpu.memory_space<semaphore_mem>>) src(%arg6 : memref<32x16xf32, #tpu.memory_space<vmem>>) dst(%dma_wait3A_45 : memref<32x16xf32, #tpu.memory_space<hbm>>)
        tpu.yield
      }) : () -> ()
      %mul3A_33 = arith.constant 32 : i32
      %mul3A_34 = arith.muli %add3A, %mul3A_33 : i32
      "tpu.region"() ({
        %run_scoped3A = tpu.sem_alloc : memref<!tpu.dma_semaphore, #tpu.memory_space<semaphore_mem>>
        %dma_start3A = arith.constant 0 : i32
        %dma_start3A_36 = tpu.memref_slice %arg4[%scan3A_7, %mul3A_34, %dma_start3A] : memref<13x1024x16xi32, #tpu.memory_space<hbm>> -> memref<1x32x16xi32, #tpu.memory_space<hbm>>
        %dma_start3A_37 = tpu.memref_squeeze %dma_start3A_36 : memref<1x32x16xi32, #tpu.memory_space<hbm>> -> memref<32x16xi32, #tpu.memory_space<hbm>>
        %dma_start3A_38 = arith.constant 0 : i32
        %dma_start3A_39 = tpu.memref_slice %arg4[%scan3A_7, %mul3A_34, %dma_start3A_38] : memref<13x1024x16xi32, #tpu.memory_space<hbm>> -> memref<1x32x16xi32, #tpu.memory_space<hbm>>
        %dma_start3A_40 = tpu.memref_squeeze %dma_start3A_39 : memref<1x32x16xi32, #tpu.memory_space<hbm>> -> memref<32x16xi32, #tpu.memory_space<hbm>>
        tpu.enqueue_dma source(%arg7 : memref<32x16xi32, #tpu.memory_space<vmem>>) target(%dma_start3A_40 : memref<32x16xi32, #tpu.memory_space<hbm>>) target_semaphore(%run_scoped3A : memref<!tpu.dma_semaphore, #tpu.memory_space<semaphore_mem>>)
        %dma_wait3A = arith.constant 0 : i32
        %dma_wait3A_41 = tpu.memref_slice %arg4[%scan3A_7, %mul3A_34, %dma_wait3A] : memref<13x1024x16xi32, #tpu.memory_space<hbm>> -> memref<1x32x16xi32, #tpu.memory_space<hbm>>
        %dma_wait3A_42 = tpu.memref_squeeze %dma_wait3A_41 : memref<1x32x16xi32, #tpu.memory_space<hbm>> -> memref<32x16xi32, #tpu.memory_space<hbm>>
        %dma_wait3A_43 = arith.constant 0 : i32
        %dma_wait3A_44 = tpu.memref_slice %arg4[%scan3A_7, %mul3A_34, %dma_wait3A_43] : memref<13x1024x16xi32, #tpu.memory_space<hbm>> -> memref<1x32x16xi32, #tpu.memory_space<hbm>>
        %dma_wait3A_45 = tpu.memref_squeeze %dma_wait3A_44 : memref<1x32x16xi32, #tpu.memory_space<hbm>> -> memref<32x16xi32, #tpu.memory_space<hbm>>
        tpu.wait_dma2 semaphore(%run_scoped3A : memref<!tpu.dma_semaphore, #tpu.memory_space<semaphore_mem>>) src(%arg7 : memref<32x16xi32, #tpu.memory_space<vmem>>) dst(%dma_wait3A_45 : memref<32x16xi32, #tpu.memory_space<hbm>>)
        tpu.yield
      }) : () -> ()
      %scan3A_35 = arith.constant 0 : i32
      scf.yield %scan3A_35 : i32
    }
    %scan3A_6 = arith.constant 13 : i32
    return
  }
}

module attributes {stable_mosaic.version = 14 : i64} {
  func.func @_race_body(%arg0: i32, %arg1: memref<1x256x1024xf32, #tpu.memory_space<vmem>>, %arg2: memref<1x128x8xi32, #tpu.memory_space<vmem>>, %arg3: memref<256x1024xf32, #tpu.memory_space<vmem>>) attributes {dimension_semantics = [#tpu.dimension_semantics<parallel>], iteration_bounds = array<i64: 51>, scalar_prefetch = 0 : i64, scratch_operands = 1 : i64, tpu.core_type = #tpu.core_type<tc>, window_params = [{transform_indices = @transform_0, window_bounds = array<i64: 1, 256, 1024>}, {transform_indices = @transform_1, window_bounds = array<i64: 1, 128, 8>}]} {
    %get3A = arith.constant 0 : index
    %get3A_0 = arith.constant 0 : index
    %get3A_1 = arith.constant 0 : index
    %get3A_2 = vector.load %arg1[%get3A, %get3A_0, %get3A_1] : memref<1x256x1024xf32, #tpu.memory_space<vmem>>, vector<1x256x1024xf32>
    %get3A_3 = vector.shape_cast %get3A_2 : vector<1x256x1024xf32> to vector<256x1024xf32>
    %max3A = arith.constant 9.99999996E-13 : f32
    %max3A_4 = vector.broadcast %max3A : f32 to vector<256x1024xf32>
    %max3A_5 = arith.maximumf %get3A_3, %max3A_4 : vector<256x1024xf32>
    %div3A = arith.constant 1.000000e+00 : f32
    %div3A_6 = vector.broadcast %div3A : f32 to vector<256x1024xf32>
    %div3A_7 = arith.divf %div3A_6, %max3A_5 : vector<256x1024xf32>
    %swap3A = arith.constant 0 : index
    %swap3A_8 = arith.constant 0 : index
    %swap3A_9 = vector.load %arg3[%swap3A, %swap3A_8] : memref<256x1024xf32, #tpu.memory_space<vmem>>, vector<256x1024xf32>
    tpu.vector_store %arg3[%swap3A, %swap3A_8], %div3A_7 {strides = array<i32>} : memref<256x1024xf32, #tpu.memory_space<vmem>>, vector<256x1024xf32>,
    %shift_right_logical3A = arith.constant 4 : i32
    %shift_right_logical3A_10 = arith.shrui %arg0, %shift_right_logical3A : i32
    %add3A = arith.constant 507451445 : i32
    %add3A_11 = arith.addi %shift_right_logical3A_10, %add3A : i32
    %and3A = arith.constant 15 : i32
    %and3A_12 = arith.andi %arg0, %and3A : i32
    %mul3A = arith.constant 1024 : i32
    %mul3A_13 = arith.muli %and3A_12, %mul3A : i32
    %shift_left3A = arith.constant 18 : i32
    %shift_left3A_14 = arith.shli %mul3A_13, %shift_left3A : i32
    %iota3A = tpu.iota {dimensions = array<i32: 0>} : vector<8x1024xi32>
    %shift_left3A_15 = arith.constant 18 : i32
    %shift_left3A_16 = vector.broadcast %shift_left3A_15 : i32 to vector<8x1024xi32>
    %shift_left3A_17 = arith.shli %iota3A, %shift_left3A_16 : vector<8x1024xi32>
    %iota3A_18 = tpu.iota {dimensions = array<i32: 1>} : vector<8x1024xi32>
    %or3A = arith.ori %shift_left3A_17, %iota3A_18 : vector<8x1024xi32>
    %iota3A_19 = tpu.iota {dimensions = array<i32: 1>} : vector<8x1024xi32>
    %scan3A = arith.constant 0 : i32
    %scan3A_20 = arith.constant 128 : i32
    %scan3A_21 = arith.addi %scan3A, %scan3A_20 : i32
    %scan3A_22 = arith.constant 1 : i32
    scf.for %scan3A_24 = %scan3A to %scan3A_21 step %scan3A_22  : i32 {
      %mul3A_25 = arith.constant 8 : i32
      %mul3A_26 = arith.muli %scan3A_24, %mul3A_25 : i32
      %shift_left3A_27 = arith.constant 18 : i32
      %shift_left3A_28 = arith.shli %mul3A_26, %shift_left3A_27 : i32
      %add3A_29 = arith.addi %shift_left3A_14, %shift_left3A_28 : i32
      %add3A_30 = arith.constant 1853169794 : i32
      %add3A_31 = arith.addi %add3A_29, %add3A_30 : i32
      %broadcast_in_dim3A = arith.constant 0xFF800000 : f32
      %broadcast_in_dim3A_32 = vector.broadcast %broadcast_in_dim3A : f32 to vector<8x1024xf32>
      %broadcast_in_dim3A_33 = arith.constant 0 : i32
      %broadcast_in_dim3A_34 = vector.broadcast %broadcast_in_dim3A_33 : i32 to vector<8x1024xi32>
      %scan3A_35 = arith.constant 0 : i32
      %scan3A_36 = arith.constant 32 : i32
      %scan3A_37 = arith.addi %scan3A_35, %scan3A_36 : i32
      %scan3A_38 = arith.constant 1 : i32
      %scan3A_39:2 = scf.for %scan3A_56 = %scan3A_35 to %scan3A_37 step %scan3A_38 iter_args(%scan3A_57 = %broadcast_in_dim3A_32, %scan3A_58 = %broadcast_in_dim3A_34) -> (vector<8x1024xf32>, vector<8x1024xi32>)  : i32 {
        %mul3A_59 = arith.constant 8 : i32
        %mul3A_60 = arith.muli %scan3A_56, %mul3A_59 : i32
        %add3A_61 = arith.constant 0 : i32
        %add3A_62 = arith.addi %mul3A_60, %add3A_61 : i32
        %mul3A_63 = arith.constant 1024 : i32
        %mul3A_64 = arith.muli %add3A_62, %mul3A_63 : i32
        %add3A_65 = arith.addi %add3A_31, %mul3A_64 : i32
        %add3A_66 = vector.broadcast %add3A_65 : i32 to vector<8x1024xi32>
        %add3A_67 = arith.addi %or3A, %add3A_66 : vector<8x1024xi32>
        %add3A_68 = vector.broadcast %add3A_11 : i32 to vector<8x1024xi32>
        %add3A_69 = arith.addi %add3A_68, %add3A_67 : vector<8x1024xi32>
        %shift_left3A_70 = arith.constant 13 : i32
        %shift_left3A_71 = vector.broadcast %shift_left3A_70 : i32 to vector<8x1024xi32>
        %shift_left3A_72 = arith.shli %add3A_67, %shift_left3A_71 : vector<8x1024xi32>
        %shift_right_logical3A_73 = arith.constant 19 : i32
        %shift_right_logical3A_74 = vector.broadcast %shift_right_logical3A_73 : i32 to vector<8x1024xi32>
        %shift_right_logical3A_75 = arith.shrui %add3A_67, %shift_right_logical3A_74 : vector<8x1024xi32>
        %or3A_76 = arith.ori %shift_left3A_72, %shift_right_logical3A_75 : vector<8x1024xi32>
        %xor3A = arith.xori %or3A_76, %add3A_69 : vector<8x1024xi32>
        %add3A_77 = arith.addi %add3A_69, %xor3A : vector<8x1024xi32>
        %shift_left3A_78 = arith.constant 15 : i32
        %shift_left3A_79 = vector.broadcast %shift_left3A_78 : i32 to vector<8x1024xi32>
        %shift_left3A_80 = arith.shli %xor3A, %shift_left3A_79 : vector<8x1024xi32>
        %shift_right_logical3A_81 = arith.constant 17 : i32
        %shift_right_logical3A_82 = vector.broadcast %shift_right_logical3A_81 : i32 to vector<8x1024xi32>
        %shift_right_logical3A_83 = arith.shrui %xor3A, %shift_right_logical3A_82 : vector<8x1024xi32>
        %or3A_84 = arith.ori %shift_left3A_80, %shift_right_logical3A_83 : vector<8x1024xi32>
        %xor3A_85 = arith.xori %or3A_84, %add3A_77 : vector<8x1024xi32>
        %add3A_86 = arith.addi %add3A_77, %xor3A_85 : vector<8x1024xi32>
        %shift_left3A_87 = arith.constant 26 : i32
        %shift_left3A_88 = vector.broadcast %shift_left3A_87 : i32 to vector<8x1024xi32>
        %shift_left3A_89 = arith.shli %xor3A_85, %shift_left3A_88 : vector<8x1024xi32>
        %shift_right_logical3A_90 = arith.constant 6 : i32
        %shift_right_logical3A_91 = vector.broadcast %shift_right_logical3A_90 : i32 to vector<8x1024xi32>
        %shift_right_logical3A_92 = arith.shrui %xor3A_85, %shift_right_logical3A_91 : vector<8x1024xi32>
        %or3A_93 = arith.ori %shift_left3A_89, %shift_right_logical3A_92 : vector<8x1024xi32>
        %xor3A_94 = arith.xori %or3A_93, %add3A_86 : vector<8x1024xi32>
        %add3A_95 = arith.addi %add3A_86, %xor3A_94 : vector<8x1024xi32>
        %shift_left3A_96 = arith.constant 6 : i32
        %shift_left3A_97 = vector.broadcast %shift_left3A_96 : i32 to vector<8x1024xi32>
        %shift_left3A_98 = arith.shli %xor3A_94, %shift_left3A_97 : vector<8x1024xi32>
        %shift_right_logical3A_99 = arith.constant 26 : i32
        %shift_right_logical3A_100 = vector.broadcast %shift_right_logical3A_99 : i32 to vector<8x1024xi32>
        %shift_right_logical3A_101 = arith.shrui %xor3A_94, %shift_right_logical3A_100 : vector<8x1024xi32>
        %or3A_102 = arith.ori %shift_left3A_98, %shift_right_logical3A_101 : vector<8x1024xi32>
        %xor3A_103 = arith.xori %or3A_102, %add3A_95 : vector<8x1024xi32>
        %add3A_104 = arith.constant 1853169794 : i32
        %add3A_105 = vector.broadcast %add3A_104 : i32 to vector<8x1024xi32>
        %add3A_106 = arith.addi %add3A_95, %add3A_105 : vector<8x1024xi32>
        %add3A_107 = arith.constant 1805329262 : i32
        %add3A_108 = vector.broadcast %add3A_107 : i32 to vector<8x1024xi32>
        %add3A_109 = arith.addi %xor3A_103, %add3A_108 : vector<8x1024xi32>
        %add3A_110 = arith.addi %add3A_106, %add3A_109 : vector<8x1024xi32>
        %shift_left3A_111 = arith.constant 17 : i32
        %shift_left3A_112 = vector.broadcast %shift_left3A_111 : i32 to vector<8x1024xi32>
        %shift_left3A_113 = arith.shli %add3A_109, %shift_left3A_112 : vector<8x1024xi32>
        %shift_right_logical3A_114 = arith.constant 15 : i32
        %shift_right_logical3A_115 = vector.broadcast %shift_right_logical3A_114 : i32 to vector<8x1024xi32>
        %shift_right_logical3A_116 = arith.shrui %add3A_109, %shift_right_logical3A_115 : vector<8x1024xi32>
        %or3A_117 = arith.ori %shift_left3A_113, %shift_right_logical3A_116 : vector<8x1024xi32>
        %xor3A_118 = arith.xori %or3A_117, %add3A_110 : vector<8x1024xi32>
        %add3A_119 = arith.addi %add3A_110, %xor3A_118 : vector<8x1024xi32>
        %shift_left3A_120 = arith.constant 29 : i32
        %shift_left3A_121 = vector.broadcast %shift_left3A_120 : i32 to vector<8x1024xi32>
        %shift_left3A_122 = arith.shli %xor3A_118, %shift_left3A_121 : vector<8x1024xi32>
        %shift_right_logical3A_123 = arith.constant 3 : i32
        %shift_right_logical3A_124 = vector.broadcast %shift_right_logical3A_123 : i32 to vector<8x1024xi32>
        %shift_right_logical3A_125 = arith.shrui %xor3A_118, %shift_right_logical3A_124 : vector<8x1024xi32>
        %or3A_126 = arith.ori %shift_left3A_122, %shift_right_logical3A_125 : vector<8x1024xi32>
        %xor3A_127 = arith.xori %or3A_126, %add3A_119 : vector<8x1024xi32>
        %add3A_128 = arith.addi %add3A_119, %xor3A_127 : vector<8x1024xi32>
        %shift_left3A_129 = arith.constant 16 : i32
        %shift_left3A_130 = vector.broadcast %shift_left3A_129 : i32 to vector<8x1024xi32>
        %shift_left3A_131 = arith.shli %xor3A_127, %shift_left3A_130 : vector<8x1024xi32>
        %shift_right_logical3A_132 = arith.constant 16 : i32
        %shift_right_logical3A_133 = vector.broadcast %shift_right_logical3A_132 : i32 to vector<8x1024xi32>
        %shift_right_logical3A_134 = arith.shrui %xor3A_127, %shift_right_logical3A_133 : vector<8x1024xi32>
        %or3A_135 = arith.ori %shift_left3A_131, %shift_right_logical3A_134 : vector<8x1024xi32>
        %xor3A_136 = arith.xori %or3A_135, %add3A_128 : vector<8x1024xi32>
        %add3A_137 = arith.addi %add3A_128, %xor3A_136 : vector<8x1024xi32>
        %shift_left3A_138 = arith.constant 24 : i32
        %shift_left3A_139 = vector.broadcast %shift_left3A_138 : i32 to vector<8x1024xi32>
        %shift_left3A_140 = arith.shli %xor3A_136, %shift_left3A_139 : vector<8x1024xi32>
        %shift_right_logical3A_141 = arith.constant 8 : i32
        %shift_right_logical3A_142 = vector.broadcast %shift_right_logical3A_141 : i32 to vector<8x1024xi32>
        %shift_right_logical3A_143 = arith.shrui %xor3A_136, %shift_right_logical3A_142 : vector<8x1024xi32>
        %or3A_144 = arith.ori %shift_left3A_140, %shift_right_logical3A_143 : vector<8x1024xi32>
        %xor3A_145 = arith.xori %or3A_144, %add3A_137 : vector<8x1024xi32>
        %add3A_146 = arith.constant 1805329261 : i32
        %add3A_147 = vector.broadcast %add3A_146 : i32 to vector<8x1024xi32>
        %add3A_148 = arith.addi %add3A_137, %add3A_147 : vector<8x1024xi32>
        %add3A_149 = arith.constant 507451447 : i32
        %add3A_150 = vector.broadcast %add3A_149 : i32 to vector<8x1024xi32>
        %add3A_151 = arith.addi %xor3A_145, %add3A_150 : vector<8x1024xi32>
        %add3A_152 = arith.addi %add3A_148, %add3A_151 : vector<8x1024xi32>
        %shift_left3A_153 = arith.constant 13 : i32
        %shift_left3A_154 = vector.broadcast %shift_left3A_153 : i32 to vector<8x1024xi32>
        %shift_left3A_155 = arith.shli %add3A_151, %shift_left3A_154 : vector<8x1024xi32>
        %shift_right_logical3A_156 = arith.constant 19 : i32
        %shift_right_logical3A_157 = vector.broadcast %shift_right_logical3A_156 : i32 to vector<8x1024xi32>
        %shift_right_logical3A_158 = arith.shrui %add3A_151, %shift_right_logical3A_157 : vector<8x1024xi32>
        %or3A_159 = arith.ori %shift_left3A_155, %shift_right_logical3A_158 : vector<8x1024xi32>
        %xor3A_160 = arith.xori %or3A_159, %add3A_152 : vector<8x1024xi32>
        %add3A_161 = arith.addi %add3A_152, %xor3A_160 : vector<8x1024xi32>
        %shift_left3A_162 = arith.constant 15 : i32
        %shift_left3A_163 = vector.broadcast %shift_left3A_162 : i32 to vector<8x1024xi32>
        %shift_left3A_164 = arith.shli %xor3A_160, %shift_left3A_163 : vector<8x1024xi32>
        %shift_right_logical3A_165 = arith.constant 17 : i32
        %shift_right_logical3A_166 = vector.broadcast %shift_right_logical3A_165 : i32 to vector<8x1024xi32>
        %shift_right_logical3A_167 = arith.shrui %xor3A_160, %shift_right_logical3A_166 : vector<8x1024xi32>
        %or3A_168 = arith.ori %shift_left3A_164, %shift_right_logical3A_167 : vector<8x1024xi32>
        %xor3A_169 = arith.xori %or3A_168, %add3A_161 : vector<8x1024xi32>
        %add3A_170 = arith.addi %add3A_161, %xor3A_169 : vector<8x1024xi32>
        %shift_left3A_171 = arith.constant 26 : i32
        %shift_left3A_172 = vector.broadcast %shift_left3A_171 : i32 to vector<8x1024xi32>
        %shift_left3A_173 = arith.shli %xor3A_169, %shift_left3A_172 : vector<8x1024xi32>
        %shift_right_logical3A_174 = arith.constant 6 : i32
        %shift_right_logical3A_175 = vector.broadcast %shift_right_logical3A_174 : i32 to vector<8x1024xi32>
        %shift_right_logical3A_176 = arith.shrui %xor3A_169, %shift_right_logical3A_175 : vector<8x1024xi32>
        %or3A_177 = arith.ori %shift_left3A_173, %shift_right_logical3A_176 : vector<8x1024xi32>
        %xor3A_178 = arith.xori %or3A_177, %add3A_170 : vector<8x1024xi32>
        %add3A_179 = arith.addi %add3A_170, %xor3A_178 : vector<8x1024xi32>
        %shift_left3A_180 = arith.constant 6 : i32
        %shift_left3A_181 = vector.broadcast %shift_left3A_180 : i32 to vector<8x1024xi32>
        %shift_left3A_182 = arith.shli %xor3A_178, %shift_left3A_181 : vector<8x1024xi32>
        %shift_right_logical3A_183 = arith.constant 26 : i32
        %shift_right_logical3A_184 = vector.broadcast %shift_right_logical3A_183 : i32 to vector<8x1024xi32>
        %shift_right_logical3A_185 = arith.shrui %xor3A_178, %shift_right_logical3A_184 : vector<8x1024xi32>
        %or3A_186 = arith.ori %shift_left3A_182, %shift_right_logical3A_185 : vector<8x1024xi32>
        %xor3A_187 = arith.xori %or3A_186, %add3A_179 : vector<8x1024xi32>
        %add3A_188 = arith.constant 507451445 : i32
        %add3A_189 = vector.broadcast %add3A_188 : i32 to vector<8x1024xi32>
        %add3A_190 = arith.addi %add3A_179, %add3A_189 : vector<8x1024xi32>
        %add3A_191 = arith.constant 1853169797 : i32
        %add3A_192 = vector.broadcast %add3A_191 : i32 to vector<8x1024xi32>
        %add3A_193 = arith.addi %xor3A_187, %add3A_192 : vector<8x1024xi32>
        %add3A_194 = arith.addi %add3A_190, %add3A_193 : vector<8x1024xi32>
        %shift_left3A_195 = arith.constant 17 : i32
        %shift_left3A_196 = vector.broadcast %shift_left3A_195 : i32 to vector<8x1024xi32>
        %shift_left3A_197 = arith.shli %add3A_193, %shift_left3A_196 : vector<8x1024xi32>
        %shift_right_logical3A_198 = arith.constant 15 : i32
        %shift_right_logical3A_199 = vector.broadcast %shift_right_logical3A_198 : i32 to vector<8x1024xi32>
        %shift_right_logical3A_200 = arith.shrui %add3A_193, %shift_right_logical3A_199 : vector<8x1024xi32>
        %or3A_201 = arith.ori %shift_left3A_197, %shift_right_logical3A_200 : vector<8x1024xi32>
        %xor3A_202 = arith.xori %or3A_201, %add3A_194 : vector<8x1024xi32>
        %add3A_203 = arith.addi %add3A_194, %xor3A_202 : vector<8x1024xi32>
        %shift_left3A_204 = arith.constant 29 : i32
        %shift_left3A_205 = vector.broadcast %shift_left3A_204 : i32 to vector<8x1024xi32>
        %shift_left3A_206 = arith.shli %xor3A_202, %shift_left3A_205 : vector<8x1024xi32>
        %shift_right_logical3A_207 = arith.constant 3 : i32
        %shift_right_logical3A_208 = vector.broadcast %shift_right_logical3A_207 : i32 to vector<8x1024xi32>
        %shift_right_logical3A_209 = arith.shrui %xor3A_202, %shift_right_logical3A_208 : vector<8x1024xi32>
        %or3A_210 = arith.ori %shift_left3A_206, %shift_right_logical3A_209 : vector<8x1024xi32>
        %xor3A_211 = arith.xori %or3A_210, %add3A_203 : vector<8x1024xi32>
        %add3A_212 = arith.addi %add3A_203, %xor3A_211 : vector<8x1024xi32>
        %shift_left3A_213 = arith.constant 16 : i32
        %shift_left3A_214 = vector.broadcast %shift_left3A_213 : i32 to vector<8x1024xi32>
        %shift_left3A_215 = arith.shli %xor3A_211, %shift_left3A_214 : vector<8x1024xi32>
        %shift_right_logical3A_216 = arith.constant 16 : i32
        %shift_right_logical3A_217 = vector.broadcast %shift_right_logical3A_216 : i32 to vector<8x1024xi32>
        %shift_right_logical3A_218 = arith.shrui %xor3A_211, %shift_right_logical3A_217 : vector<8x1024xi32>
        %or3A_219 = arith.ori %shift_left3A_215, %shift_right_logical3A_218 : vector<8x1024xi32>
        %xor3A_220 = arith.xori %or3A_219, %add3A_212 : vector<8x1024xi32>
        %add3A_221 = arith.addi %add3A_212, %xor3A_220 : vector<8x1024xi32>
        %shift_left3A_222 = arith.constant 24 : i32
        %shift_left3A_223 = vector.broadcast %shift_left3A_222 : i32 to vector<8x1024xi32>
        %shift_left3A_224 = arith.shli %xor3A_220, %shift_left3A_223 : vector<8x1024xi32>
        %shift_right_logical3A_225 = arith.constant 8 : i32
        %shift_right_logical3A_226 = vector.broadcast %shift_right_logical3A_225 : i32 to vector<8x1024xi32>
        %shift_right_logical3A_227 = arith.shrui %xor3A_220, %shift_right_logical3A_226 : vector<8x1024xi32>
        %or3A_228 = arith.ori %shift_left3A_224, %shift_right_logical3A_227 : vector<8x1024xi32>
        %xor3A_229 = arith.xori %or3A_228, %add3A_221 : vector<8x1024xi32>
        %add3A_230 = arith.constant 1853169794 : i32
        %add3A_231 = vector.broadcast %add3A_230 : i32 to vector<8x1024xi32>
        %add3A_232 = arith.addi %add3A_221, %add3A_231 : vector<8x1024xi32>
        %add3A_233 = arith.constant 1805329265 : i32
        %add3A_234 = vector.broadcast %add3A_233 : i32 to vector<8x1024xi32>
        %add3A_235 = arith.addi %xor3A_229, %add3A_234 : vector<8x1024xi32>
        %add3A_236 = arith.addi %add3A_232, %add3A_235 : vector<8x1024xi32>
        %shift_left3A_237 = arith.constant 13 : i32
        %shift_left3A_238 = vector.broadcast %shift_left3A_237 : i32 to vector<8x1024xi32>
        %shift_left3A_239 = arith.shli %add3A_235, %shift_left3A_238 : vector<8x1024xi32>
        %shift_right_logical3A_240 = arith.constant 19 : i32
        %shift_right_logical3A_241 = vector.broadcast %shift_right_logical3A_240 : i32 to vector<8x1024xi32>
        %shift_right_logical3A_242 = arith.shrui %add3A_235, %shift_right_logical3A_241 : vector<8x1024xi32>
        %or3A_243 = arith.ori %shift_left3A_239, %shift_right_logical3A_242 : vector<8x1024xi32>
        %xor3A_244 = arith.xori %or3A_243, %add3A_236 : vector<8x1024xi32>
        %add3A_245 = arith.addi %add3A_236, %xor3A_244 : vector<8x1024xi32>
        %shift_left3A_246 = arith.constant 15 : i32
        %shift_left3A_247 = vector.broadcast %shift_left3A_246 : i32 to vector<8x1024xi32>
        %shift_left3A_248 = arith.shli %xor3A_244, %shift_left3A_247 : vector<8x1024xi32>
        %shift_right_logical3A_249 = arith.constant 17 : i32
        %shift_right_logical3A_250 = vector.broadcast %shift_right_logical3A_249 : i32 to vector<8x1024xi32>
        %shift_right_logical3A_251 = arith.shrui %xor3A_244, %shift_right_logical3A_250 : vector<8x1024xi32>
        %or3A_252 = arith.ori %shift_left3A_248, %shift_right_logical3A_251 : vector<8x1024xi32>
        %xor3A_253 = arith.xori %or3A_252, %add3A_245 : vector<8x1024xi32>
        %add3A_254 = arith.addi %add3A_245, %xor3A_253 : vector<8x1024xi32>
        %shift_left3A_255 = arith.constant 26 : i32
        %shift_left3A_256 = vector.broadcast %shift_left3A_255 : i32 to vector<8x1024xi32>
        %shift_left3A_257 = arith.shli %xor3A_253, %shift_left3A_256 : vector<8x1024xi32>
        %shift_right_logical3A_258 = arith.constant 6 : i32
        %shift_right_logical3A_259 = vector.broadcast %shift_right_logical3A_258 : i32 to vector<8x1024xi32>
        %shift_right_logical3A_260 = arith.shrui %xor3A_253, %shift_right_logical3A_259 : vector<8x1024xi32>
        %or3A_261 = arith.ori %shift_left3A_257, %shift_right_logical3A_260 : vector<8x1024xi32>
        %xor3A_262 = arith.xori %or3A_261, %add3A_254 : vector<8x1024xi32>
        %add3A_263 = arith.addi %add3A_254, %xor3A_262 : vector<8x1024xi32>
        %shift_left3A_264 = arith.constant 6 : i32
        %shift_left3A_265 = vector.broadcast %shift_left3A_264 : i32 to vector<8x1024xi32>
        %shift_left3A_266 = arith.shli %xor3A_262, %shift_left3A_265 : vector<8x1024xi32>
        %shift_right_logical3A_267 = arith.constant 26 : i32
        %shift_right_logical3A_268 = vector.broadcast %shift_right_logical3A_267 : i32 to vector<8x1024xi32>
        %shift_right_logical3A_269 = arith.shrui %xor3A_262, %shift_right_logical3A_268 : vector<8x1024xi32>
        %or3A_270 = arith.ori %shift_left3A_266, %shift_right_logical3A_269 : vector<8x1024xi32>
        %xor3A_271 = arith.xori %or3A_270, %add3A_263 : vector<8x1024xi32>
        %add3A_272 = arith.constant 1805329261 : i32
        %add3A_273 = vector.broadcast %add3A_272 : i32 to vector<8x1024xi32>
        %add3A_274 = arith.addi %add3A_263, %add3A_273 : vector<8x1024xi32>
        %add3A_275 = arith.constant 507451450 : i32
        %add3A_276 = vector.broadcast %add3A_275 : i32 to vector<8x1024xi32>
        %add3A_277 = arith.addi %xor3A_271, %add3A_276 : vector<8x1024xi32>
        %xor3A_278 = arith.xori %add3A_274, %add3A_277 : vector<8x1024xi32>
        %shift_right_logical3A_279 = arith.constant 9 : i32
        %shift_right_logical3A_280 = vector.broadcast %shift_right_logical3A_279 : i32 to vector<8x1024xi32>
        %shift_right_logical3A_281 = arith.shrui %xor3A_278, %shift_right_logical3A_280 : vector<8x1024xi32>
        %or3A_282 = arith.constant 1065353216 : i32
        %or3A_283 = vector.broadcast %or3A_282 : i32 to vector<8x1024xi32>
        %or3A_284 = arith.ori %shift_right_logical3A_281, %or3A_283 : vector<8x1024xi32>
        %bitcast_convert_type3A = tpu.bitcast %or3A_284 : vector<8x1024xi32> -> vector<8x1024xf32>
        %sub3A = arith.constant 1.000000e+00 : f32
        %sub3A_285 = vector.broadcast %sub3A : f32 to vector<8x1024xf32>
        %sub3A_286 = arith.subf %bitcast_convert_type3A, %sub3A_285 : vector<8x1024xf32>
        %get3A_287 = arith.index_cast %add3A_62 : i32 to index
        %get3A_288 = arith.constant 0 : index
        %get3A_289 = vector.load %arg3[%get3A_287, %get3A_288] : memref<256x1024xf32, #tpu.memory_space<vmem>>, vector<1x1024xf32>
        %get3A_290 = vector.shape_cast %get3A_289 : vector<1x1024xf32> to vector<1024xf32>
        %log3A = math.log %sub3A_286 : vector<8x1024xf32>
        %broadcast_in_dim3A_291 = vector.shape_cast %get3A_290 : vector<1024xf32> to vector<1x1024xf32>
        %broadcast_in_dim3A_292 = vector.shape_cast %broadcast_in_dim3A_291 : vector<1x1024xf32> to vector<1x1024xf32>
        %broadcast_in_dim3A_293 = vector.broadcast %broadcast_in_dim3A_292 : vector<1x1024xf32> to vector<8x1024xf32>
        %mul3A_294 = arith.mulf %log3A, %broadcast_in_dim3A_293 : vector<8x1024xf32>
        %mul3A_295 = arith.constant 8 : i32
        %mul3A_296 = arith.muli %scan3A_56, %mul3A_295 : i32
        %add3A_297 = arith.constant 1 : i32
        %add3A_298 = arith.addi %mul3A_296, %add3A_297 : i32
        %mul3A_299 = arith.constant 1024 : i32
        %mul3A_300 = arith.muli %add3A_298, %mul3A_299 : i32
        %add3A_301 = arith.addi %add3A_31, %mul3A_300 : i32
        %add3A_302 = vector.broadcast %add3A_301 : i32 to vector<8x1024xi32>
        %add3A_303 = arith.addi %or3A, %add3A_302 : vector<8x1024xi32>
        %add3A_304 = vector.broadcast %add3A_11 : i32 to vector<8x1024xi32>
        %add3A_305 = arith.addi %add3A_304, %add3A_303 : vector<8x1024xi32>
        %shift_left3A_306 = arith.constant 13 : i32
        %shift_left3A_307 = vector.broadcast %shift_left3A_306 : i32 to vector<8x1024xi32>
        %shift_left3A_308 = arith.shli %add3A_303, %shift_left3A_307 : vector<8x1024xi32>
        %shift_right_logical3A_309 = arith.constant 19 : i32
        %shift_right_logical3A_310 = vector.broadcast %shift_right_logical3A_309 : i32 to vector<8x1024xi32>
        %shift_right_logical3A_311 = arith.shrui %add3A_303, %shift_right_logical3A_310 : vector<8x1024xi32>
        %or3A_312 = arith.ori %shift_left3A_308, %shift_right_logical3A_311 : vector<8x1024xi32>
        %xor3A_313 = arith.xori %or3A_312, %add3A_305 : vector<8x1024xi32>
        %add3A_314 = arith.addi %add3A_305, %xor3A_313 : vector<8x1024xi32>
        %shift_left3A_315 = arith.constant 15 : i32
        %shift_left3A_316 = vector.broadcast %shift_left3A_315 : i32 to vector<8x1024xi32>
        %shift_left3A_317 = arith.shli %xor3A_313, %shift_left3A_316 : vector<8x1024xi32>
        %shift_right_logical3A_318 = arith.constant 17 : i32
        %shift_right_logical3A_319 = vector.broadcast %shift_right_logical3A_318 : i32 to vector<8x1024xi32>
        %shift_right_logical3A_320 = arith.shrui %xor3A_313, %shift_right_logical3A_319 : vector<8x1024xi32>
        %or3A_321 = arith.ori %shift_left3A_317, %shift_right_logical3A_320 : vector<8x1024xi32>
        %xor3A_322 = arith.xori %or3A_321, %add3A_314 : vector<8x1024xi32>
        %add3A_323 = arith.addi %add3A_314, %xor3A_322 : vector<8x1024xi32>
        %shift_left3A_324 = arith.constant 26 : i32
        %shift_left3A_325 = vector.broadcast %shift_left3A_324 : i32 to vector<8x1024xi32>
        %shift_left3A_326 = arith.shli %xor3A_322, %shift_left3A_325 : vector<8x1024xi32>
        %shift_right_logical3A_327 = arith.constant 6 : i32
        %shift_right_logical3A_328 = vector.broadcast %shift_right_logical3A_327 : i32 to vector<8x1024xi32>
        %shift_right_logical3A_329 = arith.shrui %xor3A_322, %shift_right_logical3A_328 : vector<8x1024xi32>
        %or3A_330 = arith.ori %shift_left3A_326, %shift_right_logical3A_329 : vector<8x1024xi32>
        %xor3A_331 = arith.xori %or3A_330, %add3A_323 : vector<8x1024xi32>
        %add3A_332 = arith.addi %add3A_323, %xor3A_331 : vector<8x1024xi32>
        %shift_left3A_333 = arith.constant 6 : i32
        %shift_left3A_334 = vector.broadcast %shift_left3A_333 : i32 to vector<8x1024xi32>
        %shift_left3A_335 = arith.shli %xor3A_331, %shift_left3A_334 : vector<8x1024xi32>
        %shift_right_logical3A_336 = arith.constant 26 : i32
        %shift_right_logical3A_337 = vector.broadcast %shift_right_logical3A_336 : i32 to vector<8x1024xi32>
        %shift_right_logical3A_338 = arith.shrui %xor3A_331, %shift_right_logical3A_337 : vector<8x1024xi32>
        %or3A_339 = arith.ori %shift_left3A_335, %shift_right_logical3A_338 : vector<8x1024xi32>
        %xor3A_340 = arith.xori %or3A_339, %add3A_332 : vector<8x1024xi32>
        %add3A_341 = arith.constant 1853169794 : i32
        %add3A_342 = vector.broadcast %add3A_341 : i32 to vector<8x1024xi32>
        %add3A_343 = arith.addi %add3A_332, %add3A_342 : vector<8x1024xi32>
        %add3A_344 = arith.constant 1805329262 : i32
        %add3A_345 = vector.broadcast %add3A_344 : i32 to vector<8x1024xi32>
        %add3A_346 = arith.addi %xor3A_340, %add3A_345 : vector<8x1024xi32>
        %add3A_347 = arith.addi %add3A_343, %add3A_346 : vector<8x1024xi32>
        %shift_left3A_348 = arith.constant 17 : i32
        %shift_left3A_349 = vector.broadcast %shift_left3A_348 : i32 to vector<8x1024xi32>
        %shift_left3A_350 = arith.shli %add3A_346, %shift_left3A_349 : vector<8x1024xi32>
        %shift_right_logical3A_351 = arith.constant 15 : i32
        %shift_right_logical3A_352 = vector.broadcast %shift_right_logical3A_351 : i32 to vector<8x1024xi32>
        %shift_right_logical3A_353 = arith.shrui %add3A_346, %shift_right_logical3A_352 : vector<8x1024xi32>
        %or3A_354 = arith.ori %shift_left3A_350, %shift_right_logical3A_353 : vector<8x1024xi32>
        %xor3A_355 = arith.xori %or3A_354, %add3A_347 : vector<8x1024xi32>
        %add3A_356 = arith.addi %add3A_347, %xor3A_355 : vector<8x1024xi32>
        %shift_left3A_357 = arith.constant 29 : i32
        %shift_left3A_358 = vector.broadcast %shift_left3A_357 : i32 to vector<8x1024xi32>
        %shift_left3A_359 = arith.shli %xor3A_355, %shift_left3A_358 : vector<8x1024xi32>
        %shift_right_logical3A_360 = arith.constant 3 : i32
        %shift_right_logical3A_361 = vector.broadcast %shift_right_logical3A_360 : i32 to vector<8x1024xi32>
        %shift_right_logical3A_362 = arith.shrui %xor3A_355, %shift_right_logical3A_361 : vector<8x1024xi32>
        %or3A_363 = arith.ori %shift_left3A_359, %shift_right_logical3A_362 : vector<8x1024xi32>
        %xor3A_364 = arith.xori %or3A_363, %add3A_356 : vector<8x1024xi32>
        %add3A_365 = arith.addi %add3A_356, %xor3A_364 : vector<8x1024xi32>
        %shift_left3A_366 = arith.constant 16 : i32
        %shift_left3A_367 = vector.broadcast %shift_left3A_366 : i32 to vector<8x1024xi32>
        %shift_left3A_368 = arith.shli %xor3A_364, %shift_left3A_367 : vector<8x1024xi32>
        %shift_right_logical3A_369 = arith.constant 16 : i32
        %shift_right_logical3A_370 = vector.broadcast %shift_right_logical3A_369 : i32 to vector<8x1024xi32>
        %shift_right_logical3A_371 = arith.shrui %xor3A_364, %shift_right_logical3A_370 : vector<8x1024xi32>
        %or3A_372 = arith.ori %shift_left3A_368, %shift_right_logical3A_371 : vector<8x1024xi32>
        %xor3A_373 = arith.xori %or3A_372, %add3A_365 : vector<8x1024xi32>
        %add3A_374 = arith.addi %add3A_365, %xor3A_373 : vector<8x1024xi32>
        %shift_left3A_375 = arith.constant 24 : i32
        %shift_left3A_376 = vector.broadcast %shift_left3A_375 : i32 to vector<8x1024xi32>
        %shift_left3A_377 = arith.shli %xor3A_373, %shift_left3A_376 : vector<8x1024xi32>
        %shift_right_logical3A_378 = arith.constant 8 : i32
        %shift_right_logical3A_379 = vector.broadcast %shift_right_logical3A_378 : i32 to vector<8x1024xi32>
        %shift_right_logical3A_380 = arith.shrui %xor3A_373, %shift_right_logical3A_379 : vector<8x1024xi32>
        %or3A_381 = arith.ori %shift_left3A_377, %shift_right_logical3A_380 : vector<8x1024xi32>
        %xor3A_382 = arith.xori %or3A_381, %add3A_374 : vector<8x1024xi32>
        %add3A_383 = arith.constant 1805329261 : i32
        %add3A_384 = vector.broadcast %add3A_383 : i32 to vector<8x1024xi32>
        %add3A_385 = arith.addi %add3A_374, %add3A_384 : vector<8x1024xi32>
        %add3A_386 = arith.constant 507451447 : i32
        %add3A_387 = vector.broadcast %add3A_386 : i32 to vector<8x1024xi32>
        %add3A_388 = arith.addi %xor3A_382, %add3A_387 : vector<8x1024xi32>
        %add3A_389 = arith.addi %add3A_385, %add3A_388 : vector<8x1024xi32>
        %shift_left3A_390 = arith.constant 13 : i32
        %shift_left3A_391 = vector.broadcast %shift_left3A_390 : i32 to vector<8x1024xi32>
        %shift_left3A_392 = arith.shli %add3A_388, %shift_left3A_391 : vector<8x1024xi32>
        %shift_right_logical3A_393 = arith.constant 19 : i32
        %shift_right_logical3A_394 = vector.broadcast %shift_right_logical3A_393 : i32 to vector<8x1024xi32>
        %shift_right_logical3A_395 = arith.shrui %add3A_388, %shift_right_logical3A_394 : vector<8x1024xi32>
        %or3A_396 = arith.ori %shift_left3A_392, %shift_right_logical3A_395 : vector<8x1024xi32>
        %xor3A_397 = arith.xori %or3A_396, %add3A_389 : vector<8x1024xi32>
        %add3A_398 = arith.addi %add3A_389, %xor3A_397 : vector<8x1024xi32>
        %shift_left3A_399 = arith.constant 15 : i32
        %shift_left3A_400 = vector.broadcast %shift_left3A_399 : i32 to vector<8x1024xi32>
        %shift_left3A_401 = arith.shli %xor3A_397, %shift_left3A_400 : vector<8x1024xi32>
        %shift_right_logical3A_402 = arith.constant 17 : i32
        %shift_right_logical3A_403 = vector.broadcast %shift_right_logical3A_402 : i32 to vector<8x1024xi32>
        %shift_right_logical3A_404 = arith.shrui %xor3A_397, %shift_right_logical3A_403 : vector<8x1024xi32>
        %or3A_405 = arith.ori %shift_left3A_401, %shift_right_logical3A_404 : vector<8x1024xi32>
        %xor3A_406 = arith.xori %or3A_405, %add3A_398 : vector<8x1024xi32>
        %add3A_407 = arith.addi %add3A_398, %xor3A_406 : vector<8x1024xi32>
        %shift_left3A_408 = arith.constant 26 : i32
        %shift_left3A_409 = vector.broadcast %shift_left3A_408 : i32 to vector<8x1024xi32>
        %shift_left3A_410 = arith.shli %xor3A_406, %shift_left3A_409 : vector<8x1024xi32>
        %shift_right_logical3A_411 = arith.constant 6 : i32
        %shift_right_logical3A_412 = vector.broadcast %shift_right_logical3A_411 : i32 to vector<8x1024xi32>
        %shift_right_logical3A_413 = arith.shrui %xor3A_406, %shift_right_logical3A_412 : vector<8x1024xi32>
        %or3A_414 = arith.ori %shift_left3A_410, %shift_right_logical3A_413 : vector<8x1024xi32>
        %xor3A_415 = arith.xori %or3A_414, %add3A_407 : vector<8x1024xi32>
        %add3A_416 = arith.addi %add3A_407, %xor3A_415 : vector<8x1024xi32>
        %shift_left3A_417 = arith.constant 6 : i32
        %shift_left3A_418 = vector.broadcast %shift_left3A_417 : i32 to vector<8x1024xi32>
        %shift_left3A_419 = arith.shli %xor3A_415, %shift_left3A_418 : vector<8x1024xi32>
        %shift_right_logical3A_420 = arith.constant 26 : i32
        %shift_right_logical3A_421 = vector.broadcast %shift_right_logical3A_420 : i32 to vector<8x1024xi32>
        %shift_right_logical3A_422 = arith.shrui %xor3A_415, %shift_right_logical3A_421 : vector<8x1024xi32>
        %or3A_423 = arith.ori %shift_left3A_419, %shift_right_logical3A_422 : vector<8x1024xi32>
        %xor3A_424 = arith.xori %or3A_423, %add3A_416 : vector<8x1024xi32>
        %add3A_425 = arith.constant 507451445 : i32
        %add3A_426 = vector.broadcast %add3A_425 : i32 to vector<8x1024xi32>
        %add3A_427 = arith.addi %add3A_416, %add3A_426 : vector<8x1024xi32>
        %add3A_428 = arith.constant 1853169797 : i32
        %add3A_429 = vector.broadcast %add3A_428 : i32 to vector<8x1024xi32>
        %add3A_430 = arith.addi %xor3A_424, %add3A_429 : vector<8x1024xi32>
        %add3A_431 = arith.addi %add3A_427, %add3A_430 : vector<8x1024xi32>
        %shift_left3A_432 = arith.constant 17 : i32
        %shift_left3A_433 = vector.broadcast %shift_left3A_432 : i32 to vector<8x1024xi32>
        %shift_left3A_434 = arith.shli %add3A_430, %shift_left3A_433 : vector<8x1024xi32>
        %shift_right_logical3A_435 = arith.constant 15 : i32
        %shift_right_logical3A_436 = vector.broadcast %shift_right_logical3A_435 : i32 to vector<8x1024xi32>
        %shift_right_logical3A_437 = arith.shrui %add3A_430, %shift_right_logical3A_436 : vector<8x1024xi32>
        %or3A_438 = arith.ori %shift_left3A_434, %shift_right_logical3A_437 : vector<8x1024xi32>
        %xor3A_439 = arith.xori %or3A_438, %add3A_431 : vector<8x1024xi32>
        %add3A_440 = arith.addi %add3A_431, %xor3A_439 : vector<8x1024xi32>
        %shift_left3A_441 = arith.constant 29 : i32
        %shift_left3A_442 = vector.broadcast %shift_left3A_441 : i32 to vector<8x1024xi32>
        %shift_left3A_443 = arith.shli %xor3A_439, %shift_left3A_442 : vector<8x1024xi32>
        %shift_right_logical3A_444 = arith.constant 3 : i32
        %shift_right_logical3A_445 = vector.broadcast %shift_right_logical3A_444 : i32 to vector<8x1024xi32>
        %shift_right_logical3A_446 = arith.shrui %xor3A_439, %shift_right_logical3A_445 : vector<8x1024xi32>
        %or3A_447 = arith.ori %shift_left3A_443, %shift_right_logical3A_446 : vector<8x1024xi32>
        %xor3A_448 = arith.xori %or3A_447, %add3A_440 : vector<8x1024xi32>
        %add3A_449 = arith.addi %add3A_440, %xor3A_448 : vector<8x1024xi32>
        %shift_left3A_450 = arith.constant 16 : i32
        %shift_left3A_451 = vector.broadcast %shift_left3A_450 : i32 to vector<8x1024xi32>
        %shift_left3A_452 = arith.shli %xor3A_448, %shift_left3A_451 : vector<8x1024xi32>
        %shift_right_logical3A_453 = arith.constant 16 : i32
        %shift_right_logical3A_454 = vector.broadcast %shift_right_logical3A_453 : i32 to vector<8x1024xi32>
        %shift_right_logical3A_455 = arith.shrui %xor3A_448, %shift_right_logical3A_454 : vector<8x1024xi32>
        %or3A_456 = arith.ori %shift_left3A_452, %shift_right_logical3A_455 : vector<8x1024xi32>
        %xor3A_457 = arith.xori %or3A_456, %add3A_449 : vector<8x1024xi32>
        %add3A_458 = arith.addi %add3A_449, %xor3A_457 : vector<8x1024xi32>
        %shift_left3A_459 = arith.constant 24 : i32
        %shift_left3A_460 = vector.broadcast %shift_left3A_459 : i32 to vector<8x1024xi32>
        %shift_left3A_461 = arith.shli %xor3A_457, %shift_left3A_460 : vector<8x1024xi32>
        %shift_right_logical3A_462 = arith.constant 8 : i32
        %shift_right_logical3A_463 = vector.broadcast %shift_right_logical3A_462 : i32 to vector<8x1024xi32>
        %shift_right_logical3A_464 = arith.shrui %xor3A_457, %shift_right_logical3A_463 : vector<8x1024xi32>
        %or3A_465 = arith.ori %shift_left3A_461, %shift_right_logical3A_464 : vector<8x1024xi32>
        %xor3A_466 = arith.xori %or3A_465, %add3A_458 : vector<8x1024xi32>
        %add3A_467 = arith.constant 1853169794 : i32
        %add3A_468 = vector.broadcast %add3A_467 : i32 to vector<8x1024xi32>
        %add3A_469 = arith.addi %add3A_458, %add3A_468 : vector<8x1024xi32>
        %add3A_470 = arith.constant 1805329265 : i32
        %add3A_471 = vector.broadcast %add3A_470 : i32 to vector<8x1024xi32>
        %add3A_472 = arith.addi %xor3A_466, %add3A_471 : vector<8x1024xi32>
        %add3A_473 = arith.addi %add3A_469, %add3A_472 : vector<8x1024xi32>
        %shift_left3A_474 = arith.constant 13 : i32
        %shift_left3A_475 = vector.broadcast %shift_left3A_474 : i32 to vector<8x1024xi32>
        %shift_left3A_476 = arith.shli %add3A_472, %shift_left3A_475 : vector<8x1024xi32>
        %shift_right_logical3A_477 = arith.constant 19 : i32
        %shift_right_logical3A_478 = vector.broadcast %shift_right_logical3A_477 : i32 to vector<8x1024xi32>
        %shift_right_logical3A_479 = arith.shrui %add3A_472, %shift_right_logical3A_478 : vector<8x1024xi32>
        %or3A_480 = arith.ori %shift_left3A_476, %shift_right_logical3A_479 : vector<8x1024xi32>
        %xor3A_481 = arith.xori %or3A_480, %add3A_473 : vector<8x1024xi32>
        %add3A_482 = arith.addi %add3A_473, %xor3A_481 : vector<8x1024xi32>
        %shift_left3A_483 = arith.constant 15 : i32
        %shift_left3A_484 = vector.broadcast %shift_left3A_483 : i32 to vector<8x1024xi32>
        %shift_left3A_485 = arith.shli %xor3A_481, %shift_left3A_484 : vector<8x1024xi32>
        %shift_right_logical3A_486 = arith.constant 17 : i32
        %shift_right_logical3A_487 = vector.broadcast %shift_right_logical3A_486 : i32 to vector<8x1024xi32>
        %shift_right_logical3A_488 = arith.shrui %xor3A_481, %shift_right_logical3A_487 : vector<8x1024xi32>
        %or3A_489 = arith.ori %shift_left3A_485, %shift_right_logical3A_488 : vector<8x1024xi32>
        %xor3A_490 = arith.xori %or3A_489, %add3A_482 : vector<8x1024xi32>
        %add3A_491 = arith.addi %add3A_482, %xor3A_490 : vector<8x1024xi32>
        %shift_left3A_492 = arith.constant 26 : i32
        %shift_left3A_493 = vector.broadcast %shift_left3A_492 : i32 to vector<8x1024xi32>
        %shift_left3A_494 = arith.shli %xor3A_490, %shift_left3A_493 : vector<8x1024xi32>
        %shift_right_logical3A_495 = arith.constant 6 : i32
        %shift_right_logical3A_496 = vector.broadcast %shift_right_logical3A_495 : i32 to vector<8x1024xi32>
        %shift_right_logical3A_497 = arith.shrui %xor3A_490, %shift_right_logical3A_496 : vector<8x1024xi32>
        %or3A_498 = arith.ori %shift_left3A_494, %shift_right_logical3A_497 : vector<8x1024xi32>
        %xor3A_499 = arith.xori %or3A_498, %add3A_491 : vector<8x1024xi32>
        %add3A_500 = arith.addi %add3A_491, %xor3A_499 : vector<8x1024xi32>
        %shift_left3A_501 = arith.constant 6 : i32
        %shift_left3A_502 = vector.broadcast %shift_left3A_501 : i32 to vector<8x1024xi32>
        %shift_left3A_503 = arith.shli %xor3A_499, %shift_left3A_502 : vector<8x1024xi32>
        %shift_right_logical3A_504 = arith.constant 26 : i32
        %shift_right_logical3A_505 = vector.broadcast %shift_right_logical3A_504 : i32 to vector<8x1024xi32>
        %shift_right_logical3A_506 = arith.shrui %xor3A_499, %shift_right_logical3A_505 : vector<8x1024xi32>
        %or3A_507 = arith.ori %shift_left3A_503, %shift_right_logical3A_506 : vector<8x1024xi32>
        %xor3A_508 = arith.xori %or3A_507, %add3A_500 : vector<8x1024xi32>
        %add3A_509 = arith.constant 1805329261 : i32
        %add3A_510 = vector.broadcast %add3A_509 : i32 to vector<8x1024xi32>
        %add3A_511 = arith.addi %add3A_500, %add3A_510 : vector<8x1024xi32>
        %add3A_512 = arith.constant 507451450 : i32
        %add3A_513 = vector.broadcast %add3A_512 : i32 to vector<8x1024xi32>
        %add3A_514 = arith.addi %xor3A_508, %add3A_513 : vector<8x1024xi32>
        %xor3A_515 = arith.xori %add3A_511, %add3A_514 : vector<8x1024xi32>
        %shift_right_logical3A_516 = arith.constant 9 : i32
        %shift_right_logical3A_517 = vector.broadcast %shift_right_logical3A_516 : i32 to vector<8x1024xi32>
        %shift_right_logical3A_518 = arith.shrui %xor3A_515, %shift_right_logical3A_517 : vector<8x1024xi32>
        %or3A_519 = arith.constant 1065353216 : i32
        %or3A_520 = vector.broadcast %or3A_519 : i32 to vector<8x1024xi32>
        %or3A_521 = arith.ori %shift_right_logical3A_518, %or3A_520 : vector<8x1024xi32>
        %bitcast_convert_type3A_522 = tpu.bitcast %or3A_521 : vector<8x1024xi32> -> vector<8x1024xf32>
        %sub3A_523 = arith.constant 1.000000e+00 : f32
        %sub3A_524 = vector.broadcast %sub3A_523 : f32 to vector<8x1024xf32>
        %sub3A_525 = arith.subf %bitcast_convert_type3A_522, %sub3A_524 : vector<8x1024xf32>
        %get3A_526 = arith.index_cast %add3A_298 : i32 to index
        %get3A_527 = arith.constant 0 : index
        %get3A_528 = vector.load %arg3[%get3A_526, %get3A_527] : memref<256x1024xf32, #tpu.memory_space<vmem>>, vector<1x1024xf32>
        %get3A_529 = vector.shape_cast %get3A_528 : vector<1x1024xf32> to vector<1024xf32>
        %log3A_530 = math.log %sub3A_525 : vector<8x1024xf32>
        %broadcast_in_dim3A_531 = vector.shape_cast %get3A_529 : vector<1024xf32> to vector<1x1024xf32>
        %broadcast_in_dim3A_532 = vector.shape_cast %broadcast_in_dim3A_531 : vector<1x1024xf32> to vector<1x1024xf32>
        %broadcast_in_dim3A_533 = vector.broadcast %broadcast_in_dim3A_532 : vector<1x1024xf32> to vector<8x1024xf32>
        %mul3A_534 = arith.mulf %log3A_530, %broadcast_in_dim3A_533 : vector<8x1024xf32>
        %mul3A_535 = arith.constant 8 : i32
        %mul3A_536 = arith.muli %scan3A_56, %mul3A_535 : i32
        %add3A_537 = arith.constant 2 : i32
        %add3A_538 = arith.addi %mul3A_536, %add3A_537 : i32
        %mul3A_539 = arith.constant 1024 : i32
        %mul3A_540 = arith.muli %add3A_538, %mul3A_539 : i32
        %add3A_541 = arith.addi %add3A_31, %mul3A_540 : i32
        %add3A_542 = vector.broadcast %add3A_541 : i32 to vector<8x1024xi32>
        %add3A_543 = arith.addi %or3A, %add3A_542 : vector<8x1024xi32>
        %add3A_544 = vector.broadcast %add3A_11 : i32 to vector<8x1024xi32>
        %add3A_545 = arith.addi %add3A_544, %add3A_543 : vector<8x1024xi32>
        %shift_left3A_546 = arith.constant 13 : i32
        %shift_left3A_547 = vector.broadcast %shift_left3A_546 : i32 to vector<8x1024xi32>
        %shift_left3A_548 = arith.shli %add3A_543, %shift_left3A_547 : vector<8x1024xi32>
        %shift_right_logical3A_549 = arith.constant 19 : i32
        %shift_right_logical3A_550 = vector.broadcast %shift_right_logical3A_549 : i32 to vector<8x1024xi32>
        %shift_right_logical3A_551 = arith.shrui %add3A_543, %shift_right_logical3A_550 : vector<8x1024xi32>
        %or3A_552 = arith.ori %shift_left3A_548, %shift_right_logical3A_551 : vector<8x1024xi32>
        %xor3A_553 = arith.xori %or3A_552, %add3A_545 : vector<8x1024xi32>
        %add3A_554 = arith.addi %add3A_545, %xor3A_553 : vector<8x1024xi32>
        %shift_left3A_555 = arith.constant 15 : i32
        %shift_left3A_556 = vector.broadcast %shift_left3A_555 : i32 to vector<8x1024xi32>
        %shift_left3A_557 = arith.shli %xor3A_553, %shift_left3A_556 : vector<8x1024xi32>
        %shift_right_logical3A_558 = arith.constant 17 : i32
        %shift_right_logical3A_559 = vector.broadcast %shift_right_logical3A_558 : i32 to vector<8x1024xi32>
        %shift_right_logical3A_560 = arith.shrui %xor3A_553, %shift_right_logical3A_559 : vector<8x1024xi32>
        %or3A_561 = arith.ori %shift_left3A_557, %shift_right_logical3A_560 : vector<8x1024xi32>
        %xor3A_562 = arith.xori %or3A_561, %add3A_554 : vector<8x1024xi32>
        %add3A_563 = arith.addi %add3A_554, %xor3A_562 : vector<8x1024xi32>
        %shift_left3A_564 = arith.constant 26 : i32
        %shift_left3A_565 = vector.broadcast %shift_left3A_564 : i32 to vector<8x1024xi32>
        %shift_left3A_566 = arith.shli %xor3A_562, %shift_left3A_565 : vector<8x1024xi32>
        %shift_right_logical3A_567 = arith.constant 6 : i32
        %shift_right_logical3A_568 = vector.broadcast %shift_right_logical3A_567 : i32 to vector<8x1024xi32>
        %shift_right_logical3A_569 = arith.shrui %xor3A_562, %shift_right_logical3A_568 : vector<8x1024xi32>
        %or3A_570 = arith.ori %shift_left3A_566, %shift_right_logical3A_569 : vector<8x1024xi32>
        %xor3A_571 = arith.xori %or3A_570, %add3A_563 : vector<8x1024xi32>
        %add3A_572 = arith.addi %add3A_563, %xor3A_571 : vector<8x1024xi32>
        %shift_left3A_573 = arith.constant 6 : i32
        %shift_left3A_574 = vector.broadcast %shift_left3A_573 : i32 to vector<8x1024xi32>
        %shift_left3A_575 = arith.shli %xor3A_571, %shift_left3A_574 : vector<8x1024xi32>
        %shift_right_logical3A_576 = arith.constant 26 : i32
        %shift_right_logical3A_577 = vector.broadcast %shift_right_logical3A_576 : i32 to vector<8x1024xi32>
        %shift_right_logical3A_578 = arith.shrui %xor3A_571, %shift_right_logical3A_577 : vector<8x1024xi32>
        %or3A_579 = arith.ori %shift_left3A_575, %shift_right_logical3A_578 : vector<8x1024xi32>
        %xor3A_580 = arith.xori %or3A_579, %add3A_572 : vector<8x1024xi32>
        %add3A_581 = arith.constant 1853169794 : i32
        %add3A_582 = vector.broadcast %add3A_581 : i32 to vector<8x1024xi32>
        %add3A_583 = arith.addi %add3A_572, %add3A_582 : vector<8x1024xi32>
        %add3A_584 = arith.constant 1805329262 : i32
        %add3A_585 = vector.broadcast %add3A_584 : i32 to vector<8x1024xi32>
        %add3A_586 = arith.addi %xor3A_580, %add3A_585 : vector<8x1024xi32>
        %add3A_587 = arith.addi %add3A_583, %add3A_586 : vector<8x1024xi32>
        %shift_left3A_588 = arith.constant 17 : i32
        %shift_left3A_589 = vector.broadcast %shift_left3A_588 : i32 to vector<8x1024xi32>
        %shift_left3A_590 = arith.shli %add3A_586, %shift_left3A_589 : vector<8x1024xi32>
        %shift_right_logical3A_591 = arith.constant 15 : i32
        %shift_right_logical3A_592 = vector.broadcast %shift_right_logical3A_591 : i32 to vector<8x1024xi32>
        %shift_right_logical3A_593 = arith.shrui %add3A_586, %shift_right_logical3A_592 : vector<8x1024xi32>
        %or3A_594 = arith.ori %shift_left3A_590, %shift_right_logical3A_593 : vector<8x1024xi32>
        %xor3A_595 = arith.xori %or3A_594, %add3A_587 : vector<8x1024xi32>
        %add3A_596 = arith.addi %add3A_587, %xor3A_595 : vector<8x1024xi32>
        %shift_left3A_597 = arith.constant 29 : i32
        %shift_left3A_598 = vector.broadcast %shift_left3A_597 : i32 to vector<8x1024xi32>
        %shift_left3A_599 = arith.shli %xor3A_595, %shift_left3A_598 : vector<8x1024xi32>
        %shift_right_logical3A_600 = arith.constant 3 : i32
        %shift_right_logical3A_601 = vector.broadcast %shift_right_logical3A_600 : i32 to vector<8x1024xi32>
        %shift_right_logical3A_602 = arith.shrui %xor3A_595, %shift_right_logical3A_601 : vector<8x1024xi32>
        %or3A_603 = arith.ori %shift_left3A_599, %shift_right_logical3A_602 : vector<8x1024xi32>
        %xor3A_604 = arith.xori %or3A_603, %add3A_596 : vector<8x1024xi32>
        %add3A_605 = arith.addi %add3A_596, %xor3A_604 : vector<8x1024xi32>
        %shift_left3A_606 = arith.constant 16 : i32
        %shift_left3A_607 = vector.broadcast %shift_left3A_606 : i32 to vector<8x1024xi32>
        %shift_left3A_608 = arith.shli %xor3A_604, %shift_left3A_607 : vector<8x1024xi32>
        %shift_right_logical3A_609 = arith.constant 16 : i32
        %shift_right_logical3A_610 = vector.broadcast %shift_right_logical3A_609 : i32 to vector<8x1024xi32>
        %shift_right_logical3A_611 = arith.shrui %xor3A_604, %shift_right_logical3A_610 : vector<8x1024xi32>
        %or3A_612 = arith.ori %shift_left3A_608, %shift_right_logical3A_611 : vector<8x1024xi32>
        %xor3A_613 = arith.xori %or3A_612, %add3A_605 : vector<8x1024xi32>
        %add3A_614 = arith.addi %add3A_605, %xor3A_613 : vector<8x1024xi32>
        %shift_left3A_615 = arith.constant 24 : i32
        %shift_left3A_616 = vector.broadcast %shift_left3A_615 : i32 to vector<8x1024xi32>
        %shift_left3A_617 = arith.shli %xor3A_613, %shift_left3A_616 : vector<8x1024xi32>
        %shift_right_logical3A_618 = arith.constant 8 : i32
        %shift_right_logical3A_619 = vector.broadcast %shift_right_logical3A_618 : i32 to vector<8x1024xi32>
        %shift_right_logical3A_620 = arith.shrui %xor3A_613, %shift_right_logical3A_619 : vector<8x1024xi32>
        %or3A_621 = arith.ori %shift_left3A_617, %shift_right_logical3A_620 : vector<8x1024xi32>
        %xor3A_622 = arith.xori %or3A_621, %add3A_614 : vector<8x1024xi32>
        %add3A_623 = arith.constant 1805329261 : i32
        %add3A_624 = vector.broadcast %add3A_623 : i32 to vector<8x1024xi32>
        %add3A_625 = arith.addi %add3A_614, %add3A_624 : vector<8x1024xi32>
        %add3A_626 = arith.constant 507451447 : i32
        %add3A_627 = vector.broadcast %add3A_626 : i32 to vector<8x1024xi32>
        %add3A_628 = arith.addi %xor3A_622, %add3A_627 : vector<8x1024xi32>
        %add3A_629 = arith.addi %add3A_625, %add3A_628 : vector<8x1024xi32>
        %shift_left3A_630 = arith.constant 13 : i32
        %shift_left3A_631 = vector.broadcast %shift_left3A_630 : i32 to vector<8x1024xi32>
        %shift_left3A_632 = arith.shli %add3A_628, %shift_left3A_631 : vector<8x1024xi32>
        %shift_right_logical3A_633 = arith.constant 19 : i32
        %shift_right_logical3A_634 = vector.broadcast %shift_right_logical3A_633 : i32 to vector<8x1024xi32>
        %shift_right_logical3A_635 = arith.shrui %add3A_628, %shift_right_logical3A_634 : vector<8x1024xi32>
        %or3A_636 = arith.ori %shift_left3A_632, %shift_right_logical3A_635 : vector<8x1024xi32>
        %xor3A_637 = arith.xori %or3A_636, %add3A_629 : vector<8x1024xi32>
        %add3A_638 = arith.addi %add3A_629, %xor3A_637 : vector<8x1024xi32>
        %shift_left3A_639 = arith.constant 15 : i32
        %shift_left3A_640 = vector.broadcast %shift_left3A_639 : i32 to vector<8x1024xi32>
        %shift_left3A_641 = arith.shli %xor3A_637, %shift_left3A_640 : vector<8x1024xi32>
        %shift_right_logical3A_642 = arith.constant 17 : i32
        %shift_right_logical3A_643 = vector.broadcast %shift_right_logical3A_642 : i32 to vector<8x1024xi32>
        %shift_right_logical3A_644 = arith.shrui %xor3A_637, %shift_right_logical3A_643 : vector<8x1024xi32>
        %or3A_645 = arith.ori %shift_left3A_641, %shift_right_logical3A_644 : vector<8x1024xi32>
        %xor3A_646 = arith.xori %or3A_645, %add3A_638 : vector<8x1024xi32>
        %add3A_647 = arith.addi %add3A_638, %xor3A_646 : vector<8x1024xi32>
        %shift_left3A_648 = arith.constant 26 : i32
        %shift_left3A_649 = vector.broadcast %shift_left3A_648 : i32 to vector<8x1024xi32>
        %shift_left3A_650 = arith.shli %xor3A_646, %shift_left3A_649 : vector<8x1024xi32>
        %shift_right_logical3A_651 = arith.constant 6 : i32
        %shift_right_logical3A_652 = vector.broadcast %shift_right_logical3A_651 : i32 to vector<8x1024xi32>
        %shift_right_logical3A_653 = arith.shrui %xor3A_646, %shift_right_logical3A_652 : vector<8x1024xi32>
        %or3A_654 = arith.ori %shift_left3A_650, %shift_right_logical3A_653 : vector<8x1024xi32>
        %xor3A_655 = arith.xori %or3A_654, %add3A_647 : vector<8x1024xi32>
        %add3A_656 = arith.addi %add3A_647, %xor3A_655 : vector<8x1024xi32>
        %shift_left3A_657 = arith.constant 6 : i32
        %shift_left3A_658 = vector.broadcast %shift_left3A_657 : i32 to vector<8x1024xi32>
        %shift_left3A_659 = arith.shli %xor3A_655, %shift_left3A_658 : vector<8x1024xi32>
        %shift_right_logical3A_660 = arith.constant 26 : i32
        %shift_right_logical3A_661 = vector.broadcast %shift_right_logical3A_660 : i32 to vector<8x1024xi32>
        %shift_right_logical3A_662 = arith.shrui %xor3A_655, %shift_right_logical3A_661 : vector<8x1024xi32>
        %or3A_663 = arith.ori %shift_left3A_659, %shift_right_logical3A_662 : vector<8x1024xi32>
        %xor3A_664 = arith.xori %or3A_663, %add3A_656 : vector<8x1024xi32>
        %add3A_665 = arith.constant 507451445 : i32
        %add3A_666 = vector.broadcast %add3A_665 : i32 to vector<8x1024xi32>
        %add3A_667 = arith.addi %add3A_656, %add3A_666 : vector<8x1024xi32>
        %add3A_668 = arith.constant 1853169797 : i32
        %add3A_669 = vector.broadcast %add3A_668 : i32 to vector<8x1024xi32>
        %add3A_670 = arith.addi %xor3A_664, %add3A_669 : vector<8x1024xi32>
        %add3A_671 = arith.addi %add3A_667, %add3A_670 : vector<8x1024xi32>
        %shift_left3A_672 = arith.constant 17 : i32
        %shift_left3A_673 = vector.broadcast %shift_left3A_672 : i32 to vector<8x1024xi32>
        %shift_left3A_674 = arith.shli %add3A_670, %shift_left3A_673 : vector<8x1024xi32>
        %shift_right_logical3A_675 = arith.constant 15 : i32
        %shift_right_logical3A_676 = vector.broadcast %shift_right_logical3A_675 : i32 to vector<8x1024xi32>
        %shift_right_logical3A_677 = arith.shrui %add3A_670, %shift_right_logical3A_676 : vector<8x1024xi32>
        %or3A_678 = arith.ori %shift_left3A_674, %shift_right_logical3A_677 : vector<8x1024xi32>
        %xor3A_679 = arith.xori %or3A_678, %add3A_671 : vector<8x1024xi32>
        %add3A_680 = arith.addi %add3A_671, %xor3A_679 : vector<8x1024xi32>
        %shift_left3A_681 = arith.constant 29 : i32
        %shift_left3A_682 = vector.broadcast %shift_left3A_681 : i32 to vector<8x1024xi32>
        %shift_left3A_683 = arith.shli %xor3A_679, %shift_left3A_682 : vector<8x1024xi32>
        %shift_right_logical3A_684 = arith.constant 3 : i32
        %shift_right_logical3A_685 = vector.broadcast %shift_right_logical3A_684 : i32 to vector<8x1024xi32>
        %shift_right_logical3A_686 = arith.shrui %xor3A_679, %shift_right_logical3A_685 : vector<8x1024xi32>
        %or3A_687 = arith.ori %shift_left3A_683, %shift_right_logical3A_686 : vector<8x1024xi32>
        %xor3A_688 = arith.xori %or3A_687, %add3A_680 : vector<8x1024xi32>
        %add3A_689 = arith.addi %add3A_680, %xor3A_688 : vector<8x1024xi32>
        %shift_left3A_690 = arith.constant 16 : i32
        %shift_left3A_691 = vector.broadcast %shift_left3A_690 : i32 to vector<8x1024xi32>
        %shift_left3A_692 = arith.shli %xor3A_688, %shift_left3A_691 : vector<8x1024xi32>
        %shift_right_logical3A_693 = arith.constant 16 : i32
        %shift_right_logical3A_694 = vector.broadcast %shift_right_logical3A_693 : i32 to vector<8x1024xi32>
        %shift_right_logical3A_695 = arith.shrui %xor3A_688, %shift_right_logical3A_694 : vector<8x1024xi32>
        %or3A_696 = arith.ori %shift_left3A_692, %shift_right_logical3A_695 : vector<8x1024xi32>
        %xor3A_697 = arith.xori %or3A_696, %add3A_689 : vector<8x1024xi32>
        %add3A_698 = arith.addi %add3A_689, %xor3A_697 : vector<8x1024xi32>
        %shift_left3A_699 = arith.constant 24 : i32
        %shift_left3A_700 = vector.broadcast %shift_left3A_699 : i32 to vector<8x1024xi32>
        %shift_left3A_701 = arith.shli %xor3A_697, %shift_left3A_700 : vector<8x1024xi32>
        %shift_right_logical3A_702 = arith.constant 8 : i32
        %shift_right_logical3A_703 = vector.broadcast %shift_right_logical3A_702 : i32 to vector<8x1024xi32>
        %shift_right_logical3A_704 = arith.shrui %xor3A_697, %shift_right_logical3A_703 : vector<8x1024xi32>
        %or3A_705 = arith.ori %shift_left3A_701, %shift_right_logical3A_704 : vector<8x1024xi32>
        %xor3A_706 = arith.xori %or3A_705, %add3A_698 : vector<8x1024xi32>
        %add3A_707 = arith.constant 1853169794 : i32
        %add3A_708 = vector.broadcast %add3A_707 : i32 to vector<8x1024xi32>
        %add3A_709 = arith.addi %add3A_698, %add3A_708 : vector<8x1024xi32>
        %add3A_710 = arith.constant 1805329265 : i32
        %add3A_711 = vector.broadcast %add3A_710 : i32 to vector<8x1024xi32>
        %add3A_712 = arith.addi %xor3A_706, %add3A_711 : vector<8x1024xi32>
        %add3A_713 = arith.addi %add3A_709, %add3A_712 : vector<8x1024xi32>
        %shift_left3A_714 = arith.constant 13 : i32
        %shift_left3A_715 = vector.broadcast %shift_left3A_714 : i32 to vector<8x1024xi32>
        %shift_left3A_716 = arith.shli %add3A_712, %shift_left3A_715 : vector<8x1024xi32>
        %shift_right_logical3A_717 = arith.constant 19 : i32
        %shift_right_logical3A_718 = vector.broadcast %shift_right_logical3A_717 : i32 to vector<8x1024xi32>
        %shift_right_logical3A_719 = arith.shrui %add3A_712, %shift_right_logical3A_718 : vector<8x1024xi32>
        %or3A_720 = arith.ori %shift_left3A_716, %shift_right_logical3A_719 : vector<8x1024xi32>
        %xor3A_721 = arith.xori %or3A_720, %add3A_713 : vector<8x1024xi32>
        %add3A_722 = arith.addi %add3A_713, %xor3A_721 : vector<8x1024xi32>
        %shift_left3A_723 = arith.constant 15 : i32
        %shift_left3A_724 = vector.broadcast %shift_left3A_723 : i32 to vector<8x1024xi32>
        %shift_left3A_725 = arith.shli %xor3A_721, %shift_left3A_724 : vector<8x1024xi32>
        %shift_right_logical3A_726 = arith.constant 17 : i32
        %shift_right_logical3A_727 = vector.broadcast %shift_right_logical3A_726 : i32 to vector<8x1024xi32>
        %shift_right_logical3A_728 = arith.shrui %xor3A_721, %shift_right_logical3A_727 : vector<8x1024xi32>
        %or3A_729 = arith.ori %shift_left3A_725, %shift_right_logical3A_728 : vector<8x1024xi32>
        %xor3A_730 = arith.xori %or3A_729, %add3A_722 : vector<8x1024xi32>
        %add3A_731 = arith.addi %add3A_722, %xor3A_730 : vector<8x1024xi32>
        %shift_left3A_732 = arith.constant 26 : i32
        %shift_left3A_733 = vector.broadcast %shift_left3A_732 : i32 to vector<8x1024xi32>
        %shift_left3A_734 = arith.shli %xor3A_730, %shift_left3A_733 : vector<8x1024xi32>
        %shift_right_logical3A_735 = arith.constant 6 : i32
        %shift_right_logical3A_736 = vector.broadcast %shift_right_logical3A_735 : i32 to vector<8x1024xi32>
        %shift_right_logical3A_737 = arith.shrui %xor3A_730, %shift_right_logical3A_736 : vector<8x1024xi32>
        %or3A_738 = arith.ori %shift_left3A_734, %shift_right_logical3A_737 : vector<8x1024xi32>
        %xor3A_739 = arith.xori %or3A_738, %add3A_731 : vector<8x1024xi32>
        %add3A_740 = arith.addi %add3A_731, %xor3A_739 : vector<8x1024xi32>
        %shift_left3A_741 = arith.constant 6 : i32
        %shift_left3A_742 = vector.broadcast %shift_left3A_741 : i32 to vector<8x1024xi32>
        %shift_left3A_743 = arith.shli %xor3A_739, %shift_left3A_742 : vector<8x1024xi32>
        %shift_right_logical3A_744 = arith.constant 26 : i32
        %shift_right_logical3A_745 = vector.broadcast %shift_right_logical3A_744 : i32 to vector<8x1024xi32>
        %shift_right_logical3A_746 = arith.shrui %xor3A_739, %shift_right_logical3A_745 : vector<8x1024xi32>
        %or3A_747 = arith.ori %shift_left3A_743, %shift_right_logical3A_746 : vector<8x1024xi32>
        %xor3A_748 = arith.xori %or3A_747, %add3A_740 : vector<8x1024xi32>
        %add3A_749 = arith.constant 1805329261 : i32
        %add3A_750 = vector.broadcast %add3A_749 : i32 to vector<8x1024xi32>
        %add3A_751 = arith.addi %add3A_740, %add3A_750 : vector<8x1024xi32>
        %add3A_752 = arith.constant 507451450 : i32
        %add3A_753 = vector.broadcast %add3A_752 : i32 to vector<8x1024xi32>
        %add3A_754 = arith.addi %xor3A_748, %add3A_753 : vector<8x1024xi32>
        %xor3A_755 = arith.xori %add3A_751, %add3A_754 : vector<8x1024xi32>
        %shift_right_logical3A_756 = arith.constant 9 : i32
        %shift_right_logical3A_757 = vector.broadcast %shift_right_logical3A_756 : i32 to vector<8x1024xi32>
        %shift_right_logical3A_758 = arith.shrui %xor3A_755, %shift_right_logical3A_757 : vector<8x1024xi32>
        %or3A_759 = arith.constant 1065353216 : i32
        %or3A_760 = vector.broadcast %or3A_759 : i32 to vector<8x1024xi32>
        %or3A_761 = arith.ori %shift_right_logical3A_758, %or3A_760 : vector<8x1024xi32>
        %bitcast_convert_type3A_762 = tpu.bitcast %or3A_761 : vector<8x1024xi32> -> vector<8x1024xf32>
        %sub3A_763 = arith.constant 1.000000e+00 : f32
        %sub3A_764 = vector.broadcast %sub3A_763 : f32 to vector<8x1024xf32>
        %sub3A_765 = arith.subf %bitcast_convert_type3A_762, %sub3A_764 : vector<8x1024xf32>
        %get3A_766 = arith.index_cast %add3A_538 : i32 to index
        %get3A_767 = arith.constant 0 : index
        %get3A_768 = vector.load %arg3[%get3A_766, %get3A_767] : memref<256x1024xf32, #tpu.memory_space<vmem>>, vector<1x1024xf32>
        %get3A_769 = vector.shape_cast %get3A_768 : vector<1x1024xf32> to vector<1024xf32>
        %log3A_770 = math.log %sub3A_765 : vector<8x1024xf32>
        %broadcast_in_dim3A_771 = vector.shape_cast %get3A_769 : vector<1024xf32> to vector<1x1024xf32>
        %broadcast_in_dim3A_772 = vector.shape_cast %broadcast_in_dim3A_771 : vector<1x1024xf32> to vector<1x1024xf32>
        %broadcast_in_dim3A_773 = vector.broadcast %broadcast_in_dim3A_772 : vector<1x1024xf32> to vector<8x1024xf32>
        %mul3A_774 = arith.mulf %log3A_770, %broadcast_in_dim3A_773 : vector<8x1024xf32>
        %mul3A_775 = arith.constant 8 : i32
        %mul3A_776 = arith.muli %scan3A_56, %mul3A_775 : i32
        %add3A_777 = arith.constant 3 : i32
        %add3A_778 = arith.addi %mul3A_776, %add3A_777 : i32
        %mul3A_779 = arith.constant 1024 : i32
        %mul3A_780 = arith.muli %add3A_778, %mul3A_779 : i32
        %add3A_781 = arith.addi %add3A_31, %mul3A_780 : i32
        %add3A_782 = vector.broadcast %add3A_781 : i32 to vector<8x1024xi32>
        %add3A_783 = arith.addi %or3A, %add3A_782 : vector<8x1024xi32>
        %add3A_784 = vector.broadcast %add3A_11 : i32 to vector<8x1024xi32>
        %add3A_785 = arith.addi %add3A_784, %add3A_783 : vector<8x1024xi32>
        %shift_left3A_786 = arith.constant 13 : i32
        %shift_left3A_787 = vector.broadcast %shift_left3A_786 : i32 to vector<8x1024xi32>
        %shift_left3A_788 = arith.shli %add3A_783, %shift_left3A_787 : vector<8x1024xi32>
        %shift_right_logical3A_789 = arith.constant 19 : i32
        %shift_right_logical3A_790 = vector.broadcast %shift_right_logical3A_789 : i32 to vector<8x1024xi32>
        %shift_right_logical3A_791 = arith.shrui %add3A_783, %shift_right_logical3A_790 : vector<8x1024xi32>
        %or3A_792 = arith.ori %shift_left3A_788, %shift_right_logical3A_791 : vector<8x1024xi32>
        %xor3A_793 = arith.xori %or3A_792, %add3A_785 : vector<8x1024xi32>
        %add3A_794 = arith.addi %add3A_785, %xor3A_793 : vector<8x1024xi32>
        %shift_left3A_795 = arith.constant 15 : i32
        %shift_left3A_796 = vector.broadcast %shift_left3A_795 : i32 to vector<8x1024xi32>
        %shift_left3A_797 = arith.shli %xor3A_793, %shift_left3A_796 : vector<8x1024xi32>
        %shift_right_logical3A_798 = arith.constant 17 : i32
        %shift_right_logical3A_799 = vector.broadcast %shift_right_logical3A_798 : i32 to vector<8x1024xi32>
        %shift_right_logical3A_800 = arith.shrui %xor3A_793, %shift_right_logical3A_799 : vector<8x1024xi32>
        %or3A_801 = arith.ori %shift_left3A_797, %shift_right_logical3A_800 : vector<8x1024xi32>
        %xor3A_802 = arith.xori %or3A_801, %add3A_794 : vector<8x1024xi32>
        %add3A_803 = arith.addi %add3A_794, %xor3A_802 : vector<8x1024xi32>
        %shift_left3A_804 = arith.constant 26 : i32
        %shift_left3A_805 = vector.broadcast %shift_left3A_804 : i32 to vector<8x1024xi32>
        %shift_left3A_806 = arith.shli %xor3A_802, %shift_left3A_805 : vector<8x1024xi32>
        %shift_right_logical3A_807 = arith.constant 6 : i32
        %shift_right_logical3A_808 = vector.broadcast %shift_right_logical3A_807 : i32 to vector<8x1024xi32>
        %shift_right_logical3A_809 = arith.shrui %xor3A_802, %shift_right_logical3A_808 : vector<8x1024xi32>
        %or3A_810 = arith.ori %shift_left3A_806, %shift_right_logical3A_809 : vector<8x1024xi32>
        %xor3A_811 = arith.xori %or3A_810, %add3A_803 : vector<8x1024xi32>
        %add3A_812 = arith.addi %add3A_803, %xor3A_811 : vector<8x1024xi32>
        %shift_left3A_813 = arith.constant 6 : i32
        %shift_left3A_814 = vector.broadcast %shift_left3A_813 : i32 to vector<8x1024xi32>
        %shift_left3A_815 = arith.shli %xor3A_811, %shift_left3A_814 : vector<8x1024xi32>
        %shift_right_logical3A_816 = arith.constant 26 : i32
        %shift_right_logical3A_817 = vector.broadcast %shift_right_logical3A_816 : i32 to vector<8x1024xi32>
        %shift_right_logical3A_818 = arith.shrui %xor3A_811, %shift_right_logical3A_817 : vector<8x1024xi32>
        %or3A_819 = arith.ori %shift_left3A_815, %shift_right_logical3A_818 : vector<8x1024xi32>
        %xor3A_820 = arith.xori %or3A_819, %add3A_812 : vector<8x1024xi32>
        %add3A_821 = arith.constant 1853169794 : i32
        %add3A_822 = vector.broadcast %add3A_821 : i32 to vector<8x1024xi32>
        %add3A_823 = arith.addi %add3A_812, %add3A_822 : vector<8x1024xi32>
        %add3A_824 = arith.constant 1805329262 : i32
        %add3A_825 = vector.broadcast %add3A_824 : i32 to vector<8x1024xi32>
        %add3A_826 = arith.addi %xor3A_820, %add3A_825 : vector<8x1024xi32>
        %add3A_827 = arith.addi %add3A_823, %add3A_826 : vector<8x1024xi32>
        %shift_left3A_828 = arith.constant 17 : i32
        %shift_left3A_829 = vector.broadcast %shift_left3A_828 : i32 to vector<8x1024xi32>
        %shift_left3A_830 = arith.shli %add3A_826, %shift_left3A_829 : vector<8x1024xi32>
        %shift_right_logical3A_831 = arith.constant 15 : i32
        %shift_right_logical3A_832 = vector.broadcast %shift_right_logical3A_831 : i32 to vector<8x1024xi32>
        %shift_right_logical3A_833 = arith.shrui %add3A_826, %shift_right_logical3A_832 : vector<8x1024xi32>
        %or3A_834 = arith.ori %shift_left3A_830, %shift_right_logical3A_833 : vector<8x1024xi32>
        %xor3A_835 = arith.xori %or3A_834, %add3A_827 : vector<8x1024xi32>
        %add3A_836 = arith.addi %add3A_827, %xor3A_835 : vector<8x1024xi32>
        %shift_left3A_837 = arith.constant 29 : i32
        %shift_left3A_838 = vector.broadcast %shift_left3A_837 : i32 to vector<8x1024xi32>
        %shift_left3A_839 = arith.shli %xor3A_835, %shift_left3A_838 : vector<8x1024xi32>
        %shift_right_logical3A_840 = arith.constant 3 : i32
        %shift_right_logical3A_841 = vector.broadcast %shift_right_logical3A_840 : i32 to vector<8x1024xi32>
        %shift_right_logical3A_842 = arith.shrui %xor3A_835, %shift_right_logical3A_841 : vector<8x1024xi32>
        %or3A_843 = arith.ori %shift_left3A_839, %shift_right_logical3A_842 : vector<8x1024xi32>
        %xor3A_844 = arith.xori %or3A_843, %add3A_836 : vector<8x1024xi32>
        %add3A_845 = arith.addi %add3A_836, %xor3A_844 : vector<8x1024xi32>
        %shift_left3A_846 = arith.constant 16 : i32
        %shift_left3A_847 = vector.broadcast %shift_left3A_846 : i32 to vector<8x1024xi32>
        %shift_left3A_848 = arith.shli %xor3A_844, %shift_left3A_847 : vector<8x1024xi32>
        %shift_right_logical3A_849 = arith.constant 16 : i32
        %shift_right_logical3A_850 = vector.broadcast %shift_right_logical3A_849 : i32 to vector<8x1024xi32>
        %shift_right_logical3A_851 = arith.shrui %xor3A_844, %shift_right_logical3A_850 : vector<8x1024xi32>
        %or3A_852 = arith.ori %shift_left3A_848, %shift_right_logical3A_851 : vector<8x1024xi32>
        %xor3A_853 = arith.xori %or3A_852, %add3A_845 : vector<8x1024xi32>
        %add3A_854 = arith.addi %add3A_845, %xor3A_853 : vector<8x1024xi32>
        %shift_left3A_855 = arith.constant 24 : i32
        %shift_left3A_856 = vector.broadcast %shift_left3A_855 : i32 to vector<8x1024xi32>
        %shift_left3A_857 = arith.shli %xor3A_853, %shift_left3A_856 : vector<8x1024xi32>
        %shift_right_logical3A_858 = arith.constant 8 : i32
        %shift_right_logical3A_859 = vector.broadcast %shift_right_logical3A_858 : i32 to vector<8x1024xi32>
        %shift_right_logical3A_860 = arith.shrui %xor3A_853, %shift_right_logical3A_859 : vector<8x1024xi32>
        %or3A_861 = arith.ori %shift_left3A_857, %shift_right_logical3A_860 : vector<8x1024xi32>
        %xor3A_862 = arith.xori %or3A_861, %add3A_854 : vector<8x1024xi32>
        %add3A_863 = arith.constant 1805329261 : i32
        %add3A_864 = vector.broadcast %add3A_863 : i32 to vector<8x1024xi32>
        %add3A_865 = arith.addi %add3A_854, %add3A_864 : vector<8x1024xi32>
        %add3A_866 = arith.constant 507451447 : i32
        %add3A_867 = vector.broadcast %add3A_866 : i32 to vector<8x1024xi32>
        %add3A_868 = arith.addi %xor3A_862, %add3A_867 : vector<8x1024xi32>
        %add3A_869 = arith.addi %add3A_865, %add3A_868 : vector<8x1024xi32>
        %shift_left3A_870 = arith.constant 13 : i32
        %shift_left3A_871 = vector.broadcast %shift_left3A_870 : i32 to vector<8x1024xi32>
        %shift_left3A_872 = arith.shli %add3A_868, %shift_left3A_871 : vector<8x1024xi32>
        %shift_right_logical3A_873 = arith.constant 19 : i32
        %shift_right_logical3A_874 = vector.broadcast %shift_right_logical3A_873 : i32 to vector<8x1024xi32>
        %shift_right_logical3A_875 = arith.shrui %add3A_868, %shift_right_logical3A_874 : vector<8x1024xi32>
        %or3A_876 = arith.ori %shift_left3A_872, %shift_right_logical3A_875 : vector<8x1024xi32>
        %xor3A_877 = arith.xori %or3A_876, %add3A_869 : vector<8x1024xi32>
        %add3A_878 = arith.addi %add3A_869, %xor3A_877 : vector<8x1024xi32>
        %shift_left3A_879 = arith.constant 15 : i32
        %shift_left3A_880 = vector.broadcast %shift_left3A_879 : i32 to vector<8x1024xi32>
        %shift_left3A_881 = arith.shli %xor3A_877, %shift_left3A_880 : vector<8x1024xi32>
        %shift_right_logical3A_882 = arith.constant 17 : i32
        %shift_right_logical3A_883 = vector.broadcast %shift_right_logical3A_882 : i32 to vector<8x1024xi32>
        %shift_right_logical3A_884 = arith.shrui %xor3A_877, %shift_right_logical3A_883 : vector<8x1024xi32>
        %or3A_885 = arith.ori %shift_left3A_881, %shift_right_logical3A_884 : vector<8x1024xi32>
        %xor3A_886 = arith.xori %or3A_885, %add3A_878 : vector<8x1024xi32>
        %add3A_887 = arith.addi %add3A_878, %xor3A_886 : vector<8x1024xi32>
        %shift_left3A_888 = arith.constant 26 : i32
        %shift_left3A_889 = vector.broadcast %shift_left3A_888 : i32 to vector<8x1024xi32>
        %shift_left3A_890 = arith.shli %xor3A_886, %shift_left3A_889 : vector<8x1024xi32>
        %shift_right_logical3A_891 = arith.constant 6 : i32
        %shift_right_logical3A_892 = vector.broadcast %shift_right_logical3A_891 : i32 to vector<8x1024xi32>
        %shift_right_logical3A_893 = arith.shrui %xor3A_886, %shift_right_logical3A_892 : vector<8x1024xi32>
        %or3A_894 = arith.ori %shift_left3A_890, %shift_right_logical3A_893 : vector<8x1024xi32>
        %xor3A_895 = arith.xori %or3A_894, %add3A_887 : vector<8x1024xi32>
        %add3A_896 = arith.addi %add3A_887, %xor3A_895 : vector<8x1024xi32>
        %shift_left3A_897 = arith.constant 6 : i32
        %shift_left3A_898 = vector.broadcast %shift_left3A_897 : i32 to vector<8x1024xi32>
        %shift_left3A_899 = arith.shli %xor3A_895, %shift_left3A_898 : vector<8x1024xi32>
        %shift_right_logical3A_900 = arith.constant 26 : i32
        %shift_right_logical3A_901 = vector.broadcast %shift_right_logical3A_900 : i32 to vector<8x1024xi32>
        %shift_right_logical3A_902 = arith.shrui %xor3A_895, %shift_right_logical3A_901 : vector<8x1024xi32>
        %or3A_903 = arith.ori %shift_left3A_899, %shift_right_logical3A_902 : vector<8x1024xi32>
        %xor3A_904 = arith.xori %or3A_903, %add3A_896 : vector<8x1024xi32>
        %add3A_905 = arith.constant 507451445 : i32
        %add3A_906 = vector.broadcast %add3A_905 : i32 to vector<8x1024xi32>
        %add3A_907 = arith.addi %add3A_896, %add3A_906 : vector<8x1024xi32>
        %add3A_908 = arith.constant 1853169797 : i32
        %add3A_909 = vector.broadcast %add3A_908 : i32 to vector<8x1024xi32>
        %add3A_910 = arith.addi %xor3A_904, %add3A_909 : vector<8x1024xi32>
        %add3A_911 = arith.addi %add3A_907, %add3A_910 : vector<8x1024xi32>
        %shift_left3A_912 = arith.constant 17 : i32
        %shift_left3A_913 = vector.broadcast %shift_left3A_912 : i32 to vector<8x1024xi32>
        %shift_left3A_914 = arith.shli %add3A_910, %shift_left3A_913 : vector<8x1024xi32>
        %shift_right_logical3A_915 = arith.constant 15 : i32
        %shift_right_logical3A_916 = vector.broadcast %shift_right_logical3A_915 : i32 to vector<8x1024xi32>
        %shift_right_logical3A_917 = arith.shrui %add3A_910, %shift_right_logical3A_916 : vector<8x1024xi32>
        %or3A_918 = arith.ori %shift_left3A_914, %shift_right_logical3A_917 : vector<8x1024xi32>
        %xor3A_919 = arith.xori %or3A_918, %add3A_911 : vector<8x1024xi32>
        %add3A_920 = arith.addi %add3A_911, %xor3A_919 : vector<8x1024xi32>
        %shift_left3A_921 = arith.constant 29 : i32
        %shift_left3A_922 = vector.broadcast %shift_left3A_921 : i32 to vector<8x1024xi32>
        %shift_left3A_923 = arith.shli %xor3A_919, %shift_left3A_922 : vector<8x1024xi32>
        %shift_right_logical3A_924 = arith.constant 3 : i32
        %shift_right_logical3A_925 = vector.broadcast %shift_right_logical3A_924 : i32 to vector<8x1024xi32>
        %shift_right_logical3A_926 = arith.shrui %xor3A_919, %shift_right_logical3A_925 : vector<8x1024xi32>
        %or3A_927 = arith.ori %shift_left3A_923, %shift_right_logical3A_926 : vector<8x1024xi32>
        %xor3A_928 = arith.xori %or3A_927, %add3A_920 : vector<8x1024xi32>
        %add3A_929 = arith.addi %add3A_920, %xor3A_928 : vector<8x1024xi32>
        %shift_left3A_930 = arith.constant 16 : i32
        %shift_left3A_931 = vector.broadcast %shift_left3A_930 : i32 to vector<8x1024xi32>
        %shift_left3A_932 = arith.shli %xor3A_928, %shift_left3A_931 : vector<8x1024xi32>
        %shift_right_logical3A_933 = arith.constant 16 : i32
        %shift_right_logical3A_934 = vector.broadcast %shift_right_logical3A_933 : i32 to vector<8x1024xi32>
        %shift_right_logical3A_935 = arith.shrui %xor3A_928, %shift_right_logical3A_934 : vector<8x1024xi32>
        %or3A_936 = arith.ori %shift_left3A_932, %shift_right_logical3A_935 : vector<8x1024xi32>
        %xor3A_937 = arith.xori %or3A_936, %add3A_929 : vector<8x1024xi32>
        %add3A_938 = arith.addi %add3A_929, %xor3A_937 : vector<8x1024xi32>
        %shift_left3A_939 = arith.constant 24 : i32
        %shift_left3A_940 = vector.broadcast %shift_left3A_939 : i32 to vector<8x1024xi32>
        %shift_left3A_941 = arith.shli %xor3A_937, %shift_left3A_940 : vector<8x1024xi32>
        %shift_right_logical3A_942 = arith.constant 8 : i32
        %shift_right_logical3A_943 = vector.broadcast %shift_right_logical3A_942 : i32 to vector<8x1024xi32>
        %shift_right_logical3A_944 = arith.shrui %xor3A_937, %shift_right_logical3A_943 : vector<8x1024xi32>
        %or3A_945 = arith.ori %shift_left3A_941, %shift_right_logical3A_944 : vector<8x1024xi32>
        %xor3A_946 = arith.xori %or3A_945, %add3A_938 : vector<8x1024xi32>
        %add3A_947 = arith.constant 1853169794 : i32
        %add3A_948 = vector.broadcast %add3A_947 : i32 to vector<8x1024xi32>
        %add3A_949 = arith.addi %add3A_938, %add3A_948 : vector<8x1024xi32>
        %add3A_950 = arith.constant 1805329265 : i32
        %add3A_951 = vector.broadcast %add3A_950 : i32 to vector<8x1024xi32>
        %add3A_952 = arith.addi %xor3A_946, %add3A_951 : vector<8x1024xi32>
        %add3A_953 = arith.addi %add3A_949, %add3A_952 : vector<8x1024xi32>
        %shift_left3A_954 = arith.constant 13 : i32
        %shift_left3A_955 = vector.broadcast %shift_left3A_954 : i32 to vector<8x1024xi32>
        %shift_left3A_956 = arith.shli %add3A_952, %shift_left3A_955 : vector<8x1024xi32>
        %shift_right_logical3A_957 = arith.constant 19 : i32
        %shift_right_logical3A_958 = vector.broadcast %shift_right_logical3A_957 : i32 to vector<8x1024xi32>
        %shift_right_logical3A_959 = arith.shrui %add3A_952, %shift_right_logical3A_958 : vector<8x1024xi32>
        %or3A_960 = arith.ori %shift_left3A_956, %shift_right_logical3A_959 : vector<8x1024xi32>
        %xor3A_961 = arith.xori %or3A_960, %add3A_953 : vector<8x1024xi32>
        %add3A_962 = arith.addi %add3A_953, %xor3A_961 : vector<8x1024xi32>
        %shift_left3A_963 = arith.constant 15 : i32
        %shift_left3A_964 = vector.broadcast %shift_left3A_963 : i32 to vector<8x1024xi32>
        %shift_left3A_965 = arith.shli %xor3A_961, %shift_left3A_964 : vector<8x1024xi32>
        %shift_right_logical3A_966 = arith.constant 17 : i32
        %shift_right_logical3A_967 = vector.broadcast %shift_right_logical3A_966 : i32 to vector<8x1024xi32>
        %shift_right_logical3A_968 = arith.shrui %xor3A_961, %shift_right_logical3A_967 : vector<8x1024xi32>
        %or3A_969 = arith.ori %shift_left3A_965, %shift_right_logical3A_968 : vector<8x1024xi32>
        %xor3A_970 = arith.xori %or3A_969, %add3A_962 : vector<8x1024xi32>
        %add3A_971 = arith.addi %add3A_962, %xor3A_970 : vector<8x1024xi32>
        %shift_left3A_972 = arith.constant 26 : i32
        %shift_left3A_973 = vector.broadcast %shift_left3A_972 : i32 to vector<8x1024xi32>
        %shift_left3A_974 = arith.shli %xor3A_970, %shift_left3A_973 : vector<8x1024xi32>
        %shift_right_logical3A_975 = arith.constant 6 : i32
        %shift_right_logical3A_976 = vector.broadcast %shift_right_logical3A_975 : i32 to vector<8x1024xi32>
        %shift_right_logical3A_977 = arith.shrui %xor3A_970, %shift_right_logical3A_976 : vector<8x1024xi32>
        %or3A_978 = arith.ori %shift_left3A_974, %shift_right_logical3A_977 : vector<8x1024xi32>
        %xor3A_979 = arith.xori %or3A_978, %add3A_971 : vector<8x1024xi32>
        %add3A_980 = arith.addi %add3A_971, %xor3A_979 : vector<8x1024xi32>
        %shift_left3A_981 = arith.constant 6 : i32
        %shift_left3A_982 = vector.broadcast %shift_left3A_981 : i32 to vector<8x1024xi32>
        %shift_left3A_983 = arith.shli %xor3A_979, %shift_left3A_982 : vector<8x1024xi32>
        %shift_right_logical3A_984 = arith.constant 26 : i32
        %shift_right_logical3A_985 = vector.broadcast %shift_right_logical3A_984 : i32 to vector<8x1024xi32>
        %shift_right_logical3A_986 = arith.shrui %xor3A_979, %shift_right_logical3A_985 : vector<8x1024xi32>
        %or3A_987 = arith.ori %shift_left3A_983, %shift_right_logical3A_986 : vector<8x1024xi32>
        %xor3A_988 = arith.xori %or3A_987, %add3A_980 : vector<8x1024xi32>
        %add3A_989 = arith.constant 1805329261 : i32
        %add3A_990 = vector.broadcast %add3A_989 : i32 to vector<8x1024xi32>
        %add3A_991 = arith.addi %add3A_980, %add3A_990 : vector<8x1024xi32>
        %add3A_992 = arith.constant 507451450 : i32
        %add3A_993 = vector.broadcast %add3A_992 : i32 to vector<8x1024xi32>
        %add3A_994 = arith.addi %xor3A_988, %add3A_993 : vector<8x1024xi32>
        %xor3A_995 = arith.xori %add3A_991, %add3A_994 : vector<8x1024xi32>
        %shift_right_logical3A_996 = arith.constant 9 : i32
        %shift_right_logical3A_997 = vector.broadcast %shift_right_logical3A_996 : i32 to vector<8x1024xi32>
        %shift_right_logical3A_998 = arith.shrui %xor3A_995, %shift_right_logical3A_997 : vector<8x1024xi32>
        %or3A_999 = arith.constant 1065353216 : i32
        %or3A_1000 = vector.broadcast %or3A_999 : i32 to vector<8x1024xi32>
        %or3A_1001 = arith.ori %shift_right_logical3A_998, %or3A_1000 : vector<8x1024xi32>
        %bitcast_convert_type3A_1002 = tpu.bitcast %or3A_1001 : vector<8x1024xi32> -> vector<8x1024xf32>
        %sub3A_1003 = arith.constant 1.000000e+00 : f32
        %sub3A_1004 = vector.broadcast %sub3A_1003 : f32 to vector<8x1024xf32>
        %sub3A_1005 = arith.subf %bitcast_convert_type3A_1002, %sub3A_1004 : vector<8x1024xf32>
        %get3A_1006 = arith.index_cast %add3A_778 : i32 to index
        %get3A_1007 = arith.constant 0 : index
        %get3A_1008 = vector.load %arg3[%get3A_1006, %get3A_1007] : memref<256x1024xf32, #tpu.memory_space<vmem>>, vector<1x1024xf32>
        %get3A_1009 = vector.shape_cast %get3A_1008 : vector<1x1024xf32> to vector<1024xf32>
        %log3A_1010 = math.log %sub3A_1005 : vector<8x1024xf32>
        %broadcast_in_dim3A_1011 = vector.shape_cast %get3A_1009 : vector<1024xf32> to vector<1x1024xf32>
        %broadcast_in_dim3A_1012 = vector.shape_cast %broadcast_in_dim3A_1011 : vector<1x1024xf32> to vector<1x1024xf32>
        %broadcast_in_dim3A_1013 = vector.broadcast %broadcast_in_dim3A_1012 : vector<1x1024xf32> to vector<8x1024xf32>
        %mul3A_1014 = arith.mulf %log3A_1010, %broadcast_in_dim3A_1013 : vector<8x1024xf32>
        %mul3A_1015 = arith.constant 8 : i32
        %mul3A_1016 = arith.muli %scan3A_56, %mul3A_1015 : i32
        %add3A_1017 = arith.constant 4 : i32
        %add3A_1018 = arith.addi %mul3A_1016, %add3A_1017 : i32
        %mul3A_1019 = arith.constant 1024 : i32
        %mul3A_1020 = arith.muli %add3A_1018, %mul3A_1019 : i32
        %add3A_1021 = arith.addi %add3A_31, %mul3A_1020 : i32
        %add3A_1022 = vector.broadcast %add3A_1021 : i32 to vector<8x1024xi32>
        %add3A_1023 = arith.addi %or3A, %add3A_1022 : vector<8x1024xi32>
        %add3A_1024 = vector.broadcast %add3A_11 : i32 to vector<8x1024xi32>
        %add3A_1025 = arith.addi %add3A_1024, %add3A_1023 : vector<8x1024xi32>
        %shift_left3A_1026 = arith.constant 13 : i32
        %shift_left3A_1027 = vector.broadcast %shift_left3A_1026 : i32 to vector<8x1024xi32>
        %shift_left3A_1028 = arith.shli %add3A_1023, %shift_left3A_1027 : vector<8x1024xi32>
        %shift_right_logical3A_1029 = arith.constant 19 : i32
        %shift_right_logical3A_1030 = vector.broadcast %shift_right_logical3A_1029 : i32 to vector<8x1024xi32>
        %shift_right_logical3A_1031 = arith.shrui %add3A_1023, %shift_right_logical3A_1030 : vector<8x1024xi32>
        %or3A_1032 = arith.ori %shift_left3A_1028, %shift_right_logical3A_1031 : vector<8x1024xi32>
        %xor3A_1033 = arith.xori %or3A_1032, %add3A_1025 : vector<8x1024xi32>
        %add3A_1034 = arith.addi %add3A_1025, %xor3A_1033 : vector<8x1024xi32>
        %shift_left3A_1035 = arith.constant 15 : i32
        %shift_left3A_1036 = vector.broadcast %shift_left3A_1035 : i32 to vector<8x1024xi32>
        %shift_left3A_1037 = arith.shli %xor3A_1033, %shift_left3A_1036 : vector<8x1024xi32>
        %shift_right_logical3A_1038 = arith.constant 17 : i32
        %shift_right_logical3A_1039 = vector.broadcast %shift_right_logical3A_1038 : i32 to vector<8x1024xi32>
        %shift_right_logical3A_1040 = arith.shrui %xor3A_1033, %shift_right_logical3A_1039 : vector<8x1024xi32>
        %or3A_1041 = arith.ori %shift_left3A_1037, %shift_right_logical3A_1040 : vector<8x1024xi32>
        %xor3A_1042 = arith.xori %or3A_1041, %add3A_1034 : vector<8x1024xi32>
        %add3A_1043 = arith.addi %add3A_1034, %xor3A_1042 : vector<8x1024xi32>
        %shift_left3A_1044 = arith.constant 26 : i32
        %shift_left3A_1045 = vector.broadcast %shift_left3A_1044 : i32 to vector<8x1024xi32>
        %shift_left3A_1046 = arith.shli %xor3A_1042, %shift_left3A_1045 : vector<8x1024xi32>
        %shift_right_logical3A_1047 = arith.constant 6 : i32
        %shift_right_logical3A_1048 = vector.broadcast %shift_right_logical3A_1047 : i32 to vector<8x1024xi32>
        %shift_right_logical3A_1049 = arith.shrui %xor3A_1042, %shift_right_logical3A_1048 : vector<8x1024xi32>
        %or3A_1050 = arith.ori %shift_left3A_1046, %shift_right_logical3A_1049 : vector<8x1024xi32>
        %xor3A_1051 = arith.xori %or3A_1050, %add3A_1043 : vector<8x1024xi32>
        %add3A_1052 = arith.addi %add3A_1043, %xor3A_1051 : vector<8x1024xi32>
        %shift_left3A_1053 = arith.constant 6 : i32
        %shift_left3A_1054 = vector.broadcast %shift_left3A_1053 : i32 to vector<8x1024xi32>
        %shift_left3A_1055 = arith.shli %xor3A_1051, %shift_left3A_1054 : vector<8x1024xi32>
        %shift_right_logical3A_1056 = arith.constant 26 : i32
        %shift_right_logical3A_1057 = vector.broadcast %shift_right_logical3A_1056 : i32 to vector<8x1024xi32>
        %shift_right_logical3A_1058 = arith.shrui %xor3A_1051, %shift_right_logical3A_1057 : vector<8x1024xi32>
        %or3A_1059 = arith.ori %shift_left3A_1055, %shift_right_logical3A_1058 : vector<8x1024xi32>
        %xor3A_1060 = arith.xori %or3A_1059, %add3A_1052 : vector<8x1024xi32>
        %add3A_1061 = arith.constant 1853169794 : i32
        %add3A_1062 = vector.broadcast %add3A_1061 : i32 to vector<8x1024xi32>
        %add3A_1063 = arith.addi %add3A_1052, %add3A_1062 : vector<8x1024xi32>
        %add3A_1064 = arith.constant 1805329262 : i32
        %add3A_1065 = vector.broadcast %add3A_1064 : i32 to vector<8x1024xi32>
        %add3A_1066 = arith.addi %xor3A_1060, %add3A_1065 : vector<8x1024xi32>
        %add3A_1067 = arith.addi %add3A_1063, %add3A_1066 : vector<8x1024xi32>
        %shift_left3A_1068 = arith.constant 17 : i32
        %shift_left3A_1069 = vector.broadcast %shift_left3A_1068 : i32 to vector<8x1024xi32>
        %shift_left3A_1070 = arith.shli %add3A_1066, %shift_left3A_1069 : vector<8x1024xi32>
        %shift_right_logical3A_1071 = arith.constant 15 : i32
        %shift_right_logical3A_1072 = vector.broadcast %shift_right_logical3A_1071 : i32 to vector<8x1024xi32>
        %shift_right_logical3A_1073 = arith.shrui %add3A_1066, %shift_right_logical3A_1072 : vector<8x1024xi32>
        %or3A_1074 = arith.ori %shift_left3A_1070, %shift_right_logical3A_1073 : vector<8x1024xi32>
        %xor3A_1075 = arith.xori %or3A_1074, %add3A_1067 : vector<8x1024xi32>
        %add3A_1076 = arith.addi %add3A_1067, %xor3A_1075 : vector<8x1024xi32>
        %shift_left3A_1077 = arith.constant 29 : i32
        %shift_left3A_1078 = vector.broadcast %shift_left3A_1077 : i32 to vector<8x1024xi32>
        %shift_left3A_1079 = arith.shli %xor3A_1075, %shift_left3A_1078 : vector<8x1024xi32>
        %shift_right_logical3A_1080 = arith.constant 3 : i32
        %shift_right_logical3A_1081 = vector.broadcast %shift_right_logical3A_1080 : i32 to vector<8x1024xi32>
        %shift_right_logical3A_1082 = arith.shrui %xor3A_1075, %shift_right_logical3A_1081 : vector<8x1024xi32>
        %or3A_1083 = arith.ori %shift_left3A_1079, %shift_right_logical3A_1082 : vector<8x1024xi32>
        %xor3A_1084 = arith.xori %or3A_1083, %add3A_1076 : vector<8x1024xi32>
        %add3A_1085 = arith.addi %add3A_1076, %xor3A_1084 : vector<8x1024xi32>
        %shift_left3A_1086 = arith.constant 16 : i32
        %shift_left3A_1087 = vector.broadcast %shift_left3A_1086 : i32 to vector<8x1024xi32>
        %shift_left3A_1088 = arith.shli %xor3A_1084, %shift_left3A_1087 : vector<8x1024xi32>
        %shift_right_logical3A_1089 = arith.constant 16 : i32
        %shift_right_logical3A_1090 = vector.broadcast %shift_right_logical3A_1089 : i32 to vector<8x1024xi32>
        %shift_right_logical3A_1091 = arith.shrui %xor3A_1084, %shift_right_logical3A_1090 : vector<8x1024xi32>
        %or3A_1092 = arith.ori %shift_left3A_1088, %shift_right_logical3A_1091 : vector<8x1024xi32>
        %xor3A_1093 = arith.xori %or3A_1092, %add3A_1085 : vector<8x1024xi32>
        %add3A_1094 = arith.addi %add3A_1085, %xor3A_1093 : vector<8x1024xi32>
        %shift_left3A_1095 = arith.constant 24 : i32
        %shift_left3A_1096 = vector.broadcast %shift_left3A_1095 : i32 to vector<8x1024xi32>
        %shift_left3A_1097 = arith.shli %xor3A_1093, %shift_left3A_1096 : vector<8x1024xi32>
        %shift_right_logical3A_1098 = arith.constant 8 : i32
        %shift_right_logical3A_1099 = vector.broadcast %shift_right_logical3A_1098 : i32 to vector<8x1024xi32>
        %shift_right_logical3A_1100 = arith.shrui %xor3A_1093, %shift_right_logical3A_1099 : vector<8x1024xi32>
        %or3A_1101 = arith.ori %shift_left3A_1097, %shift_right_logical3A_1100 : vector<8x1024xi32>
        %xor3A_1102 = arith.xori %or3A_1101, %add3A_1094 : vector<8x1024xi32>
        %add3A_1103 = arith.constant 1805329261 : i32
        %add3A_1104 = vector.broadcast %add3A_1103 : i32 to vector<8x1024xi32>
        %add3A_1105 = arith.addi %add3A_1094, %add3A_1104 : vector<8x1024xi32>
        %add3A_1106 = arith.constant 507451447 : i32
        %add3A_1107 = vector.broadcast %add3A_1106 : i32 to vector<8x1024xi32>
        %add3A_1108 = arith.addi %xor3A_1102, %add3A_1107 : vector<8x1024xi32>
        %add3A_1109 = arith.addi %add3A_1105, %add3A_1108 : vector<8x1024xi32>
        %shift_left3A_1110 = arith.constant 13 : i32
        %shift_left3A_1111 = vector.broadcast %shift_left3A_1110 : i32 to vector<8x1024xi32>
        %shift_left3A_1112 = arith.shli %add3A_1108, %shift_left3A_1111 : vector<8x1024xi32>
        %shift_right_logical3A_1113 = arith.constant 19 : i32
        %shift_right_logical3A_1114 = vector.broadcast %shift_right_logical3A_1113 : i32 to vector<8x1024xi32>
        %shift_right_logical3A_1115 = arith.shrui %add3A_1108, %shift_right_logical3A_1114 : vector<8x1024xi32>
        %or3A_1116 = arith.ori %shift_left3A_1112, %shift_right_logical3A_1115 : vector<8x1024xi32>
        %xor3A_1117 = arith.xori %or3A_1116, %add3A_1109 : vector<8x1024xi32>
        %add3A_1118 = arith.addi %add3A_1109, %xor3A_1117 : vector<8x1024xi32>
        %shift_left3A_1119 = arith.constant 15 : i32
        %shift_left3A_1120 = vector.broadcast %shift_left3A_1119 : i32 to vector<8x1024xi32>
        %shift_left3A_1121 = arith.shli %xor3A_1117, %shift_left3A_1120 : vector<8x1024xi32>
        %shift_right_logical3A_1122 = arith.constant 17 : i32
        %shift_right_logical3A_1123 = vector.broadcast %shift_right_logical3A_1122 : i32 to vector<8x1024xi32>
        %shift_right_logical3A_1124 = arith.shrui %xor3A_1117, %shift_right_logical3A_1123 : vector<8x1024xi32>
        %or3A_1125 = arith.ori %shift_left3A_1121, %shift_right_logical3A_1124 : vector<8x1024xi32>
        %xor3A_1126 = arith.xori %or3A_1125, %add3A_1118 : vector<8x1024xi32>
        %add3A_1127 = arith.addi %add3A_1118, %xor3A_1126 : vector<8x1024xi32>
        %shift_left3A_1128 = arith.constant 26 : i32
        %shift_left3A_1129 = vector.broadcast %shift_left3A_1128 : i32 to vector<8x1024xi32>
        %shift_left3A_1130 = arith.shli %xor3A_1126, %shift_left3A_1129 : vector<8x1024xi32>
        %shift_right_logical3A_1131 = arith.constant 6 : i32
        %shift_right_logical3A_1132 = vector.broadcast %shift_right_logical3A_1131 : i32 to vector<8x1024xi32>
        %shift_right_logical3A_1133 = arith.shrui %xor3A_1126, %shift_right_logical3A_1132 : vector<8x1024xi32>
        %or3A_1134 = arith.ori %shift_left3A_1130, %shift_right_logical3A_1133 : vector<8x1024xi32>
        %xor3A_1135 = arith.xori %or3A_1134, %add3A_1127 : vector<8x1024xi32>
        %add3A_1136 = arith.addi %add3A_1127, %xor3A_1135 : vector<8x1024xi32>
        %shift_left3A_1137 = arith.constant 6 : i32
        %shift_left3A_1138 = vector.broadcast %shift_left3A_1137 : i32 to vector<8x1024xi32>
        %shift_left3A_1139 = arith.shli %xor3A_1135, %shift_left3A_1138 : vector<8x1024xi32>
        %shift_right_logical3A_1140 = arith.constant 26 : i32
        %shift_right_logical3A_1141 = vector.broadcast %shift_right_logical3A_1140 : i32 to vector<8x1024xi32>
        %shift_right_logical3A_1142 = arith.shrui %xor3A_1135, %shift_right_logical3A_1141 : vector<8x1024xi32>
        %or3A_1143 = arith.ori %shift_left3A_1139, %shift_right_logical3A_1142 : vector<8x1024xi32>
        %xor3A_1144 = arith.xori %or3A_1143, %add3A_1136 : vector<8x1024xi32>
        %add3A_1145 = arith.constant 507451445 : i32
        %add3A_1146 = vector.broadcast %add3A_1145 : i32 to vector<8x1024xi32>
        %add3A_1147 = arith.addi %add3A_1136, %add3A_1146 : vector<8x1024xi32>
        %add3A_1148 = arith.constant 1853169797 : i32
        %add3A_1149 = vector.broadcast %add3A_1148 : i32 to vector<8x1024xi32>
        %add3A_1150 = arith.addi %xor3A_1144, %add3A_1149 : vector<8x1024xi32>
        %add3A_1151 = arith.addi %add3A_1147, %add3A_1150 : vector<8x1024xi32>
        %shift_left3A_1152 = arith.constant 17 : i32
        %shift_left3A_1153 = vector.broadcast %shift_left3A_1152 : i32 to vector<8x1024xi32>
        %shift_left3A_1154 = arith.shli %add3A_1150, %shift_left3A_1153 : vector<8x1024xi32>
        %shift_right_logical3A_1155 = arith.constant 15 : i32
        %shift_right_logical3A_1156 = vector.broadcast %shift_right_logical3A_1155 : i32 to vector<8x1024xi32>
        %shift_right_logical3A_1157 = arith.shrui %add3A_1150, %shift_right_logical3A_1156 : vector<8x1024xi32>
        %or3A_1158 = arith.ori %shift_left3A_1154, %shift_right_logical3A_1157 : vector<8x1024xi32>
        %xor3A_1159 = arith.xori %or3A_1158, %add3A_1151 : vector<8x1024xi32>
        %add3A_1160 = arith.addi %add3A_1151, %xor3A_1159 : vector<8x1024xi32>
        %shift_left3A_1161 = arith.constant 29 : i32
        %shift_left3A_1162 = vector.broadcast %shift_left3A_1161 : i32 to vector<8x1024xi32>
        %shift_left3A_1163 = arith.shli %xor3A_1159, %shift_left3A_1162 : vector<8x1024xi32>
        %shift_right_logical3A_1164 = arith.constant 3 : i32
        %shift_right_logical3A_1165 = vector.broadcast %shift_right_logical3A_1164 : i32 to vector<8x1024xi32>
        %shift_right_logical3A_1166 = arith.shrui %xor3A_1159, %shift_right_logical3A_1165 : vector<8x1024xi32>
        %or3A_1167 = arith.ori %shift_left3A_1163, %shift_right_logical3A_1166 : vector<8x1024xi32>
        %xor3A_1168 = arith.xori %or3A_1167, %add3A_1160 : vector<8x1024xi32>
        %add3A_1169 = arith.addi %add3A_1160, %xor3A_1168 : vector<8x1024xi32>
        %shift_left3A_1170 = arith.constant 16 : i32
        %shift_left3A_1171 = vector.broadcast %shift_left3A_1170 : i32 to vector<8x1024xi32>
        %shift_left3A_1172 = arith.shli %xor3A_1168, %shift_left3A_1171 : vector<8x1024xi32>
        %shift_right_logical3A_1173 = arith.constant 16 : i32
        %shift_right_logical3A_1174 = vector.broadcast %shift_right_logical3A_1173 : i32 to vector<8x1024xi32>
        %shift_right_logical3A_1175 = arith.shrui %xor3A_1168, %shift_right_logical3A_1174 : vector<8x1024xi32>
        %or3A_1176 = arith.ori %shift_left3A_1172, %shift_right_logical3A_1175 : vector<8x1024xi32>
        %xor3A_1177 = arith.xori %or3A_1176, %add3A_1169 : vector<8x1024xi32>
        %add3A_1178 = arith.addi %add3A_1169, %xor3A_1177 : vector<8x1024xi32>
        %shift_left3A_1179 = arith.constant 24 : i32
        %shift_left3A_1180 = vector.broadcast %shift_left3A_1179 : i32 to vector<8x1024xi32>
        %shift_left3A_1181 = arith.shli %xor3A_1177, %shift_left3A_1180 : vector<8x1024xi32>
        %shift_right_logical3A_1182 = arith.constant 8 : i32
        %shift_right_logical3A_1183 = vector.broadcast %shift_right_logical3A_1182 : i32 to vector<8x1024xi32>
        %shift_right_logical3A_1184 = arith.shrui %xor3A_1177, %shift_right_logical3A_1183 : vector<8x1024xi32>
        %or3A_1185 = arith.ori %shift_left3A_1181, %shift_right_logical3A_1184 : vector<8x1024xi32>
        %xor3A_1186 = arith.xori %or3A_1185, %add3A_1178 : vector<8x1024xi32>
        %add3A_1187 = arith.constant 1853169794 : i32
        %add3A_1188 = vector.broadcast %add3A_1187 : i32 to vector<8x1024xi32>
        %add3A_1189 = arith.addi %add3A_1178, %add3A_1188 : vector<8x1024xi32>
        %add3A_1190 = arith.constant 1805329265 : i32
        %add3A_1191 = vector.broadcast %add3A_1190 : i32 to vector<8x1024xi32>
        %add3A_1192 = arith.addi %xor3A_1186, %add3A_1191 : vector<8x1024xi32>
        %add3A_1193 = arith.addi %add3A_1189, %add3A_1192 : vector<8x1024xi32>
        %shift_left3A_1194 = arith.constant 13 : i32
        %shift_left3A_1195 = vector.broadcast %shift_left3A_1194 : i32 to vector<8x1024xi32>
        %shift_left3A_1196 = arith.shli %add3A_1192, %shift_left3A_1195 : vector<8x1024xi32>
        %shift_right_logical3A_1197 = arith.constant 19 : i32
        %shift_right_logical3A_1198 = vector.broadcast %shift_right_logical3A_1197 : i32 to vector<8x1024xi32>
        %shift_right_logical3A_1199 = arith.shrui %add3A_1192, %shift_right_logical3A_1198 : vector<8x1024xi32>
        %or3A_1200 = arith.ori %shift_left3A_1196, %shift_right_logical3A_1199 : vector<8x1024xi32>
        %xor3A_1201 = arith.xori %or3A_1200, %add3A_1193 : vector<8x1024xi32>
        %add3A_1202 = arith.addi %add3A_1193, %xor3A_1201 : vector<8x1024xi32>
        %shift_left3A_1203 = arith.constant 15 : i32
        %shift_left3A_1204 = vector.broadcast %shift_left3A_1203 : i32 to vector<8x1024xi32>
        %shift_left3A_1205 = arith.shli %xor3A_1201, %shift_left3A_1204 : vector<8x1024xi32>
        %shift_right_logical3A_1206 = arith.constant 17 : i32
        %shift_right_logical3A_1207 = vector.broadcast %shift_right_logical3A_1206 : i32 to vector<8x1024xi32>
        %shift_right_logical3A_1208 = arith.shrui %xor3A_1201, %shift_right_logical3A_1207 : vector<8x1024xi32>
        %or3A_1209 = arith.ori %shift_left3A_1205, %shift_right_logical3A_1208 : vector<8x1024xi32>
        %xor3A_1210 = arith.xori %or3A_1209, %add3A_1202 : vector<8x1024xi32>
        %add3A_1211 = arith.addi %add3A_1202, %xor3A_1210 : vector<8x1024xi32>
        %shift_left3A_1212 = arith.constant 26 : i32
        %shift_left3A_1213 = vector.broadcast %shift_left3A_1212 : i32 to vector<8x1024xi32>
        %shift_left3A_1214 = arith.shli %xor3A_1210, %shift_left3A_1213 : vector<8x1024xi32>
        %shift_right_logical3A_1215 = arith.constant 6 : i32
        %shift_right_logical3A_1216 = vector.broadcast %shift_right_logical3A_1215 : i32 to vector<8x1024xi32>
        %shift_right_logical3A_1217 = arith.shrui %xor3A_1210, %shift_right_logical3A_1216 : vector<8x1024xi32>
        %or3A_1218 = arith.ori %shift_left3A_1214, %shift_right_logical3A_1217 : vector<8x1024xi32>
        %xor3A_1219 = arith.xori %or3A_1218, %add3A_1211 : vector<8x1024xi32>
        %add3A_1220 = arith.addi %add3A_1211, %xor3A_1219 : vector<8x1024xi32>
        %shift_left3A_1221 = arith.constant 6 : i32
        %shift_left3A_1222 = vector.broadcast %shift_left3A_1221 : i32 to vector<8x1024xi32>
        %shift_left3A_1223 = arith.shli %xor3A_1219, %shift_left3A_1222 : vector<8x1024xi32>
        %shift_right_logical3A_1224 = arith.constant 26 : i32
        %shift_right_logical3A_1225 = vector.broadcast %shift_right_logical3A_1224 : i32 to vector<8x1024xi32>
        %shift_right_logical3A_1226 = arith.shrui %xor3A_1219, %shift_right_logical3A_1225 : vector<8x1024xi32>
        %or3A_1227 = arith.ori %shift_left3A_1223, %shift_right_logical3A_1226 : vector<8x1024xi32>
        %xor3A_1228 = arith.xori %or3A_1227, %add3A_1220 : vector<8x1024xi32>
        %add3A_1229 = arith.constant 1805329261 : i32
        %add3A_1230 = vector.broadcast %add3A_1229 : i32 to vector<8x1024xi32>
        %add3A_1231 = arith.addi %add3A_1220, %add3A_1230 : vector<8x1024xi32>
        %add3A_1232 = arith.constant 507451450 : i32
        %add3A_1233 = vector.broadcast %add3A_1232 : i32 to vector<8x1024xi32>
        %add3A_1234 = arith.addi %xor3A_1228, %add3A_1233 : vector<8x1024xi32>
        %xor3A_1235 = arith.xori %add3A_1231, %add3A_1234 : vector<8x1024xi32>
        %shift_right_logical3A_1236 = arith.constant 9 : i32
        %shift_right_logical3A_1237 = vector.broadcast %shift_right_logical3A_1236 : i32 to vector<8x1024xi32>
        %shift_right_logical3A_1238 = arith.shrui %xor3A_1235, %shift_right_logical3A_1237 : vector<8x1024xi32>
        %or3A_1239 = arith.constant 1065353216 : i32
        %or3A_1240 = vector.broadcast %or3A_1239 : i32 to vector<8x1024xi32>
        %or3A_1241 = arith.ori %shift_right_logical3A_1238, %or3A_1240 : vector<8x1024xi32>
        %bitcast_convert_type3A_1242 = tpu.bitcast %or3A_1241 : vector<8x1024xi32> -> vector<8x1024xf32>
        %sub3A_1243 = arith.constant 1.000000e+00 : f32
        %sub3A_1244 = vector.broadcast %sub3A_1243 : f32 to vector<8x1024xf32>
        %sub3A_1245 = arith.subf %bitcast_convert_type3A_1242, %sub3A_1244 : vector<8x1024xf32>
        %get3A_1246 = arith.index_cast %add3A_1018 : i32 to index
        %get3A_1247 = arith.constant 0 : index
        %get3A_1248 = vector.load %arg3[%get3A_1246, %get3A_1247] : memref<256x1024xf32, #tpu.memory_space<vmem>>, vector<1x1024xf32>
        %get3A_1249 = vector.shape_cast %get3A_1248 : vector<1x1024xf32> to vector<1024xf32>
        %log3A_1250 = math.log %sub3A_1245 : vector<8x1024xf32>
        %broadcast_in_dim3A_1251 = vector.shape_cast %get3A_1249 : vector<1024xf32> to vector<1x1024xf32>
        %broadcast_in_dim3A_1252 = vector.shape_cast %broadcast_in_dim3A_1251 : vector<1x1024xf32> to vector<1x1024xf32>
        %broadcast_in_dim3A_1253 = vector.broadcast %broadcast_in_dim3A_1252 : vector<1x1024xf32> to vector<8x1024xf32>
        %mul3A_1254 = arith.mulf %log3A_1250, %broadcast_in_dim3A_1253 : vector<8x1024xf32>
        %mul3A_1255 = arith.constant 8 : i32
        %mul3A_1256 = arith.muli %scan3A_56, %mul3A_1255 : i32
        %add3A_1257 = arith.constant 5 : i32
        %add3A_1258 = arith.addi %mul3A_1256, %add3A_1257 : i32
        %mul3A_1259 = arith.constant 1024 : i32
        %mul3A_1260 = arith.muli %add3A_1258, %mul3A_1259 : i32
        %add3A_1261 = arith.addi %add3A_31, %mul3A_1260 : i32
        %add3A_1262 = vector.broadcast %add3A_1261 : i32 to vector<8x1024xi32>
        %add3A_1263 = arith.addi %or3A, %add3A_1262 : vector<8x1024xi32>
        %add3A_1264 = vector.broadcast %add3A_11 : i32 to vector<8x1024xi32>
        %add3A_1265 = arith.addi %add3A_1264, %add3A_1263 : vector<8x1024xi32>
        %shift_left3A_1266 = arith.constant 13 : i32
        %shift_left3A_1267 = vector.broadcast %shift_left3A_1266 : i32 to vector<8x1024xi32>
        %shift_left3A_1268 = arith.shli %add3A_1263, %shift_left3A_1267 : vector<8x1024xi32>
        %shift_right_logical3A_1269 = arith.constant 19 : i32
        %shift_right_logical3A_1270 = vector.broadcast %shift_right_logical3A_1269 : i32 to vector<8x1024xi32>
        %shift_right_logical3A_1271 = arith.shrui %add3A_1263, %shift_right_logical3A_1270 : vector<8x1024xi32>
        %or3A_1272 = arith.ori %shift_left3A_1268, %shift_right_logical3A_1271 : vector<8x1024xi32>
        %xor3A_1273 = arith.xori %or3A_1272, %add3A_1265 : vector<8x1024xi32>
        %add3A_1274 = arith.addi %add3A_1265, %xor3A_1273 : vector<8x1024xi32>
        %shift_left3A_1275 = arith.constant 15 : i32
        %shift_left3A_1276 = vector.broadcast %shift_left3A_1275 : i32 to vector<8x1024xi32>
        %shift_left3A_1277 = arith.shli %xor3A_1273, %shift_left3A_1276 : vector<8x1024xi32>
        %shift_right_logical3A_1278 = arith.constant 17 : i32
        %shift_right_logical3A_1279 = vector.broadcast %shift_right_logical3A_1278 : i32 to vector<8x1024xi32>
        %shift_right_logical3A_1280 = arith.shrui %xor3A_1273, %shift_right_logical3A_1279 : vector<8x1024xi32>
        %or3A_1281 = arith.ori %shift_left3A_1277, %shift_right_logical3A_1280 : vector<8x1024xi32>
        %xor3A_1282 = arith.xori %or3A_1281, %add3A_1274 : vector<8x1024xi32>
        %add3A_1283 = arith.addi %add3A_1274, %xor3A_1282 : vector<8x1024xi32>
        %shift_left3A_1284 = arith.constant 26 : i32
        %shift_left3A_1285 = vector.broadcast %shift_left3A_1284 : i32 to vector<8x1024xi32>
        %shift_left3A_1286 = arith.shli %xor3A_1282, %shift_left3A_1285 : vector<8x1024xi32>
        %shift_right_logical3A_1287 = arith.constant 6 : i32
        %shift_right_logical3A_1288 = vector.broadcast %shift_right_logical3A_1287 : i32 to vector<8x1024xi32>
        %shift_right_logical3A_1289 = arith.shrui %xor3A_1282, %shift_right_logical3A_1288 : vector<8x1024xi32>
        %or3A_1290 = arith.ori %shift_left3A_1286, %shift_right_logical3A_1289 : vector<8x1024xi32>
        %xor3A_1291 = arith.xori %or3A_1290, %add3A_1283 : vector<8x1024xi32>
        %add3A_1292 = arith.addi %add3A_1283, %xor3A_1291 : vector<8x1024xi32>
        %shift_left3A_1293 = arith.constant 6 : i32
        %shift_left3A_1294 = vector.broadcast %shift_left3A_1293 : i32 to vector<8x1024xi32>
        %shift_left3A_1295 = arith.shli %xor3A_1291, %shift_left3A_1294 : vector<8x1024xi32>
        %shift_right_logical3A_1296 = arith.constant 26 : i32
        %shift_right_logical3A_1297 = vector.broadcast %shift_right_logical3A_1296 : i32 to vector<8x1024xi32>
        %shift_right_logical3A_1298 = arith.shrui %xor3A_1291, %shift_right_logical3A_1297 : vector<8x1024xi32>
        %or3A_1299 = arith.ori %shift_left3A_1295, %shift_right_logical3A_1298 : vector<8x1024xi32>
        %xor3A_1300 = arith.xori %or3A_1299, %add3A_1292 : vector<8x1024xi32>
        %add3A_1301 = arith.constant 1853169794 : i32
        %add3A_1302 = vector.broadcast %add3A_1301 : i32 to vector<8x1024xi32>
        %add3A_1303 = arith.addi %add3A_1292, %add3A_1302 : vector<8x1024xi32>
        %add3A_1304 = arith.constant 1805329262 : i32
        %add3A_1305 = vector.broadcast %add3A_1304 : i32 to vector<8x1024xi32>
        %add3A_1306 = arith.addi %xor3A_1300, %add3A_1305 : vector<8x1024xi32>
        %add3A_1307 = arith.addi %add3A_1303, %add3A_1306 : vector<8x1024xi32>
        %shift_left3A_1308 = arith.constant 17 : i32
        %shift_left3A_1309 = vector.broadcast %shift_left3A_1308 : i32 to vector<8x1024xi32>
        %shift_left3A_1310 = arith.shli %add3A_1306, %shift_left3A_1309 : vector<8x1024xi32>
        %shift_right_logical3A_1311 = arith.constant 15 : i32
        %shift_right_logical3A_1312 = vector.broadcast %shift_right_logical3A_1311 : i32 to vector<8x1024xi32>
        %shift_right_logical3A_1313 = arith.shrui %add3A_1306, %shift_right_logical3A_1312 : vector<8x1024xi32>
        %or3A_1314 = arith.ori %shift_left3A_1310, %shift_right_logical3A_1313 : vector<8x1024xi32>
        %xor3A_1315 = arith.xori %or3A_1314, %add3A_1307 : vector<8x1024xi32>
        %add3A_1316 = arith.addi %add3A_1307, %xor3A_1315 : vector<8x1024xi32>
        %shift_left3A_1317 = arith.constant 29 : i32
        %shift_left3A_1318 = vector.broadcast %shift_left3A_1317 : i32 to vector<8x1024xi32>
        %shift_left3A_1319 = arith.shli %xor3A_1315, %shift_left3A_1318 : vector<8x1024xi32>
        %shift_right_logical3A_1320 = arith.constant 3 : i32
        %shift_right_logical3A_1321 = vector.broadcast %shift_right_logical3A_1320 : i32 to vector<8x1024xi32>
        %shift_right_logical3A_1322 = arith.shrui %xor3A_1315, %shift_right_logical3A_1321 : vector<8x1024xi32>
        %or3A_1323 = arith.ori %shift_left3A_1319, %shift_right_logical3A_1322 : vector<8x1024xi32>
        %xor3A_1324 = arith.xori %or3A_1323, %add3A_1316 : vector<8x1024xi32>
        %add3A_1325 = arith.addi %add3A_1316, %xor3A_1324 : vector<8x1024xi32>
        %shift_left3A_1326 = arith.constant 16 : i32
        %shift_left3A_1327 = vector.broadcast %shift_left3A_1326 : i32 to vector<8x1024xi32>
        %shift_left3A_1328 = arith.shli %xor3A_1324, %shift_left3A_1327 : vector<8x1024xi32>
        %shift_right_logical3A_1329 = arith.constant 16 : i32
        %shift_right_logical3A_1330 = vector.broadcast %shift_right_logical3A_1329 : i32 to vector<8x1024xi32>
        %shift_right_logical3A_1331 = arith.shrui %xor3A_1324, %shift_right_logical3A_1330 : vector<8x1024xi32>
        %or3A_1332 = arith.ori %shift_left3A_1328, %shift_right_logical3A_1331 : vector<8x1024xi32>
        %xor3A_1333 = arith.xori %or3A_1332, %add3A_1325 : vector<8x1024xi32>
        %add3A_1334 = arith.addi %add3A_1325, %xor3A_1333 : vector<8x1024xi32>
        %shift_left3A_1335 = arith.constant 24 : i32
        %shift_left3A_1336 = vector.broadcast %shift_left3A_1335 : i32 to vector<8x1024xi32>
        %shift_left3A_1337 = arith.shli %xor3A_1333, %shift_left3A_1336 : vector<8x1024xi32>
        %shift_right_logical3A_1338 = arith.constant 8 : i32
        %shift_right_logical3A_1339 = vector.broadcast %shift_right_logical3A_1338 : i32 to vector<8x1024xi32>
        %shift_right_logical3A_1340 = arith.shrui %xor3A_1333, %shift_right_logical3A_1339 : vector<8x1024xi32>
        %or3A_1341 = arith.ori %shift_left3A_1337, %shift_right_logical3A_1340 : vector<8x1024xi32>
        %xor3A_1342 = arith.xori %or3A_1341, %add3A_1334 : vector<8x1024xi32>
        %add3A_1343 = arith.constant 1805329261 : i32
        %add3A_1344 = vector.broadcast %add3A_1343 : i32 to vector<8x1024xi32>
        %add3A_1345 = arith.addi %add3A_1334, %add3A_1344 : vector<8x1024xi32>
        %add3A_1346 = arith.constant 507451447 : i32
        %add3A_1347 = vector.broadcast %add3A_1346 : i32 to vector<8x1024xi32>
        %add3A_1348 = arith.addi %xor3A_1342, %add3A_1347 : vector<8x1024xi32>
        %add3A_1349 = arith.addi %add3A_1345, %add3A_1348 : vector<8x1024xi32>
        %shift_left3A_1350 = arith.constant 13 : i32
        %shift_left3A_1351 = vector.broadcast %shift_left3A_1350 : i32 to vector<8x1024xi32>
        %shift_left3A_1352 = arith.shli %add3A_1348, %shift_left3A_1351 : vector<8x1024xi32>
        %shift_right_logical3A_1353 = arith.constant 19 : i32
        %shift_right_logical3A_1354 = vector.broadcast %shift_right_logical3A_1353 : i32 to vector<8x1024xi32>
        %shift_right_logical3A_1355 = arith.shrui %add3A_1348, %shift_right_logical3A_1354 : vector<8x1024xi32>
        %or3A_1356 = arith.ori %shift_left3A_1352, %shift_right_logical3A_1355 : vector<8x1024xi32>
        %xor3A_1357 = arith.xori %or3A_1356, %add3A_1349 : vector<8x1024xi32>
        %add3A_1358 = arith.addi %add3A_1349, %xor3A_1357 : vector<8x1024xi32>
        %shift_left3A_1359 = arith.constant 15 : i32
        %shift_left3A_1360 = vector.broadcast %shift_left3A_1359 : i32 to vector<8x1024xi32>
        %shift_left3A_1361 = arith.shli %xor3A_1357, %shift_left3A_1360 : vector<8x1024xi32>
        %shift_right_logical3A_1362 = arith.constant 17 : i32
        %shift_right_logical3A_1363 = vector.broadcast %shift_right_logical3A_1362 : i32 to vector<8x1024xi32>
        %shift_right_logical3A_1364 = arith.shrui %xor3A_1357, %shift_right_logical3A_1363 : vector<8x1024xi32>
        %or3A_1365 = arith.ori %shift_left3A_1361, %shift_right_logical3A_1364 : vector<8x1024xi32>
        %xor3A_1366 = arith.xori %or3A_1365, %add3A_1358 : vector<8x1024xi32>
        %add3A_1367 = arith.addi %add3A_1358, %xor3A_1366 : vector<8x1024xi32>
        %shift_left3A_1368 = arith.constant 26 : i32
        %shift_left3A_1369 = vector.broadcast %shift_left3A_1368 : i32 to vector<8x1024xi32>
        %shift_left3A_1370 = arith.shli %xor3A_1366, %shift_left3A_1369 : vector<8x1024xi32>
        %shift_right_logical3A_1371 = arith.constant 6 : i32
        %shift_right_logical3A_1372 = vector.broadcast %shift_right_logical3A_1371 : i32 to vector<8x1024xi32>
        %shift_right_logical3A_1373 = arith.shrui %xor3A_1366, %shift_right_logical3A_1372 : vector<8x1024xi32>
        %or3A_1374 = arith.ori %shift_left3A_1370, %shift_right_logical3A_1373 : vector<8x1024xi32>
        %xor3A_1375 = arith.xori %or3A_1374, %add3A_1367 : vector<8x1024xi32>
        %add3A_1376 = arith.addi %add3A_1367, %xor3A_1375 : vector<8x1024xi32>
        %shift_left3A_1377 = arith.constant 6 : i32
        %shift_left3A_1378 = vector.broadcast %shift_left3A_1377 : i32 to vector<8x1024xi32>
        %shift_left3A_1379 = arith.shli %xor3A_1375, %shift_left3A_1378 : vector<8x1024xi32>
        %shift_right_logical3A_1380 = arith.constant 26 : i32
        %shift_right_logical3A_1381 = vector.broadcast %shift_right_logical3A_1380 : i32 to vector<8x1024xi32>
        %shift_right_logical3A_1382 = arith.shrui %xor3A_1375, %shift_right_logical3A_1381 : vector<8x1024xi32>
        %or3A_1383 = arith.ori %shift_left3A_1379, %shift_right_logical3A_1382 : vector<8x1024xi32>
        %xor3A_1384 = arith.xori %or3A_1383, %add3A_1376 : vector<8x1024xi32>
        %add3A_1385 = arith.constant 507451445 : i32
        %add3A_1386 = vector.broadcast %add3A_1385 : i32 to vector<8x1024xi32>
        %add3A_1387 = arith.addi %add3A_1376, %add3A_1386 : vector<8x1024xi32>
        %add3A_1388 = arith.constant 1853169797 : i32
        %add3A_1389 = vector.broadcast %add3A_1388 : i32 to vector<8x1024xi32>
        %add3A_1390 = arith.addi %xor3A_1384, %add3A_1389 : vector<8x1024xi32>
        %add3A_1391 = arith.addi %add3A_1387, %add3A_1390 : vector<8x1024xi32>
        %shift_left3A_1392 = arith.constant 17 : i32
        %shift_left3A_1393 = vector.broadcast %shift_left3A_1392 : i32 to vector<8x1024xi32>
        %shift_left3A_1394 = arith.shli %add3A_1390, %shift_left3A_1393 : vector<8x1024xi32>
        %shift_right_logical3A_1395 = arith.constant 15 : i32
        %shift_right_logical3A_1396 = vector.broadcast %shift_right_logical3A_1395 : i32 to vector<8x1024xi32>
        %shift_right_logical3A_1397 = arith.shrui %add3A_1390, %shift_right_logical3A_1396 : vector<8x1024xi32>
        %or3A_1398 = arith.ori %shift_left3A_1394, %shift_right_logical3A_1397 : vector<8x1024xi32>
        %xor3A_1399 = arith.xori %or3A_1398, %add3A_1391 : vector<8x1024xi32>
        %add3A_1400 = arith.addi %add3A_1391, %xor3A_1399 : vector<8x1024xi32>
        %shift_left3A_1401 = arith.constant 29 : i32
        %shift_left3A_1402 = vector.broadcast %shift_left3A_1401 : i32 to vector<8x1024xi32>
        %shift_left3A_1403 = arith.shli %xor3A_1399, %shift_left3A_1402 : vector<8x1024xi32>
        %shift_right_logical3A_1404 = arith.constant 3 : i32
        %shift_right_logical3A_1405 = vector.broadcast %shift_right_logical3A_1404 : i32 to vector<8x1024xi32>
        %shift_right_logical3A_1406 = arith.shrui %xor3A_1399, %shift_right_logical3A_1405 : vector<8x1024xi32>
        %or3A_1407 = arith.ori %shift_left3A_1403, %shift_right_logical3A_1406 : vector<8x1024xi32>
        %xor3A_1408 = arith.xori %or3A_1407, %add3A_1400 : vector<8x1024xi32>
        %add3A_1409 = arith.addi %add3A_1400, %xor3A_1408 : vector<8x1024xi32>
        %shift_left3A_1410 = arith.constant 16 : i32
        %shift_left3A_1411 = vector.broadcast %shift_left3A_1410 : i32 to vector<8x1024xi32>
        %shift_left3A_1412 = arith.shli %xor3A_1408, %shift_left3A_1411 : vector<8x1024xi32>
        %shift_right_logical3A_1413 = arith.constant 16 : i32
        %shift_right_logical3A_1414 = vector.broadcast %shift_right_logical3A_1413 : i32 to vector<8x1024xi32>
        %shift_right_logical3A_1415 = arith.shrui %xor3A_1408, %shift_right_logical3A_1414 : vector<8x1024xi32>
        %or3A_1416 = arith.ori %shift_left3A_1412, %shift_right_logical3A_1415 : vector<8x1024xi32>
        %xor3A_1417 = arith.xori %or3A_1416, %add3A_1409 : vector<8x1024xi32>
        %add3A_1418 = arith.addi %add3A_1409, %xor3A_1417 : vector<8x1024xi32>
        %shift_left3A_1419 = arith.constant 24 : i32
        %shift_left3A_1420 = vector.broadcast %shift_left3A_1419 : i32 to vector<8x1024xi32>
        %shift_left3A_1421 = arith.shli %xor3A_1417, %shift_left3A_1420 : vector<8x1024xi32>
        %shift_right_logical3A_1422 = arith.constant 8 : i32
        %shift_right_logical3A_1423 = vector.broadcast %shift_right_logical3A_1422 : i32 to vector<8x1024xi32>
        %shift_right_logical3A_1424 = arith.shrui %xor3A_1417, %shift_right_logical3A_1423 : vector<8x1024xi32>
        %or3A_1425 = arith.ori %shift_left3A_1421, %shift_right_logical3A_1424 : vector<8x1024xi32>
        %xor3A_1426 = arith.xori %or3A_1425, %add3A_1418 : vector<8x1024xi32>
        %add3A_1427 = arith.constant 1853169794 : i32
        %add3A_1428 = vector.broadcast %add3A_1427 : i32 to vector<8x1024xi32>
        %add3A_1429 = arith.addi %add3A_1418, %add3A_1428 : vector<8x1024xi32>
        %add3A_1430 = arith.constant 1805329265 : i32
        %add3A_1431 = vector.broadcast %add3A_1430 : i32 to vector<8x1024xi32>
        %add3A_1432 = arith.addi %xor3A_1426, %add3A_1431 : vector<8x1024xi32>
        %add3A_1433 = arith.addi %add3A_1429, %add3A_1432 : vector<8x1024xi32>
        %shift_left3A_1434 = arith.constant 13 : i32
        %shift_left3A_1435 = vector.broadcast %shift_left3A_1434 : i32 to vector<8x1024xi32>
        %shift_left3A_1436 = arith.shli %add3A_1432, %shift_left3A_1435 : vector<8x1024xi32>
        %shift_right_logical3A_1437 = arith.constant 19 : i32
        %shift_right_logical3A_1438 = vector.broadcast %shift_right_logical3A_1437 : i32 to vector<8x1024xi32>
        %shift_right_logical3A_1439 = arith.shrui %add3A_1432, %shift_right_logical3A_1438 : vector<8x1024xi32>
        %or3A_1440 = arith.ori %shift_left3A_1436, %shift_right_logical3A_1439 : vector<8x1024xi32>
        %xor3A_1441 = arith.xori %or3A_1440, %add3A_1433 : vector<8x1024xi32>
        %add3A_1442 = arith.addi %add3A_1433, %xor3A_1441 : vector<8x1024xi32>
        %shift_left3A_1443 = arith.constant 15 : i32
        %shift_left3A_1444 = vector.broadcast %shift_left3A_1443 : i32 to vector<8x1024xi32>
        %shift_left3A_1445 = arith.shli %xor3A_1441, %shift_left3A_1444 : vector<8x1024xi32>
        %shift_right_logical3A_1446 = arith.constant 17 : i32
        %shift_right_logical3A_1447 = vector.broadcast %shift_right_logical3A_1446 : i32 to vector<8x1024xi32>
        %shift_right_logical3A_1448 = arith.shrui %xor3A_1441, %shift_right_logical3A_1447 : vector<8x1024xi32>
        %or3A_1449 = arith.ori %shift_left3A_1445, %shift_right_logical3A_1448 : vector<8x1024xi32>
        %xor3A_1450 = arith.xori %or3A_1449, %add3A_1442 : vector<8x1024xi32>
        %add3A_1451 = arith.addi %add3A_1442, %xor3A_1450 : vector<8x1024xi32>
        %shift_left3A_1452 = arith.constant 26 : i32
        %shift_left3A_1453 = vector.broadcast %shift_left3A_1452 : i32 to vector<8x1024xi32>
        %shift_left3A_1454 = arith.shli %xor3A_1450, %shift_left3A_1453 : vector<8x1024xi32>
        %shift_right_logical3A_1455 = arith.constant 6 : i32
        %shift_right_logical3A_1456 = vector.broadcast %shift_right_logical3A_1455 : i32 to vector<8x1024xi32>
        %shift_right_logical3A_1457 = arith.shrui %xor3A_1450, %shift_right_logical3A_1456 : vector<8x1024xi32>
        %or3A_1458 = arith.ori %shift_left3A_1454, %shift_right_logical3A_1457 : vector<8x1024xi32>
        %xor3A_1459 = arith.xori %or3A_1458, %add3A_1451 : vector<8x1024xi32>
        %add3A_1460 = arith.addi %add3A_1451, %xor3A_1459 : vector<8x1024xi32>
        %shift_left3A_1461 = arith.constant 6 : i32
        %shift_left3A_1462 = vector.broadcast %shift_left3A_1461 : i32 to vector<8x1024xi32>
        %shift_left3A_1463 = arith.shli %xor3A_1459, %shift_left3A_1462 : vector<8x1024xi32>
        %shift_right_logical3A_1464 = arith.constant 26 : i32
        %shift_right_logical3A_1465 = vector.broadcast %shift_right_logical3A_1464 : i32 to vector<8x1024xi32>
        %shift_right_logical3A_1466 = arith.shrui %xor3A_1459, %shift_right_logical3A_1465 : vector<8x1024xi32>
        %or3A_1467 = arith.ori %shift_left3A_1463, %shift_right_logical3A_1466 : vector<8x1024xi32>
        %xor3A_1468 = arith.xori %or3A_1467, %add3A_1460 : vector<8x1024xi32>
        %add3A_1469 = arith.constant 1805329261 : i32
        %add3A_1470 = vector.broadcast %add3A_1469 : i32 to vector<8x1024xi32>
        %add3A_1471 = arith.addi %add3A_1460, %add3A_1470 : vector<8x1024xi32>
        %add3A_1472 = arith.constant 507451450 : i32
        %add3A_1473 = vector.broadcast %add3A_1472 : i32 to vector<8x1024xi32>
        %add3A_1474 = arith.addi %xor3A_1468, %add3A_1473 : vector<8x1024xi32>
        %xor3A_1475 = arith.xori %add3A_1471, %add3A_1474 : vector<8x1024xi32>
        %shift_right_logical3A_1476 = arith.constant 9 : i32
        %shift_right_logical3A_1477 = vector.broadcast %shift_right_logical3A_1476 : i32 to vector<8x1024xi32>
        %shift_right_logical3A_1478 = arith.shrui %xor3A_1475, %shift_right_logical3A_1477 : vector<8x1024xi32>
        %or3A_1479 = arith.constant 1065353216 : i32
        %or3A_1480 = vector.broadcast %or3A_1479 : i32 to vector<8x1024xi32>
        %or3A_1481 = arith.ori %shift_right_logical3A_1478, %or3A_1480 : vector<8x1024xi32>
        %bitcast_convert_type3A_1482 = tpu.bitcast %or3A_1481 : vector<8x1024xi32> -> vector<8x1024xf32>
        %sub3A_1483 = arith.constant 1.000000e+00 : f32
        %sub3A_1484 = vector.broadcast %sub3A_1483 : f32 to vector<8x1024xf32>
        %sub3A_1485 = arith.subf %bitcast_convert_type3A_1482, %sub3A_1484 : vector<8x1024xf32>
        %get3A_1486 = arith.index_cast %add3A_1258 : i32 to index
        %get3A_1487 = arith.constant 0 : index
        %get3A_1488 = vector.load %arg3[%get3A_1486, %get3A_1487] : memref<256x1024xf32, #tpu.memory_space<vmem>>, vector<1x1024xf32>
        %get3A_1489 = vector.shape_cast %get3A_1488 : vector<1x1024xf32> to vector<1024xf32>
        %log3A_1490 = math.log %sub3A_1485 : vector<8x1024xf32>
        %broadcast_in_dim3A_1491 = vector.shape_cast %get3A_1489 : vector<1024xf32> to vector<1x1024xf32>
        %broadcast_in_dim3A_1492 = vector.shape_cast %broadcast_in_dim3A_1491 : vector<1x1024xf32> to vector<1x1024xf32>
        %broadcast_in_dim3A_1493 = vector.broadcast %broadcast_in_dim3A_1492 : vector<1x1024xf32> to vector<8x1024xf32>
        %mul3A_1494 = arith.mulf %log3A_1490, %broadcast_in_dim3A_1493 : vector<8x1024xf32>
        %mul3A_1495 = arith.constant 8 : i32
        %mul3A_1496 = arith.muli %scan3A_56, %mul3A_1495 : i32
        %add3A_1497 = arith.constant 6 : i32
        %add3A_1498 = arith.addi %mul3A_1496, %add3A_1497 : i32
        %mul3A_1499 = arith.constant 1024 : i32
        %mul3A_1500 = arith.muli %add3A_1498, %mul3A_1499 : i32
        %add3A_1501 = arith.addi %add3A_31, %mul3A_1500 : i32
        %add3A_1502 = vector.broadcast %add3A_1501 : i32 to vector<8x1024xi32>
        %add3A_1503 = arith.addi %or3A, %add3A_1502 : vector<8x1024xi32>
        %add3A_1504 = vector.broadcast %add3A_11 : i32 to vector<8x1024xi32>
        %add3A_1505 = arith.addi %add3A_1504, %add3A_1503 : vector<8x1024xi32>
        %shift_left3A_1506 = arith.constant 13 : i32
        %shift_left3A_1507 = vector.broadcast %shift_left3A_1506 : i32 to vector<8x1024xi32>
        %shift_left3A_1508 = arith.shli %add3A_1503, %shift_left3A_1507 : vector<8x1024xi32>
        %shift_right_logical3A_1509 = arith.constant 19 : i32
        %shift_right_logical3A_1510 = vector.broadcast %shift_right_logical3A_1509 : i32 to vector<8x1024xi32>
        %shift_right_logical3A_1511 = arith.shrui %add3A_1503, %shift_right_logical3A_1510 : vector<8x1024xi32>
        %or3A_1512 = arith.ori %shift_left3A_1508, %shift_right_logical3A_1511 : vector<8x1024xi32>
        %xor3A_1513 = arith.xori %or3A_1512, %add3A_1505 : vector<8x1024xi32>
        %add3A_1514 = arith.addi %add3A_1505, %xor3A_1513 : vector<8x1024xi32>
        %shift_left3A_1515 = arith.constant 15 : i32
        %shift_left3A_1516 = vector.broadcast %shift_left3A_1515 : i32 to vector<8x1024xi32>
        %shift_left3A_1517 = arith.shli %xor3A_1513, %shift_left3A_1516 : vector<8x1024xi32>
        %shift_right_logical3A_1518 = arith.constant 17 : i32
        %shift_right_logical3A_1519 = vector.broadcast %shift_right_logical3A_1518 : i32 to vector<8x1024xi32>
        %shift_right_logical3A_1520 = arith.shrui %xor3A_1513, %shift_right_logical3A_1519 : vector<8x1024xi32>
        %or3A_1521 = arith.ori %shift_left3A_1517, %shift_right_logical3A_1520 : vector<8x1024xi32>
        %xor3A_1522 = arith.xori %or3A_1521, %add3A_1514 : vector<8x1024xi32>
        %add3A_1523 = arith.addi %add3A_1514, %xor3A_1522 : vector<8x1024xi32>
        %shift_left3A_1524 = arith.constant 26 : i32
        %shift_left3A_1525 = vector.broadcast %shift_left3A_1524 : i32 to vector<8x1024xi32>
        %shift_left3A_1526 = arith.shli %xor3A_1522, %shift_left3A_1525 : vector<8x1024xi32>
        %shift_right_logical3A_1527 = arith.constant 6 : i32
        %shift_right_logical3A_1528 = vector.broadcast %shift_right_logical3A_1527 : i32 to vector<8x1024xi32>
        %shift_right_logical3A_1529 = arith.shrui %xor3A_1522, %shift_right_logical3A_1528 : vector<8x1024xi32>
        %or3A_1530 = arith.ori %shift_left3A_1526, %shift_right_logical3A_1529 : vector<8x1024xi32>
        %xor3A_1531 = arith.xori %or3A_1530, %add3A_1523 : vector<8x1024xi32>
        %add3A_1532 = arith.addi %add3A_1523, %xor3A_1531 : vector<8x1024xi32>
        %shift_left3A_1533 = arith.constant 6 : i32
        %shift_left3A_1534 = vector.broadcast %shift_left3A_1533 : i32 to vector<8x1024xi32>
        %shift_left3A_1535 = arith.shli %xor3A_1531, %shift_left3A_1534 : vector<8x1024xi32>
        %shift_right_logical3A_1536 = arith.constant 26 : i32
        %shift_right_logical3A_1537 = vector.broadcast %shift_right_logical3A_1536 : i32 to vector<8x1024xi32>
        %shift_right_logical3A_1538 = arith.shrui %xor3A_1531, %shift_right_logical3A_1537 : vector<8x1024xi32>
        %or3A_1539 = arith.ori %shift_left3A_1535, %shift_right_logical3A_1538 : vector<8x1024xi32>
        %xor3A_1540 = arith.xori %or3A_1539, %add3A_1532 : vector<8x1024xi32>
        %add3A_1541 = arith.constant 1853169794 : i32
        %add3A_1542 = vector.broadcast %add3A_1541 : i32 to vector<8x1024xi32>
        %add3A_1543 = arith.addi %add3A_1532, %add3A_1542 : vector<8x1024xi32>
        %add3A_1544 = arith.constant 1805329262 : i32
        %add3A_1545 = vector.broadcast %add3A_1544 : i32 to vector<8x1024xi32>
        %add3A_1546 = arith.addi %xor3A_1540, %add3A_1545 : vector<8x1024xi32>
        %add3A_1547 = arith.addi %add3A_1543, %add3A_1546 : vector<8x1024xi32>
        %shift_left3A_1548 = arith.constant 17 : i32
        %shift_left3A_1549 = vector.broadcast %shift_left3A_1548 : i32 to vector<8x1024xi32>
        %shift_left3A_1550 = arith.shli %add3A_1546, %shift_left3A_1549 : vector<8x1024xi32>
        %shift_right_logical3A_1551 = arith.constant 15 : i32
        %shift_right_logical3A_1552 = vector.broadcast %shift_right_logical3A_1551 : i32 to vector<8x1024xi32>
        %shift_right_logical3A_1553 = arith.shrui %add3A_1546, %shift_right_logical3A_1552 : vector<8x1024xi32>
        %or3A_1554 = arith.ori %shift_left3A_1550, %shift_right_logical3A_1553 : vector<8x1024xi32>
        %xor3A_1555 = arith.xori %or3A_1554, %add3A_1547 : vector<8x1024xi32>
        %add3A_1556 = arith.addi %add3A_1547, %xor3A_1555 : vector<8x1024xi32>
        %shift_left3A_1557 = arith.constant 29 : i32
        %shift_left3A_1558 = vector.broadcast %shift_left3A_1557 : i32 to vector<8x1024xi32>
        %shift_left3A_1559 = arith.shli %xor3A_1555, %shift_left3A_1558 : vector<8x1024xi32>
        %shift_right_logical3A_1560 = arith.constant 3 : i32
        %shift_right_logical3A_1561 = vector.broadcast %shift_right_logical3A_1560 : i32 to vector<8x1024xi32>
        %shift_right_logical3A_1562 = arith.shrui %xor3A_1555, %shift_right_logical3A_1561 : vector<8x1024xi32>
        %or3A_1563 = arith.ori %shift_left3A_1559, %shift_right_logical3A_1562 : vector<8x1024xi32>
        %xor3A_1564 = arith.xori %or3A_1563, %add3A_1556 : vector<8x1024xi32>
        %add3A_1565 = arith.addi %add3A_1556, %xor3A_1564 : vector<8x1024xi32>
        %shift_left3A_1566 = arith.constant 16 : i32
        %shift_left3A_1567 = vector.broadcast %shift_left3A_1566 : i32 to vector<8x1024xi32>
        %shift_left3A_1568 = arith.shli %xor3A_1564, %shift_left3A_1567 : vector<8x1024xi32>
        %shift_right_logical3A_1569 = arith.constant 16 : i32
        %shift_right_logical3A_1570 = vector.broadcast %shift_right_logical3A_1569 : i32 to vector<8x1024xi32>
        %shift_right_logical3A_1571 = arith.shrui %xor3A_1564, %shift_right_logical3A_1570 : vector<8x1024xi32>
        %or3A_1572 = arith.ori %shift_left3A_1568, %shift_right_logical3A_1571 : vector<8x1024xi32>
        %xor3A_1573 = arith.xori %or3A_1572, %add3A_1565 : vector<8x1024xi32>
        %add3A_1574 = arith.addi %add3A_1565, %xor3A_1573 : vector<8x1024xi32>
        %shift_left3A_1575 = arith.constant 24 : i32
        %shift_left3A_1576 = vector.broadcast %shift_left3A_1575 : i32 to vector<8x1024xi32>
        %shift_left3A_1577 = arith.shli %xor3A_1573, %shift_left3A_1576 : vector<8x1024xi32>
        %shift_right_logical3A_1578 = arith.constant 8 : i32
        %shift_right_logical3A_1579 = vector.broadcast %shift_right_logical3A_1578 : i32 to vector<8x1024xi32>
        %shift_right_logical3A_1580 = arith.shrui %xor3A_1573, %shift_right_logical3A_1579 : vector<8x1024xi32>
        %or3A_1581 = arith.ori %shift_left3A_1577, %shift_right_logical3A_1580 : vector<8x1024xi32>
        %xor3A_1582 = arith.xori %or3A_1581, %add3A_1574 : vector<8x1024xi32>
        %add3A_1583 = arith.constant 1805329261 : i32
        %add3A_1584 = vector.broadcast %add3A_1583 : i32 to vector<8x1024xi32>
        %add3A_1585 = arith.addi %add3A_1574, %add3A_1584 : vector<8x1024xi32>
        %add3A_1586 = arith.constant 507451447 : i32
        %add3A_1587 = vector.broadcast %add3A_1586 : i32 to vector<8x1024xi32>
        %add3A_1588 = arith.addi %xor3A_1582, %add3A_1587 : vector<8x1024xi32>
        %add3A_1589 = arith.addi %add3A_1585, %add3A_1588 : vector<8x1024xi32>
        %shift_left3A_1590 = arith.constant 13 : i32
        %shift_left3A_1591 = vector.broadcast %shift_left3A_1590 : i32 to vector<8x1024xi32>
        %shift_left3A_1592 = arith.shli %add3A_1588, %shift_left3A_1591 : vector<8x1024xi32>
        %shift_right_logical3A_1593 = arith.constant 19 : i32
        %shift_right_logical3A_1594 = vector.broadcast %shift_right_logical3A_1593 : i32 to vector<8x1024xi32>
        %shift_right_logical3A_1595 = arith.shrui %add3A_1588, %shift_right_logical3A_1594 : vector<8x1024xi32>
        %or3A_1596 = arith.ori %shift_left3A_1592, %shift_right_logical3A_1595 : vector<8x1024xi32>
        %xor3A_1597 = arith.xori %or3A_1596, %add3A_1589 : vector<8x1024xi32>
        %add3A_1598 = arith.addi %add3A_1589, %xor3A_1597 : vector<8x1024xi32>
        %shift_left3A_1599 = arith.constant 15 : i32
        %shift_left3A_1600 = vector.broadcast %shift_left3A_1599 : i32 to vector<8x1024xi32>
        %shift_left3A_1601 = arith.shli %xor3A_1597, %shift_left3A_1600 : vector<8x1024xi32>
        %shift_right_logical3A_1602 = arith.constant 17 : i32
        %shift_right_logical3A_1603 = vector.broadcast %shift_right_logical3A_1602 : i32 to vector<8x1024xi32>
        %shift_right_logical3A_1604 = arith.shrui %xor3A_1597, %shift_right_logical3A_1603 : vector<8x1024xi32>
        %or3A_1605 = arith.ori %shift_left3A_1601, %shift_right_logical3A_1604 : vector<8x1024xi32>
        %xor3A_1606 = arith.xori %or3A_1605, %add3A_1598 : vector<8x1024xi32>
        %add3A_1607 = arith.addi %add3A_1598, %xor3A_1606 : vector<8x1024xi32>
        %shift_left3A_1608 = arith.constant 26 : i32
        %shift_left3A_1609 = vector.broadcast %shift_left3A_1608 : i32 to vector<8x1024xi32>
        %shift_left3A_1610 = arith.shli %xor3A_1606, %shift_left3A_1609 : vector<8x1024xi32>
        %shift_right_logical3A_1611 = arith.constant 6 : i32
        %shift_right_logical3A_1612 = vector.broadcast %shift_right_logical3A_1611 : i32 to vector<8x1024xi32>
        %shift_right_logical3A_1613 = arith.shrui %xor3A_1606, %shift_right_logical3A_1612 : vector<8x1024xi32>
        %or3A_1614 = arith.ori %shift_left3A_1610, %shift_right_logical3A_1613 : vector<8x1024xi32>
        %xor3A_1615 = arith.xori %or3A_1614, %add3A_1607 : vector<8x1024xi32>
        %add3A_1616 = arith.addi %add3A_1607, %xor3A_1615 : vector<8x1024xi32>
        %shift_left3A_1617 = arith.constant 6 : i32
        %shift_left3A_1618 = vector.broadcast %shift_left3A_1617 : i32 to vector<8x1024xi32>
        %shift_left3A_1619 = arith.shli %xor3A_1615, %shift_left3A_1618 : vector<8x1024xi32>
        %shift_right_logical3A_1620 = arith.constant 26 : i32
        %shift_right_logical3A_1621 = vector.broadcast %shift_right_logical3A_1620 : i32 to vector<8x1024xi32>
        %shift_right_logical3A_1622 = arith.shrui %xor3A_1615, %shift_right_logical3A_1621 : vector<8x1024xi32>
        %or3A_1623 = arith.ori %shift_left3A_1619, %shift_right_logical3A_1622 : vector<8x1024xi32>
        %xor3A_1624 = arith.xori %or3A_1623, %add3A_1616 : vector<8x1024xi32>
        %add3A_1625 = arith.constant 507451445 : i32
        %add3A_1626 = vector.broadcast %add3A_1625 : i32 to vector<8x1024xi32>
        %add3A_1627 = arith.addi %add3A_1616, %add3A_1626 : vector<8x1024xi32>
        %add3A_1628 = arith.constant 1853169797 : i32
        %add3A_1629 = vector.broadcast %add3A_1628 : i32 to vector<8x1024xi32>
        %add3A_1630 = arith.addi %xor3A_1624, %add3A_1629 : vector<8x1024xi32>
        %add3A_1631 = arith.addi %add3A_1627, %add3A_1630 : vector<8x1024xi32>
        %shift_left3A_1632 = arith.constant 17 : i32
        %shift_left3A_1633 = vector.broadcast %shift_left3A_1632 : i32 to vector<8x1024xi32>
        %shift_left3A_1634 = arith.shli %add3A_1630, %shift_left3A_1633 : vector<8x1024xi32>
        %shift_right_logical3A_1635 = arith.constant 15 : i32
        %shift_right_logical3A_1636 = vector.broadcast %shift_right_logical3A_1635 : i32 to vector<8x1024xi32>
        %shift_right_logical3A_1637 = arith.shrui %add3A_1630, %shift_right_logical3A_1636 : vector<8x1024xi32>
        %or3A_1638 = arith.ori %shift_left3A_1634, %shift_right_logical3A_1637 : vector<8x1024xi32>
        %xor3A_1639 = arith.xori %or3A_1638, %add3A_1631 : vector<8x1024xi32>
        %add3A_1640 = arith.addi %add3A_1631, %xor3A_1639 : vector<8x1024xi32>
        %shift_left3A_1641 = arith.constant 29 : i32
        %shift_left3A_1642 = vector.broadcast %shift_left3A_1641 : i32 to vector<8x1024xi32>
        %shift_left3A_1643 = arith.shli %xor3A_1639, %shift_left3A_1642 : vector<8x1024xi32>
        %shift_right_logical3A_1644 = arith.constant 3 : i32
        %shift_right_logical3A_1645 = vector.broadcast %shift_right_logical3A_1644 : i32 to vector<8x1024xi32>
        %shift_right_logical3A_1646 = arith.shrui %xor3A_1639, %shift_right_logical3A_1645 : vector<8x1024xi32>
        %or3A_1647 = arith.ori %shift_left3A_1643, %shift_right_logical3A_1646 : vector<8x1024xi32>
        %xor3A_1648 = arith.xori %or3A_1647, %add3A_1640 : vector<8x1024xi32>
        %add3A_1649 = arith.addi %add3A_1640, %xor3A_1648 : vector<8x1024xi32>
        %shift_left3A_1650 = arith.constant 16 : i32
        %shift_left3A_1651 = vector.broadcast %shift_left3A_1650 : i32 to vector<8x1024xi32>
        %shift_left3A_1652 = arith.shli %xor3A_1648, %shift_left3A_1651 : vector<8x1024xi32>
        %shift_right_logical3A_1653 = arith.constant 16 : i32
        %shift_right_logical3A_1654 = vector.broadcast %shift_right_logical3A_1653 : i32 to vector<8x1024xi32>
        %shift_right_logical3A_1655 = arith.shrui %xor3A_1648, %shift_right_logical3A_1654 : vector<8x1024xi32>
        %or3A_1656 = arith.ori %shift_left3A_1652, %shift_right_logical3A_1655 : vector<8x1024xi32>
        %xor3A_1657 = arith.xori %or3A_1656, %add3A_1649 : vector<8x1024xi32>
        %add3A_1658 = arith.addi %add3A_1649, %xor3A_1657 : vector<8x1024xi32>
        %shift_left3A_1659 = arith.constant 24 : i32
        %shift_left3A_1660 = vector.broadcast %shift_left3A_1659 : i32 to vector<8x1024xi32>
        %shift_left3A_1661 = arith.shli %xor3A_1657, %shift_left3A_1660 : vector<8x1024xi32>
        %shift_right_logical3A_1662 = arith.constant 8 : i32
        %shift_right_logical3A_1663 = vector.broadcast %shift_right_logical3A_1662 : i32 to vector<8x1024xi32>
        %shift_right_logical3A_1664 = arith.shrui %xor3A_1657, %shift_right_logical3A_1663 : vector<8x1024xi32>
        %or3A_1665 = arith.ori %shift_left3A_1661, %shift_right_logical3A_1664 : vector<8x1024xi32>
        %xor3A_1666 = arith.xori %or3A_1665, %add3A_1658 : vector<8x1024xi32>
        %add3A_1667 = arith.constant 1853169794 : i32
        %add3A_1668 = vector.broadcast %add3A_1667 : i32 to vector<8x1024xi32>
        %add3A_1669 = arith.addi %add3A_1658, %add3A_1668 : vector<8x1024xi32>
        %add3A_1670 = arith.constant 1805329265 : i32
        %add3A_1671 = vector.broadcast %add3A_1670 : i32 to vector<8x1024xi32>
        %add3A_1672 = arith.addi %xor3A_1666, %add3A_1671 : vector<8x1024xi32>
        %add3A_1673 = arith.addi %add3A_1669, %add3A_1672 : vector<8x1024xi32>
        %shift_left3A_1674 = arith.constant 13 : i32
        %shift_left3A_1675 = vector.broadcast %shift_left3A_1674 : i32 to vector<8x1024xi32>
        %shift_left3A_1676 = arith.shli %add3A_1672, %shift_left3A_1675 : vector<8x1024xi32>
        %shift_right_logical3A_1677 = arith.constant 19 : i32
        %shift_right_logical3A_1678 = vector.broadcast %shift_right_logical3A_1677 : i32 to vector<8x1024xi32>
        %shift_right_logical3A_1679 = arith.shrui %add3A_1672, %shift_right_logical3A_1678 : vector<8x1024xi32>
        %or3A_1680 = arith.ori %shift_left3A_1676, %shift_right_logical3A_1679 : vector<8x1024xi32>
        %xor3A_1681 = arith.xori %or3A_1680, %add3A_1673 : vector<8x1024xi32>
        %add3A_1682 = arith.addi %add3A_1673, %xor3A_1681 : vector<8x1024xi32>
        %shift_left3A_1683 = arith.constant 15 : i32
        %shift_left3A_1684 = vector.broadcast %shift_left3A_1683 : i32 to vector<8x1024xi32>
        %shift_left3A_1685 = arith.shli %xor3A_1681, %shift_left3A_1684 : vector<8x1024xi32>
        %shift_right_logical3A_1686 = arith.constant 17 : i32
        %shift_right_logical3A_1687 = vector.broadcast %shift_right_logical3A_1686 : i32 to vector<8x1024xi32>
        %shift_right_logical3A_1688 = arith.shrui %xor3A_1681, %shift_right_logical3A_1687 : vector<8x1024xi32>
        %or3A_1689 = arith.ori %shift_left3A_1685, %shift_right_logical3A_1688 : vector<8x1024xi32>
        %xor3A_1690 = arith.xori %or3A_1689, %add3A_1682 : vector<8x1024xi32>
        %add3A_1691 = arith.addi %add3A_1682, %xor3A_1690 : vector<8x1024xi32>
        %shift_left3A_1692 = arith.constant 26 : i32
        %shift_left3A_1693 = vector.broadcast %shift_left3A_1692 : i32 to vector<8x1024xi32>
        %shift_left3A_1694 = arith.shli %xor3A_1690, %shift_left3A_1693 : vector<8x1024xi32>
        %shift_right_logical3A_1695 = arith.constant 6 : i32
        %shift_right_logical3A_1696 = vector.broadcast %shift_right_logical3A_1695 : i32 to vector<8x1024xi32>
        %shift_right_logical3A_1697 = arith.shrui %xor3A_1690, %shift_right_logical3A_1696 : vector<8x1024xi32>
        %or3A_1698 = arith.ori %shift_left3A_1694, %shift_right_logical3A_1697 : vector<8x1024xi32>
        %xor3A_1699 = arith.xori %or3A_1698, %add3A_1691 : vector<8x1024xi32>
        %add3A_1700 = arith.addi %add3A_1691, %xor3A_1699 : vector<8x1024xi32>
        %shift_left3A_1701 = arith.constant 6 : i32
        %shift_left3A_1702 = vector.broadcast %shift_left3A_1701 : i32 to vector<8x1024xi32>
        %shift_left3A_1703 = arith.shli %xor3A_1699, %shift_left3A_1702 : vector<8x1024xi32>
        %shift_right_logical3A_1704 = arith.constant 26 : i32
        %shift_right_logical3A_1705 = vector.broadcast %shift_right_logical3A_1704 : i32 to vector<8x1024xi32>
        %shift_right_logical3A_1706 = arith.shrui %xor3A_1699, %shift_right_logical3A_1705 : vector<8x1024xi32>
        %or3A_1707 = arith.ori %shift_left3A_1703, %shift_right_logical3A_1706 : vector<8x1024xi32>
        %xor3A_1708 = arith.xori %or3A_1707, %add3A_1700 : vector<8x1024xi32>
        %add3A_1709 = arith.constant 1805329261 : i32
        %add3A_1710 = vector.broadcast %add3A_1709 : i32 to vector<8x1024xi32>
        %add3A_1711 = arith.addi %add3A_1700, %add3A_1710 : vector<8x1024xi32>
        %add3A_1712 = arith.constant 507451450 : i32
        %add3A_1713 = vector.broadcast %add3A_1712 : i32 to vector<8x1024xi32>
        %add3A_1714 = arith.addi %xor3A_1708, %add3A_1713 : vector<8x1024xi32>
        %xor3A_1715 = arith.xori %add3A_1711, %add3A_1714 : vector<8x1024xi32>
        %shift_right_logical3A_1716 = arith.constant 9 : i32
        %shift_right_logical3A_1717 = vector.broadcast %shift_right_logical3A_1716 : i32 to vector<8x1024xi32>
        %shift_right_logical3A_1718 = arith.shrui %xor3A_1715, %shift_right_logical3A_1717 : vector<8x1024xi32>
        %or3A_1719 = arith.constant 1065353216 : i32
        %or3A_1720 = vector.broadcast %or3A_1719 : i32 to vector<8x1024xi32>
        %or3A_1721 = arith.ori %shift_right_logical3A_1718, %or3A_1720 : vector<8x1024xi32>
        %bitcast_convert_type3A_1722 = tpu.bitcast %or3A_1721 : vector<8x1024xi32> -> vector<8x1024xf32>
        %sub3A_1723 = arith.constant 1.000000e+00 : f32
        %sub3A_1724 = vector.broadcast %sub3A_1723 : f32 to vector<8x1024xf32>
        %sub3A_1725 = arith.subf %bitcast_convert_type3A_1722, %sub3A_1724 : vector<8x1024xf32>
        %get3A_1726 = arith.index_cast %add3A_1498 : i32 to index
        %get3A_1727 = arith.constant 0 : index
        %get3A_1728 = vector.load %arg3[%get3A_1726, %get3A_1727] : memref<256x1024xf32, #tpu.memory_space<vmem>>, vector<1x1024xf32>
        %get3A_1729 = vector.shape_cast %get3A_1728 : vector<1x1024xf32> to vector<1024xf32>
        %log3A_1730 = math.log %sub3A_1725 : vector<8x1024xf32>
        %broadcast_in_dim3A_1731 = vector.shape_cast %get3A_1729 : vector<1024xf32> to vector<1x1024xf32>
        %broadcast_in_dim3A_1732 = vector.shape_cast %broadcast_in_dim3A_1731 : vector<1x1024xf32> to vector<1x1024xf32>
        %broadcast_in_dim3A_1733 = vector.broadcast %broadcast_in_dim3A_1732 : vector<1x1024xf32> to vector<8x1024xf32>
        %mul3A_1734 = arith.mulf %log3A_1730, %broadcast_in_dim3A_1733 : vector<8x1024xf32>
        %mul3A_1735 = arith.constant 8 : i32
        %mul3A_1736 = arith.muli %scan3A_56, %mul3A_1735 : i32
        %add3A_1737 = arith.constant 7 : i32
        %add3A_1738 = arith.addi %mul3A_1736, %add3A_1737 : i32
        %mul3A_1739 = arith.constant 1024 : i32
        %mul3A_1740 = arith.muli %add3A_1738, %mul3A_1739 : i32
        %add3A_1741 = arith.addi %add3A_31, %mul3A_1740 : i32
        %add3A_1742 = vector.broadcast %add3A_1741 : i32 to vector<8x1024xi32>
        %add3A_1743 = arith.addi %or3A, %add3A_1742 : vector<8x1024xi32>
        %add3A_1744 = vector.broadcast %add3A_11 : i32 to vector<8x1024xi32>
        %add3A_1745 = arith.addi %add3A_1744, %add3A_1743 : vector<8x1024xi32>
        %shift_left3A_1746 = arith.constant 13 : i32
        %shift_left3A_1747 = vector.broadcast %shift_left3A_1746 : i32 to vector<8x1024xi32>
        %shift_left3A_1748 = arith.shli %add3A_1743, %shift_left3A_1747 : vector<8x1024xi32>
        %shift_right_logical3A_1749 = arith.constant 19 : i32
        %shift_right_logical3A_1750 = vector.broadcast %shift_right_logical3A_1749 : i32 to vector<8x1024xi32>
        %shift_right_logical3A_1751 = arith.shrui %add3A_1743, %shift_right_logical3A_1750 : vector<8x1024xi32>
        %or3A_1752 = arith.ori %shift_left3A_1748, %shift_right_logical3A_1751 : vector<8x1024xi32>
        %xor3A_1753 = arith.xori %or3A_1752, %add3A_1745 : vector<8x1024xi32>
        %add3A_1754 = arith.addi %add3A_1745, %xor3A_1753 : vector<8x1024xi32>
        %shift_left3A_1755 = arith.constant 15 : i32
        %shift_left3A_1756 = vector.broadcast %shift_left3A_1755 : i32 to vector<8x1024xi32>
        %shift_left3A_1757 = arith.shli %xor3A_1753, %shift_left3A_1756 : vector<8x1024xi32>
        %shift_right_logical3A_1758 = arith.constant 17 : i32
        %shift_right_logical3A_1759 = vector.broadcast %shift_right_logical3A_1758 : i32 to vector<8x1024xi32>
        %shift_right_logical3A_1760 = arith.shrui %xor3A_1753, %shift_right_logical3A_1759 : vector<8x1024xi32>
        %or3A_1761 = arith.ori %shift_left3A_1757, %shift_right_logical3A_1760 : vector<8x1024xi32>
        %xor3A_1762 = arith.xori %or3A_1761, %add3A_1754 : vector<8x1024xi32>
        %add3A_1763 = arith.addi %add3A_1754, %xor3A_1762 : vector<8x1024xi32>
        %shift_left3A_1764 = arith.constant 26 : i32
        %shift_left3A_1765 = vector.broadcast %shift_left3A_1764 : i32 to vector<8x1024xi32>
        %shift_left3A_1766 = arith.shli %xor3A_1762, %shift_left3A_1765 : vector<8x1024xi32>
        %shift_right_logical3A_1767 = arith.constant 6 : i32
        %shift_right_logical3A_1768 = vector.broadcast %shift_right_logical3A_1767 : i32 to vector<8x1024xi32>
        %shift_right_logical3A_1769 = arith.shrui %xor3A_1762, %shift_right_logical3A_1768 : vector<8x1024xi32>
        %or3A_1770 = arith.ori %shift_left3A_1766, %shift_right_logical3A_1769 : vector<8x1024xi32>
        %xor3A_1771 = arith.xori %or3A_1770, %add3A_1763 : vector<8x1024xi32>
        %add3A_1772 = arith.addi %add3A_1763, %xor3A_1771 : vector<8x1024xi32>
        %shift_left3A_1773 = arith.constant 6 : i32
        %shift_left3A_1774 = vector.broadcast %shift_left3A_1773 : i32 to vector<8x1024xi32>
        %shift_left3A_1775 = arith.shli %xor3A_1771, %shift_left3A_1774 : vector<8x1024xi32>
        %shift_right_logical3A_1776 = arith.constant 26 : i32
        %shift_right_logical3A_1777 = vector.broadcast %shift_right_logical3A_1776 : i32 to vector<8x1024xi32>
        %shift_right_logical3A_1778 = arith.shrui %xor3A_1771, %shift_right_logical3A_1777 : vector<8x1024xi32>
        %or3A_1779 = arith.ori %shift_left3A_1775, %shift_right_logical3A_1778 : vector<8x1024xi32>
        %xor3A_1780 = arith.xori %or3A_1779, %add3A_1772 : vector<8x1024xi32>
        %add3A_1781 = arith.constant 1853169794 : i32
        %add3A_1782 = vector.broadcast %add3A_1781 : i32 to vector<8x1024xi32>
        %add3A_1783 = arith.addi %add3A_1772, %add3A_1782 : vector<8x1024xi32>
        %add3A_1784 = arith.constant 1805329262 : i32
        %add3A_1785 = vector.broadcast %add3A_1784 : i32 to vector<8x1024xi32>
        %add3A_1786 = arith.addi %xor3A_1780, %add3A_1785 : vector<8x1024xi32>
        %add3A_1787 = arith.addi %add3A_1783, %add3A_1786 : vector<8x1024xi32>
        %shift_left3A_1788 = arith.constant 17 : i32
        %shift_left3A_1789 = vector.broadcast %shift_left3A_1788 : i32 to vector<8x1024xi32>
        %shift_left3A_1790 = arith.shli %add3A_1786, %shift_left3A_1789 : vector<8x1024xi32>
        %shift_right_logical3A_1791 = arith.constant 15 : i32
        %shift_right_logical3A_1792 = vector.broadcast %shift_right_logical3A_1791 : i32 to vector<8x1024xi32>
        %shift_right_logical3A_1793 = arith.shrui %add3A_1786, %shift_right_logical3A_1792 : vector<8x1024xi32>
        %or3A_1794 = arith.ori %shift_left3A_1790, %shift_right_logical3A_1793 : vector<8x1024xi32>
        %xor3A_1795 = arith.xori %or3A_1794, %add3A_1787 : vector<8x1024xi32>
        %add3A_1796 = arith.addi %add3A_1787, %xor3A_1795 : vector<8x1024xi32>
        %shift_left3A_1797 = arith.constant 29 : i32
        %shift_left3A_1798 = vector.broadcast %shift_left3A_1797 : i32 to vector<8x1024xi32>
        %shift_left3A_1799 = arith.shli %xor3A_1795, %shift_left3A_1798 : vector<8x1024xi32>
        %shift_right_logical3A_1800 = arith.constant 3 : i32
        %shift_right_logical3A_1801 = vector.broadcast %shift_right_logical3A_1800 : i32 to vector<8x1024xi32>
        %shift_right_logical3A_1802 = arith.shrui %xor3A_1795, %shift_right_logical3A_1801 : vector<8x1024xi32>
        %or3A_1803 = arith.ori %shift_left3A_1799, %shift_right_logical3A_1802 : vector<8x1024xi32>
        %xor3A_1804 = arith.xori %or3A_1803, %add3A_1796 : vector<8x1024xi32>
        %add3A_1805 = arith.addi %add3A_1796, %xor3A_1804 : vector<8x1024xi32>
        %shift_left3A_1806 = arith.constant 16 : i32
        %shift_left3A_1807 = vector.broadcast %shift_left3A_1806 : i32 to vector<8x1024xi32>
        %shift_left3A_1808 = arith.shli %xor3A_1804, %shift_left3A_1807 : vector<8x1024xi32>
        %shift_right_logical3A_1809 = arith.constant 16 : i32
        %shift_right_logical3A_1810 = vector.broadcast %shift_right_logical3A_1809 : i32 to vector<8x1024xi32>
        %shift_right_logical3A_1811 = arith.shrui %xor3A_1804, %shift_right_logical3A_1810 : vector<8x1024xi32>
        %or3A_1812 = arith.ori %shift_left3A_1808, %shift_right_logical3A_1811 : vector<8x1024xi32>
        %xor3A_1813 = arith.xori %or3A_1812, %add3A_1805 : vector<8x1024xi32>
        %add3A_1814 = arith.addi %add3A_1805, %xor3A_1813 : vector<8x1024xi32>
        %shift_left3A_1815 = arith.constant 24 : i32
        %shift_left3A_1816 = vector.broadcast %shift_left3A_1815 : i32 to vector<8x1024xi32>
        %shift_left3A_1817 = arith.shli %xor3A_1813, %shift_left3A_1816 : vector<8x1024xi32>
        %shift_right_logical3A_1818 = arith.constant 8 : i32
        %shift_right_logical3A_1819 = vector.broadcast %shift_right_logical3A_1818 : i32 to vector<8x1024xi32>
        %shift_right_logical3A_1820 = arith.shrui %xor3A_1813, %shift_right_logical3A_1819 : vector<8x1024xi32>
        %or3A_1821 = arith.ori %shift_left3A_1817, %shift_right_logical3A_1820 : vector<8x1024xi32>
        %xor3A_1822 = arith.xori %or3A_1821, %add3A_1814 : vector<8x1024xi32>
        %add3A_1823 = arith.constant 1805329261 : i32
        %add3A_1824 = vector.broadcast %add3A_1823 : i32 to vector<8x1024xi32>
        %add3A_1825 = arith.addi %add3A_1814, %add3A_1824 : vector<8x1024xi32>
        %add3A_1826 = arith.constant 507451447 : i32
        %add3A_1827 = vector.broadcast %add3A_1826 : i32 to vector<8x1024xi32>
        %add3A_1828 = arith.addi %xor3A_1822, %add3A_1827 : vector<8x1024xi32>
        %add3A_1829 = arith.addi %add3A_1825, %add3A_1828 : vector<8x1024xi32>
        %shift_left3A_1830 = arith.constant 13 : i32
        %shift_left3A_1831 = vector.broadcast %shift_left3A_1830 : i32 to vector<8x1024xi32>
        %shift_left3A_1832 = arith.shli %add3A_1828, %shift_left3A_1831 : vector<8x1024xi32>
        %shift_right_logical3A_1833 = arith.constant 19 : i32
        %shift_right_logical3A_1834 = vector.broadcast %shift_right_logical3A_1833 : i32 to vector<8x1024xi32>
        %shift_right_logical3A_1835 = arith.shrui %add3A_1828, %shift_right_logical3A_1834 : vector<8x1024xi32>
        %or3A_1836 = arith.ori %shift_left3A_1832, %shift_right_logical3A_1835 : vector<8x1024xi32>
        %xor3A_1837 = arith.xori %or3A_1836, %add3A_1829 : vector<8x1024xi32>
        %add3A_1838 = arith.addi %add3A_1829, %xor3A_1837 : vector<8x1024xi32>
        %shift_left3A_1839 = arith.constant 15 : i32
        %shift_left3A_1840 = vector.broadcast %shift_left3A_1839 : i32 to vector<8x1024xi32>
        %shift_left3A_1841 = arith.shli %xor3A_1837, %shift_left3A_1840 : vector<8x1024xi32>
        %shift_right_logical3A_1842 = arith.constant 17 : i32
        %shift_right_logical3A_1843 = vector.broadcast %shift_right_logical3A_1842 : i32 to vector<8x1024xi32>
        %shift_right_logical3A_1844 = arith.shrui %xor3A_1837, %shift_right_logical3A_1843 : vector<8x1024xi32>
        %or3A_1845 = arith.ori %shift_left3A_1841, %shift_right_logical3A_1844 : vector<8x1024xi32>
        %xor3A_1846 = arith.xori %or3A_1845, %add3A_1838 : vector<8x1024xi32>
        %add3A_1847 = arith.addi %add3A_1838, %xor3A_1846 : vector<8x1024xi32>
        %shift_left3A_1848 = arith.constant 26 : i32
        %shift_left3A_1849 = vector.broadcast %shift_left3A_1848 : i32 to vector<8x1024xi32>
        %shift_left3A_1850 = arith.shli %xor3A_1846, %shift_left3A_1849 : vector<8x1024xi32>
        %shift_right_logical3A_1851 = arith.constant 6 : i32
        %shift_right_logical3A_1852 = vector.broadcast %shift_right_logical3A_1851 : i32 to vector<8x1024xi32>
        %shift_right_logical3A_1853 = arith.shrui %xor3A_1846, %shift_right_logical3A_1852 : vector<8x1024xi32>
        %or3A_1854 = arith.ori %shift_left3A_1850, %shift_right_logical3A_1853 : vector<8x1024xi32>
        %xor3A_1855 = arith.xori %or3A_1854, %add3A_1847 : vector<8x1024xi32>
        %add3A_1856 = arith.addi %add3A_1847, %xor3A_1855 : vector<8x1024xi32>
        %shift_left3A_1857 = arith.constant 6 : i32
        %shift_left3A_1858 = vector.broadcast %shift_left3A_1857 : i32 to vector<8x1024xi32>
        %shift_left3A_1859 = arith.shli %xor3A_1855, %shift_left3A_1858 : vector<8x1024xi32>
        %shift_right_logical3A_1860 = arith.constant 26 : i32
        %shift_right_logical3A_1861 = vector.broadcast %shift_right_logical3A_1860 : i32 to vector<8x1024xi32>
        %shift_right_logical3A_1862 = arith.shrui %xor3A_1855, %shift_right_logical3A_1861 : vector<8x1024xi32>
        %or3A_1863 = arith.ori %shift_left3A_1859, %shift_right_logical3A_1862 : vector<8x1024xi32>
        %xor3A_1864 = arith.xori %or3A_1863, %add3A_1856 : vector<8x1024xi32>
        %add3A_1865 = arith.constant 507451445 : i32
        %add3A_1866 = vector.broadcast %add3A_1865 : i32 to vector<8x1024xi32>
        %add3A_1867 = arith.addi %add3A_1856, %add3A_1866 : vector<8x1024xi32>
        %add3A_1868 = arith.constant 1853169797 : i32
        %add3A_1869 = vector.broadcast %add3A_1868 : i32 to vector<8x1024xi32>
        %add3A_1870 = arith.addi %xor3A_1864, %add3A_1869 : vector<8x1024xi32>
        %add3A_1871 = arith.addi %add3A_1867, %add3A_1870 : vector<8x1024xi32>
        %shift_left3A_1872 = arith.constant 17 : i32
        %shift_left3A_1873 = vector.broadcast %shift_left3A_1872 : i32 to vector<8x1024xi32>
        %shift_left3A_1874 = arith.shli %add3A_1870, %shift_left3A_1873 : vector<8x1024xi32>
        %shift_right_logical3A_1875 = arith.constant 15 : i32
        %shift_right_logical3A_1876 = vector.broadcast %shift_right_logical3A_1875 : i32 to vector<8x1024xi32>
        %shift_right_logical3A_1877 = arith.shrui %add3A_1870, %shift_right_logical3A_1876 : vector<8x1024xi32>
        %or3A_1878 = arith.ori %shift_left3A_1874, %shift_right_logical3A_1877 : vector<8x1024xi32>
        %xor3A_1879 = arith.xori %or3A_1878, %add3A_1871 : vector<8x1024xi32>
        %add3A_1880 = arith.addi %add3A_1871, %xor3A_1879 : vector<8x1024xi32>
        %shift_left3A_1881 = arith.constant 29 : i32
        %shift_left3A_1882 = vector.broadcast %shift_left3A_1881 : i32 to vector<8x1024xi32>
        %shift_left3A_1883 = arith.shli %xor3A_1879, %shift_left3A_1882 : vector<8x1024xi32>
        %shift_right_logical3A_1884 = arith.constant 3 : i32
        %shift_right_logical3A_1885 = vector.broadcast %shift_right_logical3A_1884 : i32 to vector<8x1024xi32>
        %shift_right_logical3A_1886 = arith.shrui %xor3A_1879, %shift_right_logical3A_1885 : vector<8x1024xi32>
        %or3A_1887 = arith.ori %shift_left3A_1883, %shift_right_logical3A_1886 : vector<8x1024xi32>
        %xor3A_1888 = arith.xori %or3A_1887, %add3A_1880 : vector<8x1024xi32>
        %add3A_1889 = arith.addi %add3A_1880, %xor3A_1888 : vector<8x1024xi32>
        %shift_left3A_1890 = arith.constant 16 : i32
        %shift_left3A_1891 = vector.broadcast %shift_left3A_1890 : i32 to vector<8x1024xi32>
        %shift_left3A_1892 = arith.shli %xor3A_1888, %shift_left3A_1891 : vector<8x1024xi32>
        %shift_right_logical3A_1893 = arith.constant 16 : i32
        %shift_right_logical3A_1894 = vector.broadcast %shift_right_logical3A_1893 : i32 to vector<8x1024xi32>
        %shift_right_logical3A_1895 = arith.shrui %xor3A_1888, %shift_right_logical3A_1894 : vector<8x1024xi32>
        %or3A_1896 = arith.ori %shift_left3A_1892, %shift_right_logical3A_1895 : vector<8x1024xi32>
        %xor3A_1897 = arith.xori %or3A_1896, %add3A_1889 : vector<8x1024xi32>
        %add3A_1898 = arith.addi %add3A_1889, %xor3A_1897 : vector<8x1024xi32>
        %shift_left3A_1899 = arith.constant 24 : i32
        %shift_left3A_1900 = vector.broadcast %shift_left3A_1899 : i32 to vector<8x1024xi32>
        %shift_left3A_1901 = arith.shli %xor3A_1897, %shift_left3A_1900 : vector<8x1024xi32>
        %shift_right_logical3A_1902 = arith.constant 8 : i32
        %shift_right_logical3A_1903 = vector.broadcast %shift_right_logical3A_1902 : i32 to vector<8x1024xi32>
        %shift_right_logical3A_1904 = arith.shrui %xor3A_1897, %shift_right_logical3A_1903 : vector<8x1024xi32>
        %or3A_1905 = arith.ori %shift_left3A_1901, %shift_right_logical3A_1904 : vector<8x1024xi32>
        %xor3A_1906 = arith.xori %or3A_1905, %add3A_1898 : vector<8x1024xi32>
        %add3A_1907 = arith.constant 1853169794 : i32
        %add3A_1908 = vector.broadcast %add3A_1907 : i32 to vector<8x1024xi32>
        %add3A_1909 = arith.addi %add3A_1898, %add3A_1908 : vector<8x1024xi32>
        %add3A_1910 = arith.constant 1805329265 : i32
        %add3A_1911 = vector.broadcast %add3A_1910 : i32 to vector<8x1024xi32>
        %add3A_1912 = arith.addi %xor3A_1906, %add3A_1911 : vector<8x1024xi32>
        %add3A_1913 = arith.addi %add3A_1909, %add3A_1912 : vector<8x1024xi32>
        %shift_left3A_1914 = arith.constant 13 : i32
        %shift_left3A_1915 = vector.broadcast %shift_left3A_1914 : i32 to vector<8x1024xi32>
        %shift_left3A_1916 = arith.shli %add3A_1912, %shift_left3A_1915 : vector<8x1024xi32>
        %shift_right_logical3A_1917 = arith.constant 19 : i32
        %shift_right_logical3A_1918 = vector.broadcast %shift_right_logical3A_1917 : i32 to vector<8x1024xi32>
        %shift_right_logical3A_1919 = arith.shrui %add3A_1912, %shift_right_logical3A_1918 : vector<8x1024xi32>
        %or3A_1920 = arith.ori %shift_left3A_1916, %shift_right_logical3A_1919 : vector<8x1024xi32>
        %xor3A_1921 = arith.xori %or3A_1920, %add3A_1913 : vector<8x1024xi32>
        %add3A_1922 = arith.addi %add3A_1913, %xor3A_1921 : vector<8x1024xi32>
        %shift_left3A_1923 = arith.constant 15 : i32
        %shift_left3A_1924 = vector.broadcast %shift_left3A_1923 : i32 to vector<8x1024xi32>
        %shift_left3A_1925 = arith.shli %xor3A_1921, %shift_left3A_1924 : vector<8x1024xi32>
        %shift_right_logical3A_1926 = arith.constant 17 : i32
        %shift_right_logical3A_1927 = vector.broadcast %shift_right_logical3A_1926 : i32 to vector<8x1024xi32>
        %shift_right_logical3A_1928 = arith.shrui %xor3A_1921, %shift_right_logical3A_1927 : vector<8x1024xi32>
        %or3A_1929 = arith.ori %shift_left3A_1925, %shift_right_logical3A_1928 : vector<8x1024xi32>
        %xor3A_1930 = arith.xori %or3A_1929, %add3A_1922 : vector<8x1024xi32>
        %add3A_1931 = arith.addi %add3A_1922, %xor3A_1930 : vector<8x1024xi32>
        %shift_left3A_1932 = arith.constant 26 : i32
        %shift_left3A_1933 = vector.broadcast %shift_left3A_1932 : i32 to vector<8x1024xi32>
        %shift_left3A_1934 = arith.shli %xor3A_1930, %shift_left3A_1933 : vector<8x1024xi32>
        %shift_right_logical3A_1935 = arith.constant 6 : i32
        %shift_right_logical3A_1936 = vector.broadcast %shift_right_logical3A_1935 : i32 to vector<8x1024xi32>
        %shift_right_logical3A_1937 = arith.shrui %xor3A_1930, %shift_right_logical3A_1936 : vector<8x1024xi32>
        %or3A_1938 = arith.ori %shift_left3A_1934, %shift_right_logical3A_1937 : vector<8x1024xi32>
        %xor3A_1939 = arith.xori %or3A_1938, %add3A_1931 : vector<8x1024xi32>
        %add3A_1940 = arith.addi %add3A_1931, %xor3A_1939 : vector<8x1024xi32>
        %shift_left3A_1941 = arith.constant 6 : i32
        %shift_left3A_1942 = vector.broadcast %shift_left3A_1941 : i32 to vector<8x1024xi32>
        %shift_left3A_1943 = arith.shli %xor3A_1939, %shift_left3A_1942 : vector<8x1024xi32>
        %shift_right_logical3A_1944 = arith.constant 26 : i32
        %shift_right_logical3A_1945 = vector.broadcast %shift_right_logical3A_1944 : i32 to vector<8x1024xi32>
        %shift_right_logical3A_1946 = arith.shrui %xor3A_1939, %shift_right_logical3A_1945 : vector<8x1024xi32>
        %or3A_1947 = arith.ori %shift_left3A_1943, %shift_right_logical3A_1946 : vector<8x1024xi32>
        %xor3A_1948 = arith.xori %or3A_1947, %add3A_1940 : vector<8x1024xi32>
        %add3A_1949 = arith.constant 1805329261 : i32
        %add3A_1950 = vector.broadcast %add3A_1949 : i32 to vector<8x1024xi32>
        %add3A_1951 = arith.addi %add3A_1940, %add3A_1950 : vector<8x1024xi32>
        %add3A_1952 = arith.constant 507451450 : i32
        %add3A_1953 = vector.broadcast %add3A_1952 : i32 to vector<8x1024xi32>
        %add3A_1954 = arith.addi %xor3A_1948, %add3A_1953 : vector<8x1024xi32>
        %xor3A_1955 = arith.xori %add3A_1951, %add3A_1954 : vector<8x1024xi32>
        %shift_right_logical3A_1956 = arith.constant 9 : i32
        %shift_right_logical3A_1957 = vector.broadcast %shift_right_logical3A_1956 : i32 to vector<8x1024xi32>
        %shift_right_logical3A_1958 = arith.shrui %xor3A_1955, %shift_right_logical3A_1957 : vector<8x1024xi32>
        %or3A_1959 = arith.constant 1065353216 : i32
        %or3A_1960 = vector.broadcast %or3A_1959 : i32 to vector<8x1024xi32>
        %or3A_1961 = arith.ori %shift_right_logical3A_1958, %or3A_1960 : vector<8x1024xi32>
        %bitcast_convert_type3A_1962 = tpu.bitcast %or3A_1961 : vector<8x1024xi32> -> vector<8x1024xf32>
        %sub3A_1963 = arith.constant 1.000000e+00 : f32
        %sub3A_1964 = vector.broadcast %sub3A_1963 : f32 to vector<8x1024xf32>
        %sub3A_1965 = arith.subf %bitcast_convert_type3A_1962, %sub3A_1964 : vector<8x1024xf32>
        %get3A_1966 = arith.index_cast %add3A_1738 : i32 to index
        %get3A_1967 = arith.constant 0 : index
        %get3A_1968 = vector.load %arg3[%get3A_1966, %get3A_1967] : memref<256x1024xf32, #tpu.memory_space<vmem>>, vector<1x1024xf32>
        %get3A_1969 = vector.shape_cast %get3A_1968 : vector<1x1024xf32> to vector<1024xf32>
        %log3A_1970 = math.log %sub3A_1965 : vector<8x1024xf32>
        %broadcast_in_dim3A_1971 = vector.shape_cast %get3A_1969 : vector<1024xf32> to vector<1x1024xf32>
        %broadcast_in_dim3A_1972 = vector.shape_cast %broadcast_in_dim3A_1971 : vector<1x1024xf32> to vector<1x1024xf32>
        %broadcast_in_dim3A_1973 = vector.broadcast %broadcast_in_dim3A_1972 : vector<1x1024xf32> to vector<8x1024xf32>
        %mul3A_1974 = arith.mulf %log3A_1970, %broadcast_in_dim3A_1973 : vector<8x1024xf32>
        %gt3A = arith.cmpf ogt, %mul3A_534, %mul3A_294 : vector<8x1024xf32>
        %max3A_1975 = arith.maximumf %mul3A_534, %mul3A_294 : vector<8x1024xf32>
        %broadcast_in_dim3A_1976 = vector.broadcast %add3A_298 : i32 to vector<8x1024xi32>
        %broadcast_in_dim3A_1977 = vector.broadcast %add3A_62 : i32 to vector<8x1024xi32>
        %select_n3A_1978 = arith.select %gt3A, %broadcast_in_dim3A_1976, %broadcast_in_dim3A_1977 : vector<8x1024xi1>, vector<8x1024xi32>
        %gt3A_1979 = arith.cmpf ogt, %mul3A_1014, %mul3A_774 : vector<8x1024xf32>
        %max3A_1980 = arith.maximumf %mul3A_1014, %mul3A_774 : vector<8x1024xf32>
        %broadcast_in_dim3A_1981 = vector.broadcast %add3A_778 : i32 to vector<8x1024xi32>
        %broadcast_in_dim3A_1982 = vector.broadcast %add3A_538 : i32 to vector<8x1024xi32>
        %select_n3A_1983 = arith.select %gt3A_1979, %broadcast_in_dim3A_1981, %broadcast_in_dim3A_1982 : vector<8x1024xi1>, vector<8x1024xi32>
        %gt3A_1984 = arith.cmpf ogt, %mul3A_1494, %mul3A_1254 : vector<8x1024xf32>
        %max3A_1985 = arith.maximumf %mul3A_1494, %mul3A_1254 : vector<8x1024xf32>
        %broadcast_in_dim3A_1986 = vector.broadcast %add3A_1258 : i32 to vector<8x1024xi32>
        %broadcast_in_dim3A_1987 = vector.broadcast %add3A_1018 : i32 to vector<8x1024xi32>
        %select_n3A_1988 = arith.select %gt3A_1984, %broadcast_in_dim3A_1986, %broadcast_in_dim3A_1987 : vector<8x1024xi1>, vector<8x1024xi32>
        %gt3A_1989 = arith.cmpf ogt, %mul3A_1974, %mul3A_1734 : vector<8x1024xf32>
        %max3A_1990 = arith.maximumf %mul3A_1974, %mul3A_1734 : vector<8x1024xf32>
        %broadcast_in_dim3A_1991 = vector.broadcast %add3A_1738 : i32 to vector<8x1024xi32>
        %broadcast_in_dim3A_1992 = vector.broadcast %add3A_1498 : i32 to vector<8x1024xi32>
        %select_n3A_1993 = arith.select %gt3A_1989, %broadcast_in_dim3A_1991, %broadcast_in_dim3A_1992 : vector<8x1024xi1>, vector<8x1024xi32>
        %gt3A_1994 = arith.cmpf ogt, %max3A_1980, %max3A_1975 : vector<8x1024xf32>
        %max3A_1995 = arith.maximumf %max3A_1980, %max3A_1975 : vector<8x1024xf32>
        %select_n3A_1996 = arith.select %gt3A_1994, %select_n3A_1983, %select_n3A_1978 : vector<8x1024xi1>, vector<8x1024xi32>
        %gt3A_1997 = arith.cmpf ogt, %max3A_1990, %max3A_1985 : vector<8x1024xf32>
        %max3A_1998 = arith.maximumf %max3A_1990, %max3A_1985 : vector<8x1024xf32>
        %select_n3A_1999 = arith.select %gt3A_1997, %select_n3A_1993, %select_n3A_1988 : vector<8x1024xi1>, vector<8x1024xi32>
        %gt3A_2000 = arith.cmpf ogt, %max3A_1998, %max3A_1995 : vector<8x1024xf32>
        %max3A_2001 = arith.maximumf %max3A_1998, %max3A_1995 : vector<8x1024xf32>
        %select_n3A_2002 = arith.select %gt3A_2000, %select_n3A_1999, %select_n3A_1996 : vector<8x1024xi1>, vector<8x1024xi32>
        %gt3A_2003 = arith.cmpf ogt, %max3A_2001, %scan3A_57 : vector<8x1024xf32>
        %max3A_2004 = arith.maximumf %max3A_2001, %scan3A_57 : vector<8x1024xf32>
        %select_n3A_2005 = arith.select %gt3A_2003, %select_n3A_2002, %scan3A_58 : vector<8x1024xi1>, vector<8x1024xi32>
        scf.yield %max3A_2004, %select_n3A_2005 : vector<8x1024xf32>, vector<8x1024xi32>
      }
      %scan3A_40 = arith.constant 32 : i32
      %mul3A_41 = arith.constant 1024 : i32
      %mul3A_42 = vector.broadcast %mul3A_41 : i32 to vector<8x1024xi32>
      %mul3A_43 = arith.muli %scan3A_39#1, %mul3A_42 : vector<8x1024xi32>
      %add3A_44 = arith.addi %mul3A_43, %iota3A_19 : vector<8x1024xi32>
      %reduce_max3A = arith.constant dense<0xFF800000> : vector<8xf32>
      %reduce_max3A_45 = vector.multi_reduction <maximumf>, %scan3A_39#0, %reduce_max3A [1] : vector<8x1024xf32> to vector<8xf32>
      %broadcast_in_dim3A_46 = vector.shape_cast %reduce_max3A_45 : vector<8xf32> to vector<8x1xf32>
      %eq3A = vector.broadcast %broadcast_in_dim3A_46 : vector<8x1xf32> to vector<8x1024xf32>
      %eq3A_47 = arith.cmpf oeq, %scan3A_39#0, %eq3A : vector<8x1024xf32>
      %jit3A = arith.constant 1073741824 : i32
      %broadcast_in_dim3A_48 = vector.broadcast %jit3A : i32 to vector<8x1024xi32>
      %select_n3A = arith.select %eq3A_47, %add3A_44, %broadcast_in_dim3A_48 : vector<8x1024xi1>, vector<8x1024xi32>
      %reduce_min3A = arith.constant dense<2147483647> : vector<8xi32>
      %reduce_min3A_49 = vector.multi_reduction <minsi>, %select_n3A, %reduce_min3A [1] : vector<8x1024xi32> to vector<8xi32>
      %swap3A_50 = arith.constant 0 : index
      %swap3A_51 = arith.index_cast %scan3A_24 : i32 to index
      %swap3A_52 = arith.constant 0 : index
      %swap3A_53 = vector.load %arg2[%swap3A_50, %swap3A_51, %swap3A_52] : memref<1x128x8xi32, #tpu.memory_space<vmem>>, vector<1x1x8xi32>
      %swap3A_54 = vector.shape_cast %swap3A_53 : vector<1x1x8xi32> to vector<8xi32>
      %swap3A_55 = vector.shape_cast %reduce_min3A_49 : vector<8xi32> to vector<1x1x8xi32>
      tpu.vector_store %arg2[%swap3A_50, %swap3A_51, %swap3A_52], %swap3A_55 {strides = array<i32>} : memref<1x128x8xi32, #tpu.memory_space<vmem>>, vector<1x1x8xi32>,
    }
    %scan3A_23 = arith.constant 128 : i32
    return
  }
  func.func @transform_0(%arg0: i32) -> (i32, i32, i32) {
    %c0_i32 = arith.constant 0 : i32
    %c0_i32_0 = arith.constant 0 : i32
    %c0_i32_1 = arith.constant 0 : i32
    return %arg0, %c0_i32, %c0_i32_0 : i32, i32, i32
  }
  func.func @transform_1(%arg0: i32) -> (i32, i32, i32) {
    %c0_i32 = arith.constant 0 : i32
    %c0_i32_0 = arith.constant 0 : i32
    %c0_i32_1 = arith.constant 0 : i32
    return %arg0, %c0_i32, %c0_i32_0 : i32, i32, i32
  }
}

module attributes {stable_mosaic.version = 14 : i64} {
  func.func @_lengths_body(%arg0: i32, %arg1: memref<1x64xf32, #tpu.memory_space<vmem>>, %arg2: memref<1x1024x64xf32, #tpu.memory_space<vmem>>) attributes {dimension_semantics = [#tpu.dimension_semantics<arbitrary>], iteration_bounds = array<i64: 64>, scalar_prefetch = 0 : i64, scratch_operands = 0 : i64, tpu.core_type = #tpu.core_type<tc>, window_params = [{pipeline_mode = #tpu.pipeline_mode<synchronous>, transform_indices = @transform_0, window_bounds = array<i64: 1, 64>}, {transform_indices = @transform_1, window_bounds = array<i64: 1, 1024, 64>}]} {
    %iota3A = tpu.iota {dimensions = array<i32: 0>} : vector<1024x64xi32>
    %mul3A = arith.constant 64 : i32
    %mul3A_0 = vector.broadcast %mul3A : i32 to vector<1024x64xi32>
    %mul3A_1 = arith.muli %iota3A, %mul3A_0 : vector<1024x64xi32>
    %iota3A_2 = tpu.iota {dimensions = array<i32: 1>} : vector<1024x64xi32>
    %add3A = arith.addi %mul3A_1, %iota3A_2 : vector<1024x64xi32>
    %mul3A_3 = arith.constant 65536 : i32
    %mul3A_4 = arith.muli %arg0, %mul3A_3 : i32
    %add3A_5 = vector.broadcast %mul3A_4 : i32 to vector<1024x64xi32>
    %add3A_6 = arith.addi %add3A, %add3A_5 : vector<1024x64xi32>
    %add3A_7 = arith.constant -57835448 : i32
    %add3A_8 = vector.broadcast %add3A_7 : i32 to vector<1024x64xi32>
    %add3A_9 = arith.addi %add3A_6, %add3A_8 : vector<1024x64xi32>
    %add3A_10 = arith.constant 1948878966 : i32
    %add3A_11 = vector.broadcast %add3A_10 : i32 to vector<1024x64xi32>
    %add3A_12 = arith.addi %add3A_11, %add3A_9 : vector<1024x64xi32>
    %shift_left3A = arith.constant 13 : i32
    %shift_left3A_13 = vector.broadcast %shift_left3A : i32 to vector<1024x64xi32>
    %shift_left3A_14 = arith.shli %add3A_9, %shift_left3A_13 : vector<1024x64xi32>
    %shift_right_logical3A = arith.constant 19 : i32
    %shift_right_logical3A_15 = vector.broadcast %shift_right_logical3A : i32 to vector<1024x64xi32>
    %shift_right_logical3A_16 = arith.shrui %add3A_9, %shift_right_logical3A_15 : vector<1024x64xi32>
    %or3A = arith.ori %shift_left3A_14, %shift_right_logical3A_16 : vector<1024x64xi32>
    %xor3A = arith.xori %or3A, %add3A_12 : vector<1024x64xi32>
    %add3A_17 = arith.addi %add3A_12, %xor3A : vector<1024x64xi32>
    %shift_left3A_18 = arith.constant 15 : i32
    %shift_left3A_19 = vector.broadcast %shift_left3A_18 : i32 to vector<1024x64xi32>
    %shift_left3A_20 = arith.shli %xor3A, %shift_left3A_19 : vector<1024x64xi32>
    %shift_right_logical3A_21 = arith.constant 17 : i32
    %shift_right_logical3A_22 = vector.broadcast %shift_right_logical3A_21 : i32 to vector<1024x64xi32>
    %shift_right_logical3A_23 = arith.shrui %xor3A, %shift_right_logical3A_22 : vector<1024x64xi32>
    %or3A_24 = arith.ori %shift_left3A_20, %shift_right_logical3A_23 : vector<1024x64xi32>
    %xor3A_25 = arith.xori %or3A_24, %add3A_17 : vector<1024x64xi32>
    %add3A_26 = arith.addi %add3A_17, %xor3A_25 : vector<1024x64xi32>
    %shift_left3A_27 = arith.constant 26 : i32
    %shift_left3A_28 = vector.broadcast %shift_left3A_27 : i32 to vector<1024x64xi32>
    %shift_left3A_29 = arith.shli %xor3A_25, %shift_left3A_28 : vector<1024x64xi32>
    %shift_right_logical3A_30 = arith.constant 6 : i32
    %shift_right_logical3A_31 = vector.broadcast %shift_right_logical3A_30 : i32 to vector<1024x64xi32>
    %shift_right_logical3A_32 = arith.shrui %xor3A_25, %shift_right_logical3A_31 : vector<1024x64xi32>
    %or3A_33 = arith.ori %shift_left3A_29, %shift_right_logical3A_32 : vector<1024x64xi32>
    %xor3A_34 = arith.xori %or3A_33, %add3A_26 : vector<1024x64xi32>
    %add3A_35 = arith.addi %add3A_26, %xor3A_34 : vector<1024x64xi32>
    %shift_left3A_36 = arith.constant 6 : i32
    %shift_left3A_37 = vector.broadcast %shift_left3A_36 : i32 to vector<1024x64xi32>
    %shift_left3A_38 = arith.shli %xor3A_34, %shift_left3A_37 : vector<1024x64xi32>
    %shift_right_logical3A_39 = arith.constant 26 : i32
    %shift_right_logical3A_40 = vector.broadcast %shift_right_logical3A_39 : i32 to vector<1024x64xi32>
    %shift_right_logical3A_41 = arith.shrui %xor3A_34, %shift_right_logical3A_40 : vector<1024x64xi32>
    %or3A_42 = arith.ori %shift_left3A_38, %shift_right_logical3A_41 : vector<1024x64xi32>
    %xor3A_43 = arith.xori %or3A_42, %add3A_35 : vector<1024x64xi32>
    %add3A_44 = arith.constant -57835448 : i32
    %add3A_45 = vector.broadcast %add3A_44 : i32 to vector<1024x64xi32>
    %add3A_46 = arith.addi %add3A_35, %add3A_45 : vector<1024x64xi32>
    %add3A_47 = arith.constant -1821043739 : i32
    %add3A_48 = vector.broadcast %add3A_47 : i32 to vector<1024x64xi32>
    %add3A_49 = arith.addi %xor3A_43, %add3A_48 : vector<1024x64xi32>
    %add3A_50 = arith.addi %add3A_46, %add3A_49 : vector<1024x64xi32>
    %shift_left3A_51 = arith.constant 17 : i32
    %shift_left3A_52 = vector.broadcast %shift_left3A_51 : i32 to vector<1024x64xi32>
    %shift_left3A_53 = arith.shli %add3A_49, %shift_left3A_52 : vector<1024x64xi32>
    %shift_right_logical3A_54 = arith.constant 15 : i32
    %shift_right_logical3A_55 = vector.broadcast %shift_right_logical3A_54 : i32 to vector<1024x64xi32>
    %shift_right_logical3A_56 = arith.shrui %add3A_49, %shift_right_logical3A_55 : vector<1024x64xi32>
    %or3A_57 = arith.ori %shift_left3A_53, %shift_right_logical3A_56 : vector<1024x64xi32>
    %xor3A_58 = arith.xori %or3A_57, %add3A_50 : vector<1024x64xi32>
    %add3A_59 = arith.addi %add3A_50, %xor3A_58 : vector<1024x64xi32>
    %shift_left3A_60 = arith.constant 29 : i32
    %shift_left3A_61 = vector.broadcast %shift_left3A_60 : i32 to vector<1024x64xi32>
    %shift_left3A_62 = arith.shli %xor3A_58, %shift_left3A_61 : vector<1024x64xi32>
    %shift_right_logical3A_63 = arith.constant 3 : i32
    %shift_right_logical3A_64 = vector.broadcast %shift_right_logical3A_63 : i32 to vector<1024x64xi32>
    %shift_right_logical3A_65 = arith.shrui %xor3A_58, %shift_right_logical3A_64 : vector<1024x64xi32>
    %or3A_66 = arith.ori %shift_left3A_62, %shift_right_logical3A_65 : vector<1024x64xi32>
    %xor3A_67 = arith.xori %or3A_66, %add3A_59 : vector<1024x64xi32>
    %add3A_68 = arith.addi %add3A_59, %xor3A_67 : vector<1024x64xi32>
    %shift_left3A_69 = arith.constant 16 : i32
    %shift_left3A_70 = vector.broadcast %shift_left3A_69 : i32 to vector<1024x64xi32>
    %shift_left3A_71 = arith.shli %xor3A_67, %shift_left3A_70 : vector<1024x64xi32>
    %shift_right_logical3A_72 = arith.constant 16 : i32
    %shift_right_logical3A_73 = vector.broadcast %shift_right_logical3A_72 : i32 to vector<1024x64xi32>
    %shift_right_logical3A_74 = arith.shrui %xor3A_67, %shift_right_logical3A_73 : vector<1024x64xi32>
    %or3A_75 = arith.ori %shift_left3A_71, %shift_right_logical3A_74 : vector<1024x64xi32>
    %xor3A_76 = arith.xori %or3A_75, %add3A_68 : vector<1024x64xi32>
    %add3A_77 = arith.addi %add3A_68, %xor3A_76 : vector<1024x64xi32>
    %shift_left3A_78 = arith.constant 24 : i32
    %shift_left3A_79 = vector.broadcast %shift_left3A_78 : i32 to vector<1024x64xi32>
    %shift_left3A_80 = arith.shli %xor3A_76, %shift_left3A_79 : vector<1024x64xi32>
    %shift_right_logical3A_81 = arith.constant 8 : i32
    %shift_right_logical3A_82 = vector.broadcast %shift_right_logical3A_81 : i32 to vector<1024x64xi32>
    %shift_right_logical3A_83 = arith.shrui %xor3A_76, %shift_right_logical3A_82 : vector<1024x64xi32>
    %or3A_84 = arith.ori %shift_left3A_80, %shift_right_logical3A_83 : vector<1024x64xi32>
    %xor3A_85 = arith.xori %or3A_84, %add3A_77 : vector<1024x64xi32>
    %add3A_86 = arith.constant -1821043740 : i32
    %add3A_87 = vector.broadcast %add3A_86 : i32 to vector<1024x64xi32>
    %add3A_88 = arith.addi %add3A_77, %add3A_87 : vector<1024x64xi32>
    %add3A_89 = arith.constant 1948878968 : i32
    %add3A_90 = vector.broadcast %add3A_89 : i32 to vector<1024x64xi32>
    %add3A_91 = arith.addi %xor3A_85, %add3A_90 : vector<1024x64xi32>
    %add3A_92 = arith.addi %add3A_88, %add3A_91 : vector<1024x64xi32>
    %shift_left3A_93 = arith.constant 13 : i32
    %shift_left3A_94 = vector.broadcast %shift_left3A_93 : i32 to vector<1024x64xi32>
    %shift_left3A_95 = arith.shli %add3A_91, %shift_left3A_94 : vector<1024x64xi32>
    %shift_right_logical3A_96 = arith.constant 19 : i32
    %shift_right_logical3A_97 = vector.broadcast %shift_right_logical3A_96 : i32 to vector<1024x64xi32>
    %shift_right_logical3A_98 = arith.shrui %add3A_91, %shift_right_logical3A_97 : vector<1024x64xi32>
    %or3A_99 = arith.ori %shift_left3A_95, %shift_right_logical3A_98 : vector<1024x64xi32>
    %xor3A_100 = arith.xori %or3A_99, %add3A_92 : vector<1024x64xi32>
    %add3A_101 = arith.addi %add3A_92, %xor3A_100 : vector<1024x64xi32>
    %shift_left3A_102 = arith.constant 15 : i32
    %shift_left3A_103 = vector.broadcast %shift_left3A_102 : i32 to vector<1024x64xi32>
    %shift_left3A_104 = arith.shli %xor3A_100, %shift_left3A_103 : vector<1024x64xi32>
    %shift_right_logical3A_105 = arith.constant 17 : i32
    %shift_right_logical3A_106 = vector.broadcast %shift_right_logical3A_105 : i32 to vector<1024x64xi32>
    %shift_right_logical3A_107 = arith.shrui %xor3A_100, %shift_right_logical3A_106 : vector<1024x64xi32>
    %or3A_108 = arith.ori %shift_left3A_104, %shift_right_logical3A_107 : vector<1024x64xi32>
    %xor3A_109 = arith.xori %or3A_108, %add3A_101 : vector<1024x64xi32>
    %add3A_110 = arith.addi %add3A_101, %xor3A_109 : vector<1024x64xi32>
    %shift_left3A_111 = arith.constant 26 : i32
    %shift_left3A_112 = vector.broadcast %shift_left3A_111 : i32 to vector<1024x64xi32>
    %shift_left3A_113 = arith.shli %xor3A_109, %shift_left3A_112 : vector<1024x64xi32>
    %shift_right_logical3A_114 = arith.constant 6 : i32
    %shift_right_logical3A_115 = vector.broadcast %shift_right_logical3A_114 : i32 to vector<1024x64xi32>
    %shift_right_logical3A_116 = arith.shrui %xor3A_109, %shift_right_logical3A_115 : vector<1024x64xi32>
    %or3A_117 = arith.ori %shift_left3A_113, %shift_right_logical3A_116 : vector<1024x64xi32>
    %xor3A_118 = arith.xori %or3A_117, %add3A_110 : vector<1024x64xi32>
    %add3A_119 = arith.addi %add3A_110, %xor3A_118 : vector<1024x64xi32>
    %shift_left3A_120 = arith.constant 6 : i32
    %shift_left3A_121 = vector.broadcast %shift_left3A_120 : i32 to vector<1024x64xi32>
    %shift_left3A_122 = arith.shli %xor3A_118, %shift_left3A_121 : vector<1024x64xi32>
    %shift_right_logical3A_123 = arith.constant 26 : i32
    %shift_right_logical3A_124 = vector.broadcast %shift_right_logical3A_123 : i32 to vector<1024x64xi32>
    %shift_right_logical3A_125 = arith.shrui %xor3A_118, %shift_right_logical3A_124 : vector<1024x64xi32>
    %or3A_126 = arith.ori %shift_left3A_122, %shift_right_logical3A_125 : vector<1024x64xi32>
    %xor3A_127 = arith.xori %or3A_126, %add3A_119 : vector<1024x64xi32>
    %add3A_128 = arith.constant 1948878966 : i32
    %add3A_129 = vector.broadcast %add3A_128 : i32 to vector<1024x64xi32>
    %add3A_130 = arith.addi %add3A_119, %add3A_129 : vector<1024x64xi32>
    %add3A_131 = arith.constant -57835445 : i32
    %add3A_132 = vector.broadcast %add3A_131 : i32 to vector<1024x64xi32>
    %add3A_133 = arith.addi %xor3A_127, %add3A_132 : vector<1024x64xi32>
    %add3A_134 = arith.addi %add3A_130, %add3A_133 : vector<1024x64xi32>
    %shift_left3A_135 = arith.constant 17 : i32
    %shift_left3A_136 = vector.broadcast %shift_left3A_135 : i32 to vector<1024x64xi32>
    %shift_left3A_137 = arith.shli %add3A_133, %shift_left3A_136 : vector<1024x64xi32>
    %shift_right_logical3A_138 = arith.constant 15 : i32
    %shift_right_logical3A_139 = vector.broadcast %shift_right_logical3A_138 : i32 to vector<1024x64xi32>
    %shift_right_logical3A_140 = arith.shrui %add3A_133, %shift_right_logical3A_139 : vector<1024x64xi32>
    %or3A_141 = arith.ori %shift_left3A_137, %shift_right_logical3A_140 : vector<1024x64xi32>
    %xor3A_142 = arith.xori %or3A_141, %add3A_134 : vector<1024x64xi32>
    %add3A_143 = arith.addi %add3A_134, %xor3A_142 : vector<1024x64xi32>
    %shift_left3A_144 = arith.constant 29 : i32
    %shift_left3A_145 = vector.broadcast %shift_left3A_144 : i32 to vector<1024x64xi32>
    %shift_left3A_146 = arith.shli %xor3A_142, %shift_left3A_145 : vector<1024x64xi32>
    %shift_right_logical3A_147 = arith.constant 3 : i32
    %shift_right_logical3A_148 = vector.broadcast %shift_right_logical3A_147 : i32 to vector<1024x64xi32>
    %shift_right_logical3A_149 = arith.shrui %xor3A_142, %shift_right_logical3A_148 : vector<1024x64xi32>
    %or3A_150 = arith.ori %shift_left3A_146, %shift_right_logical3A_149 : vector<1024x64xi32>
    %xor3A_151 = arith.xori %or3A_150, %add3A_143 : vector<1024x64xi32>
    %add3A_152 = arith.addi %add3A_143, %xor3A_151 : vector<1024x64xi32>
    %shift_left3A_153 = arith.constant 16 : i32
    %shift_left3A_154 = vector.broadcast %shift_left3A_153 : i32 to vector<1024x64xi32>
    %shift_left3A_155 = arith.shli %xor3A_151, %shift_left3A_154 : vector<1024x64xi32>
    %shift_right_logical3A_156 = arith.constant 16 : i32
    %shift_right_logical3A_157 = vector.broadcast %shift_right_logical3A_156 : i32 to vector<1024x64xi32>
    %shift_right_logical3A_158 = arith.shrui %xor3A_151, %shift_right_logical3A_157 : vector<1024x64xi32>
    %or3A_159 = arith.ori %shift_left3A_155, %shift_right_logical3A_158 : vector<1024x64xi32>
    %xor3A_160 = arith.xori %or3A_159, %add3A_152 : vector<1024x64xi32>
    %add3A_161 = arith.addi %add3A_152, %xor3A_160 : vector<1024x64xi32>
    %shift_left3A_162 = arith.constant 24 : i32
    %shift_left3A_163 = vector.broadcast %shift_left3A_162 : i32 to vector<1024x64xi32>
    %shift_left3A_164 = arith.shli %xor3A_160, %shift_left3A_163 : vector<1024x64xi32>
    %shift_right_logical3A_165 = arith.constant 8 : i32
    %shift_right_logical3A_166 = vector.broadcast %shift_right_logical3A_165 : i32 to vector<1024x64xi32>
    %shift_right_logical3A_167 = arith.shrui %xor3A_160, %shift_right_logical3A_166 : vector<1024x64xi32>
    %or3A_168 = arith.ori %shift_left3A_164, %shift_right_logical3A_167 : vector<1024x64xi32>
    %xor3A_169 = arith.xori %or3A_168, %add3A_161 : vector<1024x64xi32>
    %add3A_170 = arith.constant -57835448 : i32
    %add3A_171 = vector.broadcast %add3A_170 : i32 to vector<1024x64xi32>
    %add3A_172 = arith.addi %add3A_161, %add3A_171 : vector<1024x64xi32>
    %add3A_173 = arith.constant -1821043736 : i32
    %add3A_174 = vector.broadcast %add3A_173 : i32 to vector<1024x64xi32>
    %add3A_175 = arith.addi %xor3A_169, %add3A_174 : vector<1024x64xi32>
    %add3A_176 = arith.addi %add3A_172, %add3A_175 : vector<1024x64xi32>
    %shift_left3A_177 = arith.constant 13 : i32
    %shift_left3A_178 = vector.broadcast %shift_left3A_177 : i32 to vector<1024x64xi32>
    %shift_left3A_179 = arith.shli %add3A_175, %shift_left3A_178 : vector<1024x64xi32>
    %shift_right_logical3A_180 = arith.constant 19 : i32
    %shift_right_logical3A_181 = vector.broadcast %shift_right_logical3A_180 : i32 to vector<1024x64xi32>
    %shift_right_logical3A_182 = arith.shrui %add3A_175, %shift_right_logical3A_181 : vector<1024x64xi32>
    %or3A_183 = arith.ori %shift_left3A_179, %shift_right_logical3A_182 : vector<1024x64xi32>
    %xor3A_184 = arith.xori %or3A_183, %add3A_176 : vector<1024x64xi32>
    %add3A_185 = arith.addi %add3A_176, %xor3A_184 : vector<1024x64xi32>
    %shift_left3A_186 = arith.constant 15 : i32
    %shift_left3A_187 = vector.broadcast %shift_left3A_186 : i32 to vector<1024x64xi32>
    %shift_left3A_188 = arith.shli %xor3A_184, %shift_left3A_187 : vector<1024x64xi32>
    %shift_right_logical3A_189 = arith.constant 17 : i32
    %shift_right_logical3A_190 = vector.broadcast %shift_right_logical3A_189 : i32 to vector<1024x64xi32>
    %shift_right_logical3A_191 = arith.shrui %xor3A_184, %shift_right_logical3A_190 : vector<1024x64xi32>
    %or3A_192 = arith.ori %shift_left3A_188, %shift_right_logical3A_191 : vector<1024x64xi32>
    %xor3A_193 = arith.xori %or3A_192, %add3A_185 : vector<1024x64xi32>
    %add3A_194 = arith.addi %add3A_185, %xor3A_193 : vector<1024x64xi32>
    %shift_left3A_195 = arith.constant 26 : i32
    %shift_left3A_196 = vector.broadcast %shift_left3A_195 : i32 to vector<1024x64xi32>
    %shift_left3A_197 = arith.shli %xor3A_193, %shift_left3A_196 : vector<1024x64xi32>
    %shift_right_logical3A_198 = arith.constant 6 : i32
    %shift_right_logical3A_199 = vector.broadcast %shift_right_logical3A_198 : i32 to vector<1024x64xi32>
    %shift_right_logical3A_200 = arith.shrui %xor3A_193, %shift_right_logical3A_199 : vector<1024x64xi32>
    %or3A_201 = arith.ori %shift_left3A_197, %shift_right_logical3A_200 : vector<1024x64xi32>
    %xor3A_202 = arith.xori %or3A_201, %add3A_194 : vector<1024x64xi32>
    %add3A_203 = arith.addi %add3A_194, %xor3A_202 : vector<1024x64xi32>
    %shift_left3A_204 = arith.constant 6 : i32
    %shift_left3A_205 = vector.broadcast %shift_left3A_204 : i32 to vector<1024x64xi32>
    %shift_left3A_206 = arith.shli %xor3A_202, %shift_left3A_205 : vector<1024x64xi32>
    %shift_right_logical3A_207 = arith.constant 26 : i32
    %shift_right_logical3A_208 = vector.broadcast %shift_right_logical3A_207 : i32 to vector<1024x64xi32>
    %shift_right_logical3A_209 = arith.shrui %xor3A_202, %shift_right_logical3A_208 : vector<1024x64xi32>
    %or3A_210 = arith.ori %shift_left3A_206, %shift_right_logical3A_209 : vector<1024x64xi32>
    %xor3A_211 = arith.xori %or3A_210, %add3A_203 : vector<1024x64xi32>
    %add3A_212 = arith.constant -1821043740 : i32
    %add3A_213 = vector.broadcast %add3A_212 : i32 to vector<1024x64xi32>
    %add3A_214 = arith.addi %add3A_203, %add3A_213 : vector<1024x64xi32>
    %add3A_215 = arith.constant 1948878971 : i32
    %add3A_216 = vector.broadcast %add3A_215 : i32 to vector<1024x64xi32>
    %add3A_217 = arith.addi %xor3A_211, %add3A_216 : vector<1024x64xi32>
    %xor3A_218 = arith.xori %add3A_214, %add3A_217 : vector<1024x64xi32>
    %shift_right_logical3A_219 = arith.constant 9 : i32
    %shift_right_logical3A_220 = vector.broadcast %shift_right_logical3A_219 : i32 to vector<1024x64xi32>
    %shift_right_logical3A_221 = arith.shrui %xor3A_218, %shift_right_logical3A_220 : vector<1024x64xi32>
    %or3A_222 = arith.constant 1065353216 : i32
    %or3A_223 = vector.broadcast %or3A_222 : i32 to vector<1024x64xi32>
    %or3A_224 = arith.ori %shift_right_logical3A_221, %or3A_223 : vector<1024x64xi32>
    %bitcast_convert_type3A = tpu.bitcast %or3A_224 : vector<1024x64xi32> -> vector<1024x64xf32>
    %sub3A = arith.constant 1.000000e+00 : f32
    %sub3A_225 = vector.broadcast %sub3A : f32 to vector<1024x64xf32>
    %sub3A_226 = arith.subf %bitcast_convert_type3A, %sub3A_225 : vector<1024x64xf32>
    %sub3A_227 = arith.constant 5.000000e-01 : f32
    %sub3A_228 = vector.broadcast %sub3A_227 : f32 to vector<1024x64xf32>
    %sub3A_229 = arith.subf %sub3A_226, %sub3A_228 : vector<1024x64xf32>
    %mul3A_230 = arith.constant 0.125396833 : f32
    %mul3A_231 = vector.broadcast %mul3A_230 : f32 to vector<1024x64xf32>
    %mul3A_232 = arith.mulf %sub3A_229, %mul3A_231 : vector<1024x64xf32>
    %get3A = arith.constant 0 : index
    %get3A_233 = arith.constant 0 : index
    %get3A_234 = vector.load %arg1[%get3A, %get3A_233] : memref<1x64xf32, #tpu.memory_space<vmem>>, vector<1x64xf32>
    %get3A_235 = vector.shape_cast %get3A_234 : vector<1x64xf32> to vector<64xf32>
    %broadcast_in_dim3A = vector.shape_cast %get3A_235 : vector<64xf32> to vector<1x64xf32>
    %broadcast_in_dim3A_236 = vector.shape_cast %broadcast_in_dim3A : vector<1x64xf32> to vector<1x64xf32>
    %broadcast_in_dim3A_237 = vector.broadcast %broadcast_in_dim3A_236 : vector<1x64xf32> to vector<1024x64xf32>
    %add3A_238 = arith.addf %broadcast_in_dim3A_237, %mul3A_232 : vector<1024x64xf32>
    %swap3A = arith.constant 0 : index
    %swap3A_239 = arith.constant 0 : index
    %swap3A_240 = arith.constant 0 : index
    %swap3A_241 = vector.load %arg2[%swap3A, %swap3A_239, %swap3A_240] : memref<1x1024x64xf32, #tpu.memory_space<vmem>>, vector<1x1024x64xf32>
    %swap3A_242 = vector.shape_cast %swap3A_241 : vector<1x1024x64xf32> to vector<1024x64xf32>
    %swap3A_243 = vector.shape_cast %add3A_238 : vector<1024x64xf32> to vector<1x1024x64xf32>
    tpu.vector_store %arg2[%swap3A, %swap3A_239, %swap3A_240], %swap3A_243 {strides = array<i32>} : memref<1x1024x64xf32, #tpu.memory_space<vmem>>, vector<1x1024x64xf32>,
    return
  }
  func.func @transform_0(%arg0: i32) -> (i32, i32) {
    %c0_i32 = arith.constant 0 : i32
    %c0_i32_0 = arith.constant 0 : i32
    %c0_i32_1 = arith.constant 0 : i32
    return %c0_i32, %c0_i32_0 : i32, i32
  }
  func.func @transform_1(%arg0: i32) -> (i32, i32, i32) {
    %c0_i32 = arith.constant 0 : i32
    %c0_i32_0 = arith.constant 0 : i32
    %c0_i32_1 = arith.constant 0 : i32
    return %arg0, %c0_i32, %c0_i32_0 : i32, i32, i32
  }
}

module attributes {stable_mosaic.version = 14 : i64} {
  func.func @_sc_merge_body(%arg0: i32, %arg1: memref<1x1024x16xf32, #tpu.memory_space<vmem>>, %arg2: memref<1x1024x16xi32, #tpu.memory_space<vmem>>, %arg3: memref<1x1x1024xi32, #tpu.memory_space<vmem>>) attributes {dimension_semantics = [#tpu.dimension_semantics<arbitrary>], iteration_bounds = array<i64: 13>, scalar_prefetch = 0 : i64, scratch_operands = 0 : i64, tpu.core_type = #tpu.core_type<tc>, window_params = [{transform_indices = @transform_0, window_bounds = array<i64: 1, 1024, 16>}, {transform_indices = @transform_1, window_bounds = array<i64: 1, 1024, 16>}, {transform_indices = @transform_2, window_bounds = array<i64: 1, 1, 1024>}]} {
    %get3A = arith.constant 0 : index
    %get3A_0 = arith.constant 0 : index
    %get3A_1 = arith.constant 0 : index
    %get3A_2 = vector.load %arg1[%get3A, %get3A_0, %get3A_1] : memref<1x1024x16xf32, #tpu.memory_space<vmem>>, vector<1x1024x16xf32>
    %get3A_3 = vector.shape_cast %get3A_2 : vector<1x1024x16xf32> to vector<1024x16xf32>
    %get3A_4 = arith.constant 0 : index
    %get3A_5 = arith.constant 0 : index
    %get3A_6 = arith.constant 0 : index
    %get3A_7 = vector.load %arg2[%get3A_4, %get3A_5, %get3A_6] : memref<1x1024x16xi32, #tpu.memory_space<vmem>>, vector<1x1024x16xi32>
    %get3A_8 = vector.shape_cast %get3A_7 : vector<1x1024x16xi32> to vector<1024x16xi32>
    %reduce_max3A = arith.constant dense<0xFF800000> : vector<1024xf32>
    %reduce_max3A_9 = vector.multi_reduction <maximumf>, %get3A_3, %reduce_max3A [1] : vector<1024x16xf32> to vector<1024xf32>
    %broadcast_in_dim3A = vector.shape_cast %reduce_max3A_9 : vector<1024xf32> to vector<1024x1xf32>
    %eq3A = vector.broadcast %broadcast_in_dim3A : vector<1024x1xf32> to vector<1024x16xf32>
    %eq3A_10 = arith.cmpf oeq, %get3A_3, %eq3A : vector<1024x16xf32>
    %jit3A = arith.constant 1073741824 : i32
    %broadcast_in_dim3A_11 = vector.broadcast %jit3A : i32 to vector<1024x16xi32>
    %select_n3A = arith.select %eq3A_10, %get3A_8, %broadcast_in_dim3A_11 : vector<1024x16xi1>, vector<1024x16xi32>
    %reduce_min3A = arith.constant dense<2147483647> : vector<1024xi32>
    %reduce_min3A_12 = vector.multi_reduction <minsi>, %select_n3A, %reduce_min3A [1] : vector<1024x16xi32> to vector<1024xi32>
    %swap3A = arith.constant 0 : index
    %swap3A_13 = arith.constant 0 : index
    %swap3A_14 = arith.constant 0 : index
    %swap3A_15 = vector.load %arg3[%swap3A, %swap3A_13, %swap3A_14] : memref<1x1x1024xi32, #tpu.memory_space<vmem>>, vector<1x1x1024xi32>
    %swap3A_16 = vector.shape_cast %swap3A_15 : vector<1x1x1024xi32> to vector<1024xi32>
    %swap3A_17 = vector.shape_cast %reduce_min3A_12 : vector<1024xi32> to vector<1x1x1024xi32>
    tpu.vector_store %arg3[%swap3A, %swap3A_13, %swap3A_14], %swap3A_17 {strides = array<i32>} : memref<1x1x1024xi32, #tpu.memory_space<vmem>>, vector<1x1x1024xi32>,
    return
  }
  func.func @transform_0(%arg0: i32) -> (i32, i32, i32) {
    %c0_i32 = arith.constant 0 : i32
    %c0_i32_0 = arith.constant 0 : i32
    %c0_i32_1 = arith.constant 0 : i32
    return %arg0, %c0_i32, %c0_i32_0 : i32, i32, i32
  }
  func.func @transform_1(%arg0: i32) -> (i32, i32, i32) {
    %c0_i32 = arith.constant 0 : i32
    %c0_i32_0 = arith.constant 0 : i32
    %c0_i32_1 = arith.constant 0 : i32
    return %arg0, %c0_i32, %c0_i32_0 : i32, i32, i32
  }
  func.func @transform_2(%arg0: i32) -> (i32, i32, i32) {
    %c0_i32 = arith.constant 0 : i32
    %c0_i32_0 = arith.constant 0 : i32
    %c0_i32_1 = arith.constant 0 : i32
    return %arg0, %c0_i32, %c0_i32_0 : i32, i32, i32
  }
}

module attributes {stable_mosaic.version = 14 : i64} {
  func.func @_post_body(%arg0: i32, %arg1: memref<1x1x1024xi32, #tpu.memory_space<vmem>>, %arg2: memref<1x1x9xf32, #tpu.memory_space<smem>>, %arg3: memref<1x1x3xf32, #tpu.memory_space<smem>>, %arg4: memref<1x1x2xf32, #tpu.memory_space<smem>>, %arg5: memref<1x1x2xf32, #tpu.memory_space<smem>>, %arg6: memref<1x2x1x1024xf32, #tpu.memory_space<vmem>>, %arg7: memref<1x3x1x1024xf32, #tpu.memory_space<vmem>>, %arg8: memref<1x3x1x1024xf32, #tpu.memory_space<vmem>>) attributes {dimension_semantics = [#tpu.dimension_semantics<arbitrary>], iteration_bounds = array<i64: 64>, scalar_prefetch = 0 : i64, scratch_operands = 0 : i64, tpu.core_type = #tpu.core_type<tc>, window_params = [{transform_indices = @transform_0, window_bounds = array<i64: 1, 1, 1024>}, {transform_indices = @transform_1, window_bounds = array<i64: 1, 1, 9>}, {transform_indices = @transform_2, window_bounds = array<i64: 1, 1, 3>}, {transform_indices = @transform_3, window_bounds = array<i64: 1, 1, 2>}, {transform_indices = @transform_4, window_bounds = array<i64: 1, 1, 2>}, {transform_indices = @transform_5, window_bounds = array<i64: 1, 2, 1, 1024>}, {transform_indices = @transform_6, window_bounds = array<i64: 1, 3, 1, 1024>}, {transform_indices = @transform_7, window_bounds = array<i64: 1, 3, 1, 1024>}]} {
    %get3A = arith.constant 0 : index
    %get3A_0 = arith.constant 0 : index
    %get3A_1 = arith.constant 0 : index
    %get3A_2 = vector.load %arg1[%get3A, %get3A_0, %get3A_1] : memref<1x1x1024xi32, #tpu.memory_space<vmem>>, vector<1x1x1024xi32>
    %get3A_3 = vector.shape_cast %get3A_2 : vector<1x1x1024xi32> to vector<1024xi32>
    %and3A = arith.constant 511 : i32
    %and3A_4 = vector.broadcast %and3A : i32 to vector<1024xi32>
    %and3A_5 = arith.andi %get3A_3, %and3A_4 : vector<1024xi32>
    %shift_right_arithmetic3A = arith.constant 9 : i32
    %shift_right_arithmetic3A_6 = vector.broadcast %shift_right_arithmetic3A : i32 to vector<1024xi32>
    %shift_right_arithmetic3A_7 = arith.shrsi %get3A_3, %shift_right_arithmetic3A_6 : vector<1024xi32>
    %convert_element_type3A = arith.sitofp %and3A_5 : vector<1024xi32> to vector<1024xf32>
    %mul3A = arith.constant 3.906250e-03 : f32
    %mul3A_8 = vector.broadcast %mul3A : f32 to vector<1024xf32>
    %mul3A_9 = arith.mulf %convert_element_type3A, %mul3A_8 : vector<1024xf32>
    %sub3A = arith.constant 0.998046875 : f32
    %sub3A_10 = vector.broadcast %sub3A : f32 to vector<1024xf32>
    %sub3A_11 = arith.subf %sub3A_10, %mul3A_9 : vector<1024xf32>
    %convert_element_type3A_12 = arith.sitofp %shift_right_arithmetic3A_7 : vector<1024xi32> to vector<1024xf32>
    %mul3A_13 = arith.constant 3.906250e-03 : f32
    %mul3A_14 = vector.broadcast %mul3A_13 : f32 to vector<1024xf32>
    %mul3A_15 = arith.mulf %convert_element_type3A_12, %mul3A_14 : vector<1024xf32>
    %sub3A_16 = arith.constant 0.998046875 : f32
    %sub3A_17 = vector.broadcast %sub3A_16 : f32 to vector<1024xf32>
    %sub3A_18 = arith.subf %sub3A_17, %mul3A_15 : vector<1024xf32>
    %get3A_19 = arith.constant 0 : index
    %get3A_20 = arith.constant 0 : index
    %get3A_21 = arith.constant 0 : index
    %get3A_22 = memref.load %arg2[%get3A_19, %get3A_20, %get3A_21] : memref<1x1x9xf32, #tpu.memory_space<smem>>
    %get3A_23 = arith.constant 0 : index
    %get3A_24 = arith.constant 0 : index
    %get3A_25 = arith.constant 1 : index
    %get3A_26 = memref.load %arg2[%get3A_23, %get3A_24, %get3A_25] : memref<1x1x9xf32, #tpu.memory_space<smem>>
    %get3A_27 = arith.constant 0 : index
    %get3A_28 = arith.constant 0 : index
    %get3A_29 = arith.constant 2 : index
    %get3A_30 = memref.load %arg2[%get3A_27, %get3A_28, %get3A_29] : memref<1x1x9xf32, #tpu.memory_space<smem>>
    %get3A_31 = arith.constant 0 : index
    %get3A_32 = arith.constant 0 : index
    %get3A_33 = arith.constant 3 : index
    %get3A_34 = memref.load %arg2[%get3A_31, %get3A_32, %get3A_33] : memref<1x1x9xf32, #tpu.memory_space<smem>>
    %get3A_35 = arith.constant 0 : index
    %get3A_36 = arith.constant 0 : index
    %get3A_37 = arith.constant 4 : index
    %get3A_38 = memref.load %arg2[%get3A_35, %get3A_36, %get3A_37] : memref<1x1x9xf32, #tpu.memory_space<smem>>
    %get3A_39 = arith.constant 0 : index
    %get3A_40 = arith.constant 0 : index
    %get3A_41 = arith.constant 5 : index
    %get3A_42 = memref.load %arg2[%get3A_39, %get3A_40, %get3A_41] : memref<1x1x9xf32, #tpu.memory_space<smem>>
    %get3A_43 = arith.constant 0 : index
    %get3A_44 = arith.constant 0 : index
    %get3A_45 = arith.constant 6 : index
    %get3A_46 = memref.load %arg2[%get3A_43, %get3A_44, %get3A_45] : memref<1x1x9xf32, #tpu.memory_space<smem>>
    %get3A_47 = arith.constant 0 : index
    %get3A_48 = arith.constant 0 : index
    %get3A_49 = arith.constant 7 : index
    %get3A_50 = memref.load %arg2[%get3A_47, %get3A_48, %get3A_49] : memref<1x1x9xf32, #tpu.memory_space<smem>>
    %get3A_51 = arith.constant 0 : index
    %get3A_52 = arith.constant 0 : index
    %get3A_53 = arith.constant 8 : index
    %get3A_54 = memref.load %arg2[%get3A_51, %get3A_52, %get3A_53] : memref<1x1x9xf32, #tpu.memory_space<smem>>
    %mul3A_55 = arith.mulf %get3A_38, %get3A_54 : f32
    %mul3A_56 = arith.mulf %get3A_42, %get3A_50 : f32
    %sub3A_57 = arith.subf %mul3A_55, %mul3A_56 : f32
    %mul3A_58 = arith.mulf %get3A_22, %sub3A_57 : f32
    %mul3A_59 = arith.mulf %get3A_34, %get3A_54 : f32
    %mul3A_60 = arith.mulf %get3A_42, %get3A_46 : f32
    %sub3A_61 = arith.subf %mul3A_59, %mul3A_60 : f32
    %mul3A_62 = arith.mulf %get3A_26, %sub3A_61 : f32
    %sub3A_63 = arith.subf %mul3A_58, %mul3A_62 : f32
    %mul3A_64 = arith.mulf %get3A_34, %get3A_50 : f32
    %mul3A_65 = arith.mulf %get3A_38, %get3A_46 : f32
    %sub3A_66 = arith.subf %mul3A_64, %mul3A_65 : f32
    %mul3A_67 = arith.mulf %get3A_30, %sub3A_66 : f32
    %add3A = arith.addf %sub3A_63, %mul3A_67 : f32
    %div3A = arith.constant 1.000000e+00 : f32
    %div3A_68 = arith.divf %div3A, %add3A : f32
    %mul3A_69 = arith.mulf %get3A_38, %get3A_54 : f32
    %mul3A_70 = arith.mulf %get3A_42, %get3A_50 : f32
    %sub3A_71 = arith.subf %mul3A_69, %mul3A_70 : f32
    %mul3A_72 = arith.mulf %sub3A_71, %div3A_68 : f32
    %mul3A_73 = arith.mulf %get3A_30, %get3A_50 : f32
    %mul3A_74 = arith.mulf %get3A_26, %get3A_54 : f32
    %sub3A_75 = arith.subf %mul3A_73, %mul3A_74 : f32
    %mul3A_76 = arith.mulf %sub3A_75, %div3A_68 : f32
    %mul3A_77 = arith.mulf %get3A_26, %get3A_42 : f32
    %mul3A_78 = arith.mulf %get3A_30, %get3A_38 : f32
    %sub3A_79 = arith.subf %mul3A_77, %mul3A_78 : f32
    %mul3A_80 = arith.mulf %sub3A_79, %div3A_68 : f32
    %mul3A_81 = arith.mulf %get3A_42, %get3A_46 : f32
    %mul3A_82 = arith.mulf %get3A_34, %get3A_54 : f32
    %sub3A_83 = arith.subf %mul3A_81, %mul3A_82 : f32
    %mul3A_84 = arith.mulf %sub3A_83, %div3A_68 : f32
    %mul3A_85 = arith.mulf %get3A_22, %get3A_54 : f32
    %mul3A_86 = arith.mulf %get3A_30, %get3A_46 : f32
    %sub3A_87 = arith.subf %mul3A_85, %mul3A_86 : f32
    %mul3A_88 = arith.mulf %sub3A_87, %div3A_68 : f32
    %mul3A_89 = arith.mulf %get3A_30, %get3A_34 : f32
    %mul3A_90 = arith.mulf %get3A_22, %get3A_42 : f32
    %sub3A_91 = arith.subf %mul3A_89, %mul3A_90 : f32
    %mul3A_92 = arith.mulf %sub3A_91, %div3A_68 : f32
    %mul3A_93 = arith.mulf %get3A_34, %get3A_50 : f32
    %mul3A_94 = arith.mulf %get3A_38, %get3A_46 : f32
    %sub3A_95 = arith.subf %mul3A_93, %mul3A_94 : f32
    %mul3A_96 = arith.mulf %sub3A_95, %div3A_68 : f32
    %mul3A_97 = arith.mulf %get3A_26, %get3A_46 : f32
    %mul3A_98 = arith.mulf %get3A_22, %get3A_50 : f32
    %sub3A_99 = arith.subf %mul3A_97, %mul3A_98 : f32
    %mul3A_100 = arith.mulf %sub3A_99, %div3A_68 : f32
    %mul3A_101 = arith.mulf %get3A_22, %get3A_38 : f32
    %mul3A_102 = arith.mulf %get3A_26, %get3A_34 : f32
    %sub3A_103 = arith.subf %mul3A_101, %mul3A_102 : f32
    %mul3A_104 = arith.mulf %sub3A_103, %div3A_68 : f32
    %get3A_105 = arith.constant 0 : index
    %get3A_106 = arith.constant 0 : index
    %get3A_107 = arith.constant 0 : index
    %get3A_108 = memref.load %arg5[%get3A_105, %get3A_106, %get3A_107] : memref<1x1x2xf32, #tpu.memory_space<smem>>
    %get3A_109 = arith.constant 0 : index
    %get3A_110 = arith.constant 0 : index
    %get3A_111 = arith.constant 1 : index
    %get3A_112 = memref.load %arg5[%get3A_109, %get3A_110, %get3A_111] : memref<1x1x2xf32, #tpu.memory_space<smem>>
    %get3A_113 = arith.constant 0 : index
    %get3A_114 = arith.constant 0 : index
    %get3A_115 = arith.constant 0 : index
    %get3A_116 = memref.load %arg4[%get3A_113, %get3A_114, %get3A_115] : memref<1x1x2xf32, #tpu.memory_space<smem>>
    %get3A_117 = arith.constant 0 : index
    %get3A_118 = arith.constant 0 : index
    %get3A_119 = arith.constant 1 : index
    %get3A_120 = memref.load %arg4[%get3A_117, %get3A_118, %get3A_119] : memref<1x1x2xf32, #tpu.memory_space<smem>>
    %sub3A_121 = vector.broadcast %get3A_108 : f32 to vector<1024xf32>
    %sub3A_122 = arith.subf %sub3A_11, %sub3A_121 : vector<1024xf32>
    %div3A_123 = vector.broadcast %get3A_116 : f32 to vector<1024xf32>
    %div3A_124 = arith.divf %sub3A_122, %div3A_123 : vector<1024xf32>
    %sub3A_125 = vector.broadcast %get3A_112 : f32 to vector<1024xf32>
    %sub3A_126 = arith.subf %sub3A_18, %sub3A_125 : vector<1024xf32>
    %div3A_127 = vector.broadcast %get3A_120 : f32 to vector<1024xf32>
    %div3A_128 = arith.divf %sub3A_126, %div3A_127 : vector<1024xf32>
    %mul3A_129 = vector.broadcast %mul3A_72 : f32 to vector<1024xf32>
    %mul3A_130 = arith.mulf %div3A_124, %mul3A_129 : vector<1024xf32>
    %mul3A_131 = vector.broadcast %mul3A_84 : f32 to vector<1024xf32>
    %mul3A_132 = arith.mulf %div3A_128, %mul3A_131 : vector<1024xf32>
    %add3A_133 = arith.addf %mul3A_130, %mul3A_132 : vector<1024xf32>
    %add3A_134 = vector.broadcast %mul3A_96 : f32 to vector<1024xf32>
    %add3A_135 = arith.addf %add3A_133, %add3A_134 : vector<1024xf32>
    %mul3A_136 = vector.broadcast %mul3A_76 : f32 to vector<1024xf32>
    %mul3A_137 = arith.mulf %div3A_124, %mul3A_136 : vector<1024xf32>
    %mul3A_138 = vector.broadcast %mul3A_88 : f32 to vector<1024xf32>
    %mul3A_139 = arith.mulf %div3A_128, %mul3A_138 : vector<1024xf32>
    %add3A_140 = arith.addf %mul3A_137, %mul3A_139 : vector<1024xf32>
    %add3A_141 = vector.broadcast %mul3A_100 : f32 to vector<1024xf32>
    %add3A_142 = arith.addf %add3A_140, %add3A_141 : vector<1024xf32>
    %mul3A_143 = vector.broadcast %mul3A_80 : f32 to vector<1024xf32>
    %mul3A_144 = arith.mulf %div3A_124, %mul3A_143 : vector<1024xf32>
    %mul3A_145 = vector.broadcast %mul3A_92 : f32 to vector<1024xf32>
    %mul3A_146 = arith.mulf %div3A_128, %mul3A_145 : vector<1024xf32>
    %add3A_147 = arith.addf %mul3A_144, %mul3A_146 : vector<1024xf32>
    %add3A_148 = vector.broadcast %mul3A_104 : f32 to vector<1024xf32>
    %add3A_149 = arith.addf %add3A_147, %add3A_148 : vector<1024xf32>
    %mul3A_150 = arith.mulf %add3A_135, %add3A_135 : vector<1024xf32>
    %mul3A_151 = arith.mulf %add3A_142, %add3A_142 : vector<1024xf32>
    %add3A_152 = arith.addf %mul3A_150, %mul3A_151 : vector<1024xf32>
    %mul3A_153 = arith.mulf %add3A_149, %add3A_149 : vector<1024xf32>
    %add3A_154 = arith.addf %add3A_152, %mul3A_153 : vector<1024xf32>
    %sqrt3A = math.sqrt %add3A_154 : vector<1024xf32>
    %div3A_155 = arith.divf %add3A_135, %sqrt3A : vector<1024xf32>
    %swap3A = arith.constant 0 : index
    %swap3A_156 = arith.constant 0 : index
    %swap3A_157 = arith.constant 0 : index
    %swap3A_158 = arith.constant 0 : index
    %swap3A_159 = vector.load %arg7[%swap3A, %swap3A_156, %swap3A_157, %swap3A_158] : memref<1x3x1x1024xf32, #tpu.memory_space<vmem>>, vector<1x1x1x1024xf32>
    %swap3A_160 = vector.shape_cast %swap3A_159 : vector<1x1x1x1024xf32> to vector<1024xf32>
    %swap3A_161 = vector.shape_cast %div3A_155 : vector<1024xf32> to vector<1x1x1x1024xf32>
    tpu.vector_store %arg7[%swap3A, %swap3A_156, %swap3A_157, %swap3A_158], %swap3A_161 {strides = array<i32>} : memref<1x3x1x1024xf32, #tpu.memory_space<vmem>>, vector<1x1x1x1024xf32>,
    %div3A_162 = arith.divf %add3A_142, %sqrt3A : vector<1024xf32>
    %swap3A_163 = arith.constant 0 : index
    %swap3A_164 = arith.constant 1 : index
    %swap3A_165 = arith.constant 0 : index
    %swap3A_166 = arith.constant 0 : index
    %swap3A_167 = vector.load %arg7[%swap3A_163, %swap3A_164, %swap3A_165, %swap3A_166] : memref<1x3x1x1024xf32, #tpu.memory_space<vmem>>, vector<1x1x1x1024xf32>
    %swap3A_168 = vector.shape_cast %swap3A_167 : vector<1x1x1x1024xf32> to vector<1024xf32>
    %swap3A_169 = vector.shape_cast %div3A_162 : vector<1024xf32> to vector<1x1x1x1024xf32>
    tpu.vector_store %arg7[%swap3A_163, %swap3A_164, %swap3A_165, %swap3A_166], %swap3A_169 {strides = array<i32>} : memref<1x3x1x1024xf32, #tpu.memory_space<vmem>>, vector<1x1x1x1024xf32>,
    %div3A_170 = arith.divf %add3A_149, %sqrt3A : vector<1024xf32>
    %swap3A_171 = arith.constant 0 : index
    %swap3A_172 = arith.constant 2 : index
    %swap3A_173 = arith.constant 0 : index
    %swap3A_174 = arith.constant 0 : index
    %swap3A_175 = vector.load %arg7[%swap3A_171, %swap3A_172, %swap3A_173, %swap3A_174] : memref<1x3x1x1024xf32, #tpu.memory_space<vmem>>, vector<1x1x1x1024xf32>
    %swap3A_176 = vector.shape_cast %swap3A_175 : vector<1x1x1x1024xf32> to vector<1024xf32>
    %swap3A_177 = vector.shape_cast %div3A_170 : vector<1024xf32> to vector<1x1x1x1024xf32>
    tpu.vector_store %arg7[%swap3A_171, %swap3A_172, %swap3A_173, %swap3A_174], %swap3A_177 {strides = array<i32>} : memref<1x3x1x1024xf32, #tpu.memory_space<vmem>>, vector<1x1x1x1024xf32>,
    %get3A_178 = arith.constant 0 : index
    %get3A_179 = arith.constant 0 : index
    %get3A_180 = arith.constant 0 : index
    %get3A_181 = memref.load %arg3[%get3A_178, %get3A_179, %get3A_180] : memref<1x1x3xf32, #tpu.memory_space<smem>>
    %get3A_182 = arith.constant 0 : index
    %get3A_183 = arith.constant 0 : index
    %get3A_184 = arith.constant 1 : index
    %get3A_185 = memref.load %arg3[%get3A_182, %get3A_183, %get3A_184] : memref<1x1x3xf32, #tpu.memory_space<smem>>
    %get3A_186 = arith.constant 0 : index
    %get3A_187 = arith.constant 0 : index
    %get3A_188 = arith.constant 2 : index
    %get3A_189 = memref.load %arg3[%get3A_186, %get3A_187, %get3A_188] : memref<1x1x3xf32, #tpu.memory_space<smem>>
    %mul3A_190 = arith.mulf %get3A_181, %mul3A_72 : f32
    %mul3A_191 = arith.mulf %get3A_185, %mul3A_84 : f32
    %add3A_192 = arith.addf %mul3A_190, %mul3A_191 : f32
    %mul3A_193 = arith.mulf %get3A_189, %mul3A_96 : f32
    %add3A_194 = arith.addf %add3A_192, %mul3A_193 : f32
    %neg3A = arith.constant 0.000000e+00 : f32
    %neg3A_195 = arith.subf %neg3A, %add3A_194 : f32
    %mul3A_196 = arith.mulf %get3A_181, %mul3A_76 : f32
    %mul3A_197 = arith.mulf %get3A_185, %mul3A_88 : f32
    %add3A_198 = arith.addf %mul3A_196, %mul3A_197 : f32
    %mul3A_199 = arith.mulf %get3A_189, %mul3A_100 : f32
    %add3A_200 = arith.addf %add3A_198, %mul3A_199 : f32
    %neg3A_201 = arith.constant 0.000000e+00 : f32
    %neg3A_202 = arith.subf %neg3A_201, %add3A_200 : f32
    %mul3A_203 = arith.mulf %get3A_181, %mul3A_80 : f32
    %mul3A_204 = arith.mulf %get3A_185, %mul3A_92 : f32
    %add3A_205 = arith.addf %mul3A_203, %mul3A_204 : f32
    %mul3A_206 = arith.mulf %get3A_189, %mul3A_104 : f32
    %add3A_207 = arith.addf %add3A_205, %mul3A_206 : f32
    %neg3A_208 = arith.constant 0.000000e+00 : f32
    %neg3A_209 = arith.subf %neg3A_208, %add3A_207 : f32
    %broadcast_in_dim3A = vector.broadcast %neg3A_195 : f32 to vector<1024xf32>
    %swap3A_210 = arith.constant 0 : index
    %swap3A_211 = arith.constant 0 : index
    %swap3A_212 = arith.constant 0 : index
    %swap3A_213 = arith.constant 0 : index
    %swap3A_214 = vector.load %arg8[%swap3A_210, %swap3A_211, %swap3A_212, %swap3A_213] : memref<1x3x1x1024xf32, #tpu.memory_space<vmem>>, vector<1x1x1x1024xf32>
    %swap3A_215 = vector.shape_cast %swap3A_214 : vector<1x1x1x1024xf32> to vector<1024xf32>
    %swap3A_216 = vector.shape_cast %broadcast_in_dim3A : vector<1024xf32> to vector<1x1x1x1024xf32>
    tpu.vector_store %arg8[%swap3A_210, %swap3A_211, %swap3A_212, %swap3A_213], %swap3A_216 {strides = array<i32>} : memref<1x3x1x1024xf32, #tpu.memory_space<vmem>>, vector<1x1x1x1024xf32>,
    %broadcast_in_dim3A_217 = vector.broadcast %neg3A_202 : f32 to vector<1024xf32>
    %swap3A_218 = arith.constant 0 : index
    %swap3A_219 = arith.constant 1 : index
    %swap3A_220 = arith.constant 0 : index
    %swap3A_221 = arith.constant 0 : index
    %swap3A_222 = vector.load %arg8[%swap3A_218, %swap3A_219, %swap3A_220, %swap3A_221] : memref<1x3x1x1024xf32, #tpu.memory_space<vmem>>, vector<1x1x1x1024xf32>
    %swap3A_223 = vector.shape_cast %swap3A_222 : vector<1x1x1x1024xf32> to vector<1024xf32>
    %swap3A_224 = vector.shape_cast %broadcast_in_dim3A_217 : vector<1024xf32> to vector<1x1x1x1024xf32>
    tpu.vector_store %arg8[%swap3A_218, %swap3A_219, %swap3A_220, %swap3A_221], %swap3A_224 {strides = array<i32>} : memref<1x3x1x1024xf32, #tpu.memory_space<vmem>>, vector<1x1x1x1024xf32>,
    %broadcast_in_dim3A_225 = vector.broadcast %neg3A_209 : f32 to vector<1024xf32>
    %swap3A_226 = arith.constant 0 : index
    %swap3A_227 = arith.constant 2 : index
    %swap3A_228 = arith.constant 0 : index
    %swap3A_229 = arith.constant 0 : index
    %swap3A_230 = vector.load %arg8[%swap3A_226, %swap3A_227, %swap3A_228, %swap3A_229] : memref<1x3x1x1024xf32, #tpu.memory_space<vmem>>, vector<1x1x1x1024xf32>
    %swap3A_231 = vector.shape_cast %swap3A_230 : vector<1x1x1x1024xf32> to vector<1024xf32>
    %swap3A_232 = vector.shape_cast %broadcast_in_dim3A_225 : vector<1024xf32> to vector<1x1x1x1024xf32>
    tpu.vector_store %arg8[%swap3A_226, %swap3A_227, %swap3A_228, %swap3A_229], %swap3A_232 {strides = array<i32>} : memref<1x3x1x1024xf32, #tpu.memory_space<vmem>>, vector<1x1x1x1024xf32>,
    %swap3A_233 = arith.constant 0 : index
    %swap3A_234 = arith.constant 0 : index
    %swap3A_235 = arith.constant 0 : index
    %swap3A_236 = arith.constant 0 : index
    %swap3A_237 = vector.load %arg6[%swap3A_233, %swap3A_234, %swap3A_235, %swap3A_236] : memref<1x2x1x1024xf32, #tpu.memory_space<vmem>>, vector<1x1x1x1024xf32>
    %swap3A_238 = vector.shape_cast %swap3A_237 : vector<1x1x1x1024xf32> to vector<1024xf32>
    %swap3A_239 = vector.shape_cast %sub3A_11 : vector<1024xf32> to vector<1x1x1x1024xf32>
    tpu.vector_store %arg6[%swap3A_233, %swap3A_234, %swap3A_235, %swap3A_236], %swap3A_239 {strides = array<i32>} : memref<1x2x1x1024xf32, #tpu.memory_space<vmem>>, vector<1x1x1x1024xf32>,
    %swap3A_240 = arith.constant 0 : index
    %swap3A_241 = arith.constant 1 : index
    %swap3A_242 = arith.constant 0 : index
    %swap3A_243 = arith.constant 0 : index
    %swap3A_244 = vector.load %arg6[%swap3A_240, %swap3A_241, %swap3A_242, %swap3A_243] : memref<1x2x1x1024xf32, #tpu.memory_space<vmem>>, vector<1x1x1x1024xf32>
    %swap3A_245 = vector.shape_cast %swap3A_244 : vector<1x1x1x1024xf32> to vector<1024xf32>
    %swap3A_246 = vector.shape_cast %sub3A_18 : vector<1024xf32> to vector<1x1x1x1024xf32>
    tpu.vector_store %arg6[%swap3A_240, %swap3A_241, %swap3A_242, %swap3A_243], %swap3A_246 {strides = array<i32>} : memref<1x2x1x1024xf32, #tpu.memory_space<vmem>>, vector<1x1x1x1024xf32>,
    return
  }
  func.func @transform_0(%arg0: i32) -> (i32, i32, i32) {
    %c0_i32 = arith.constant 0 : i32
    %c0_i32_0 = arith.constant 0 : i32
    %c0_i32_1 = arith.constant 0 : i32
    return %arg0, %c0_i32, %c0_i32_0 : i32, i32, i32
  }
  func.func @transform_1(%arg0: i32) -> (i32, i32, i32) {
    %c0_i32 = arith.constant 0 : i32
    %c0_i32_0 = arith.constant 0 : i32
    %c0_i32_1 = arith.constant 0 : i32
    return %arg0, %c0_i32, %c0_i32_0 : i32, i32, i32
  }
  func.func @transform_2(%arg0: i32) -> (i32, i32, i32) {
    %c0_i32 = arith.constant 0 : i32
    %c0_i32_0 = arith.constant 0 : i32
    %c0_i32_1 = arith.constant 0 : i32
    return %arg0, %c0_i32, %c0_i32_0 : i32, i32, i32
  }
  func.func @transform_3(%arg0: i32) -> (i32, i32, i32) {
    %c0_i32 = arith.constant 0 : i32
    %c0_i32_0 = arith.constant 0 : i32
    %c0_i32_1 = arith.constant 0 : i32
    return %arg0, %c0_i32, %c0_i32_0 : i32, i32, i32
  }
  func.func @transform_4(%arg0: i32) -> (i32, i32, i32) {
    %c0_i32 = arith.constant 0 : i32
    %c0_i32_0 = arith.constant 0 : i32
    %c0_i32_1 = arith.constant 0 : i32
    return %arg0, %c0_i32, %c0_i32_0 : i32, i32, i32
  }
  func.func @transform_5(%arg0: i32) -> (i32, i32, i32, i32) {
    %c0_i32 = arith.constant 0 : i32
    %c0_i32_0 = arith.constant 0 : i32
    %c0_i32_1 = arith.constant 0 : i32
    %c0_i32_2 = arith.constant 0 : i32
    return %arg0, %c0_i32, %c0_i32_0, %c0_i32_1 : i32, i32, i32, i32
  }
  func.func @transform_6(%arg0: i32) -> (i32, i32, i32, i32) {
    %c0_i32 = arith.constant 0 : i32
    %c0_i32_0 = arith.constant 0 : i32
    %c0_i32_1 = arith.constant 0 : i32
    %c0_i32_2 = arith.constant 0 : i32
    return %arg0, %c0_i32, %c0_i32_0, %c0_i32_1 : i32, i32, i32, i32
  }
  func.func @transform_7(%arg0: i32) -> (i32, i32, i32, i32) {
    %c0_i32 = arith.constant 0 : i32
    %c0_i32_0 = arith.constant 0 : i32
    %c0_i32_1 = arith.constant 0 : i32
    %c0_i32_2 = arith.constant 0 : i32
    return %arg0, %c0_i32, %c0_i32_0, %c0_i32_1 : i32, i32, i32, i32
  }
}

</mosaic_0001>

<sc_bundles>
// kernel: kernel.7.cloned.1.call-start
scs
__scs_entry_jumppad:
0x0: {  	(pc) =	sbr.rel $0x88, $3  }
0x1: {  	(tag) =	ssettag $0x0;
	lr =	simm.s32 $0x1  }
0x2: {  	[smem:$0x3F9C] =	sst lr;
	_ =	strace $0xD0000000  }
0x3: {  	_ = 	snop  }
0x4: {  	_ = 	snop  }
0x5: {  	_ = 	snop  }
0x6: {  	_ = 	snop  }
0x7: {  	_ = 	snop  }
__scs_overlays_trampoline_lowered:
0x8: {  	[smem:$0x3FAB] =	sst s0  }
0x9: {  	[smem:$0x3FAC] =	sst s1  }
0xa: {  	[smem:$0x3FAD] =	sst s2  }
0xb: {  	[smem:$0x3FAE] =	sst s3  }
0xc: {  	[smem:$0x3FAF] =	sst s4  }
0xd: {  	[smem:$0x3FB0] =	sst s5  }
0xe: {  	[smem:$0x3FB1] =	sst s6  }
0xf: {  	[smem:$0x3FB2] =	sst s7  }
0x10: {  	[smem:$0x3FB3] =	sst s8  }
0x11: {  	[smem:$0x3FB4] =	sst s9;
	s0 =	simm.s32 @!p0 $0x0  }
0x12: {  	s1 =	sld [smem:$0x3F9A];
	s0 =	simm.s32 @p0 $0x1  }
0x13: {  	[smem:$0x3FB5] =	sst s0;
	s0 =	simm.s32 @!p1 $0x0  }
0x14: {  	s2 =	sld [smem:$0x3F99];
	s0 =	simm.s32 @p1 $0x1  }
0x15: {  	[smem:$0x3FB6] =	sst s0;
	s0 =	simm.s32 @!p2 $0x0  }
0x16: {  	s3 =	sld [smem:$0x3FDB];
	s0 =	simm.s32 @p2 $0x1  }
0x17: {  	s4 =	simm.s32 $0x1BF5;
	[smem:$0x3FB8] =	sst s0  }
0x18: {  	s0 =	sld [smem:$0x3F9B];
	_ =	swait.ge [sflag:s4], $0x0  }
0x19: {  	s7 =	sld [smem:$0x3F9C]  }
0x1a: {  	s8 =	sadd.s32 $0xFFFFE003, lr  }
0x1b: {  	s9 =	sadd.s32 $0xFFFFFEF7, lr;
	s5 =	simm.s32 $0xFFFFFFFF;
	p2 =	slt.u32 s8, $0xFFFFF086  }
0x1c: {  	p1 =	slt.u32 s9, $0xF7A;
	s5 =	simm.s32 @!p2 $0x0  }
0x1d: {  	s5 =	simm.s32 @p1 $0x1;
	p0 =	seq.s32 s7, s2  }
0x1e: {  	s7 =	smul.u32 @!p0 $0xF7A, s2;
	p2 =	seq.s32 @!p0 s5, $0x0  }
0x1f: {  	s9 =	smul.u32 $0xF7A, s1;
	s8 =	simm.s32 @!p0 $0x1BF5;
	p2 =	por !p2, p0  }
0x20: {  	[sflag:s8] =	ssyncset.s32 @!p0 $0xFFFFF086;
	s6 =	sadd.s32 @!p0 s3, s7;
	s7 =	simm.s32 @!p0 $0x108  }
0x21: {  	s3 =	sadd.s32 s3, s9;
	s6 =	sadd.s32 @!p0 $0x88, s6;
	s7 =	simm.s32 @p2 $0x1082  }
0x22: {  	[simem:s7], [sflag:s8] =	dma.local @!p0 [hbm:s6], $0xF7A  }
0x23: {  	s9 =	sor.u32 $0xD0000000, s2;
	s6 =	simm.s32 $0x108;
	_ =	swait.ge @!p0 [sflag:s8], $0x0  }
0x24: {  	s3 =	sadd.s32 $0x88, s3;
	s6 =	simm.s32 @!p1 $0x1082;
	[sflag:s4] =	ssyncset.s32 $0xFFFFF086  }
0x25: {  	[simem:s6], [sflag:s4] =	dma.local [hbm:s3], $0xF7A  }
0x26: {  	[smem:$0x3F9C] =	sst s1;
	(tag) =	ssettag s2;
	_ =	strace s9  }
0x27: {  	s1 =	sld [smem:$0x3FAC]  }
0x28: {  	s2 =	sld [smem:$0x3FAD]  }
0x29: {  	s4 =	sld [smem:$0x3FAF]  }
0x2a: {  	p0 =	seq.s32 s5, $0x0;
	s5 =	sld [smem:$0x3FB0]  }
0x2b: {  	s6 =	sld [smem:$0x3FB1]  }
0x2c: {  	s7 =	sld [smem:$0x3FB2]  }
0x2d: {  	s3 =	simm.s32 $0x108;
	s8 =	sld [smem:$0x3FB3]  }
0x2e: {  	s3 =	simm.s32 @!p0 $0x1082;
	s9 =	sld [smem:$0x3FB4]  }
0x2f: {  	lr =	sadd.s32 s0, s3;
	s0 =	sld [smem:$0x3FAB]  }
0x30: {  	s3 =	sld [smem:$0x3FAE]  }
0x31: {  	[smem:$0x3FB7] =	sst s10  }
0x32: {  	s10 =	sld [smem:$0x3FB5];
	_ =	sdelay $0x3  }
0x33: {  	p0 =	seq.s32 s10, $0x1;
	s10 =	sld [smem:$0x3FB7];
	_ =	sdelay $0x3  }
0x34: {  	[smem:$0x3FB7] =	sst s10  }
0x35: {  	s10 =	sld [smem:$0x3FB6];
	_ =	sdelay $0x3  }
0x36: {  	p1 =	seq.s32 s10, $0x1;
	s10 =	sld [smem:$0x3FB7];
	_ =	sdelay $0x3  }
0x37: {  	[smem:$0x3FB7] =	sst s10  }
0x38: {  	s10 =	sld [smem:$0x3FB8]  }
0x39: {  	_ = 	snop;
	(pc) =	sbr.ind lr, $3  }
0x3a: {  	_ = 	snop  }
0x3b: {  	_ = 	snop  }
0x3c: {  	p2 =	seq.s32 s10, $0x1;
	s10 =	sld [smem:$0x3FB7]  }
0x3d: {  	_ =	shalt  }
0x3e: {  	_ =	shalt  }
0x3f: {  	_ =	shalt  }
0x40: {  	_ =	shalt  }
0x41: {  	_ =	shalt  }
0x42: {  	_ =	shalt  }
0x43: {  	_ =	shalt  }
0x44: {  	_ =	shalt  }
0x45: {  	_ =	shalt  }
0x46: {  	_ =	shalt  }
0x47: {  	_ =	shalt  }
0x48: {  	_ =	shalt  }
0x49: {  	_ =	shalt  }
0x4a: {  	_ =	shalt  }
0x4b: {  	_ =	shalt  }
0x4c: {  	_ =	shalt  }
0x4d: {  	_ =	shalt  }
0x4e: {  	_ =	shalt  }
0x4f: {  	_ =	shalt  }
0x50: {  	_ =	shalt  }
0x51: {  	_ =	shalt  }
0x52: {  	_ =	shalt  }
0x53: {  	_ =	shalt  }
0x54: {  	_ =	shalt  }
0x55: {  	_ =	shalt  }
0x56: {  	_ =	shalt  }
0x57: {  	_ =	shalt  }
0x58: {  	_ =	shalt  }
0x59: {  	_ =	shalt  }
0x5a: {  	_ =	shalt  }
0x5b: {  	_ =	shalt  }
0x5c: {  	_ =	shalt  }
0x5d: {  	_ =	shalt  }
0x5e: {  	_ =	shalt  }
0x5f: {  	_ =	shalt  }
0x60: {  	_ =	shalt  }
0x61: {  	_ =	shalt  }
0x62: {  	_ =	shalt  }
0x63: {  	_ =	shalt  }
0x64: {  	_ =	shalt  }
0x65: {  	_ =	shalt  }
0x66: {  	_ =	shalt  }
0x67: {  	_ =	shalt  }
0x68: {  	_ =	shalt  }
0x69: {  	_ =	shalt  }
0x6a: {  	_ =	shalt  }
0x6b: {  	_ =	shalt  }
0x6c: {  	_ =	shalt  }
0x6d: {  	_ =	shalt  }
0x6e: {  	_ =	shalt  }
0x6f: {  	_ =	shalt  }
0x70: {  	_ =	shalt  }
0x71: {  	_ =	shalt  }
0x72: {  	_ =	shalt  }
0x73: {  	_ =	shalt  }
0x74: {  	_ =	shalt  }
0x75: {  	_ =	shalt  }
0x76: {  	_ =	shalt  }
0x77: {  	_ =	shalt  }
0x78: {  	_ =	shalt  }
0x79: {  	_ =	shalt  }
0x7a: {  	_ =	shalt  }
0x7b: {  	_ =	shalt  }
0x7c: {  	_ =	shalt  }
0x7d: {  	_ =	shalt  }
0x7e: {  	_ =	shalt  }
0x7f: {  	_ =	shalt  }
0x80: {  	_ =	shalt  }
0x81: {  	_ =	shalt  }
0x82: {  	_ =	shalt  }
0x83: {  	_ =	shalt  }
0x84: {  	_ =	shalt  }
0x85: {  	_ =	shalt  }
0x86: {  	_ =	shalt  }
0x87: {  	_ =	shalt  }
.Lfunc_end0:
.L_simem_size_0:
called_computation.1_lowered:
.L_overlay_start_0:
0x88: {  	s2 =	sld [smem:$0x3FD9]  }
0x89: {  	s3 =	sld [smem:$0x3FFE];
	_ =	sdelay $0x1  }
0x8a: {  	s1 =	srdreg.scid  }
0x8b: {  	s0 =	sand.u32 $0x1, s1  }
0x8c: {  	s16 =	sshll.u32 s0, $0xA;
	s2 =	sadd.s32 s3, s2  }
0x8d: {  	s2 =	sadd.s32 s2, s16  }
0x8e: {  	[smem:$0x3FC3] =	sst s2  }
0x8f: {  	_ = 	snop  }
0x90: {  	(tm) =	ssettm $0x1  }
0x91: {  	s17 =	sld [smem:$0x3FFB];
	_ =	sdelay $0x3  }
0x92: {  	_ =	strace s17  }
0x93: {  	s2 =	sld [smem:$0x3FFC];
	_ =	sdelay $0x3  }
0x94: {  	_ =	strace s2  }
0x95: {  	s2 =	sld [smem:$0x3FFD];
	_ =	sdelay $0x3  }
0x96: {  	_ =	strace s2  }
0x97: {  	_ =	strace $0x8FFFFFFF  }
0x98: {  	s18 =	sld [smem:$0x3FDB];
	_ =	sdelay $0x1  }
0x99: {  	s19 =	simm.s32 $_scs_section_size  }
0x9a: {  	s4 =	simm.s32 $_size__tile_overlayer_lowered;
	s5 =	simm.s32 $_tile_overlayer_lowered  }
0x9b: {  	s22 =	simm.s32 $0x1BFF;
	s21 =	sshll.u32 s5, $0x1;
	s2 =	sadd.s32 s19, s18  }
0x9c: {  	s6 =	simm.s32 $0x0;
	s20 =	sshll.u32 s4, $0x1;
	s4 =	sadd.s32 s21, s2  }
0x9d: {  	[timem:s6], [sflag:s22] =	dma.local [hbm:s4], s20  }
0x9e: {  	_ =	swait.ge [sflag:s22], s20  }
0x9f: {  	s3 =	ssub.s32 $0x0, s20;
	[sflag:s22] =	ssyncset.done $0x0  }
0xa0: {  	[sflag:s22] =	ssyncadd.s32 s3;
	_ =	sdelay $0x1  }
0xa1: {  	s23 =	simm.s32 $0x1B8B  }
0xa2: {  	_ =	swait.ge [sflag:s23], $0x1  }
0xa3: {  	[sflag:s23] =	ssyncset.done $0x0  }
0xa4: {  	s25 =	simm.s32 $0x1B8E;
	s24 =	sld [smem:$0x3FFE];
	[sflag:s23] =	ssyncadd.s32 $0xFFFFFFFF  }
0xa5: {  	s26 =	simm.s32 $execute0_lowered;
	[smem:$0x3FD2] =	sst s25  }
0xa6: {  	s4 =	sshll.u32 s26, $0x1;
	_ =	strace $0x80000049;
	[dreg:$0x1] =	wrdreg $0xFFFFFFFF  }
0xa7: {  	s28 =	simm.s32 $_size_execute0_lowered;
	s2 =	sadd.s32 s2, s4;
	[dreg:$0x0] =	wrdreg $0x0  }
0xa8: {  	s4 =	sshll.u32 s28, $0x1;
	[dreg:$0x2] =	wrdreg s2  }
0xa9: {  	[dreg:$0x3] =	wrdreg s4  }
0xaa: {  	[dreg:$0x4] =	wrdreg $0xC0  }
0xab: {  	_ =	task [dreg:s6], $0x5FFFF  }
0xac: {  	[dreg:$0x1] =	wrdreg $0xFFFFFFFF  }
0xad: {  	[dreg:$0x0] =	wrdreg $0x60  }
0xae: {  	[dreg:$0x2] =	wrdreg s24  }
0xaf: {  	[dreg:$0x3] =	wrdreg $0x9  }
0xb0: {  	_ =	task.clear_ibuf [dreg:s6], $0x4FFFF;
	_ =	strace $0x90000049  }
0xb1: {  	s29 =	simm.s32 $0x9;
	_ =	strace $0x8000004B  }
0xb2: {  	_ =	swait.ge [sflag:s29], $0x1  }
0xb3: {  	[sflag:s29] =	ssyncadd.s32 $0xFFFFFFFF  }
0xb4: {  	_ =	strace $0x9000004B  }
0xb5: {  	_ =	sfence  }
0xb6: {  	s30 =	sld [smem:$0x0];
	_ =	sdelay $0x2  }
0xb7: {  	s31 =	sshll.u32 s1, $0xD;
	s1 =	sshrl.u32 s1, $0x2  }
0xb8: {  	s3 =	sand.u32 $0x4000, s31;
	s1 =	sadd.s32 s1, s30  }
0xb9: {  	s0 =	sor.u32 s3, s0;
	s1 =	sshll.u32 s1, $0x11  }
0xba: {  	s0 =	sor.u32 s1, s0  }
0xbb: {  	s0 =	sadd.s32 $0x8F2B, s0  }
0xbc: {  	[sflag:s0] =	ssyncadd.remote.s32 $0x1  }
0xbd: {  	_ =	sfence.sel $0xFFFF  }
0xbe: {  	[dreg:$0x0] =	wrdreg $0xFFFFFFFF;
	(pc) =	sbr.abs _section_cstart, $3  }
0xbf: {  	[dreg:$0x1] =	wrdreg $0xFFFFFFFF  }
0xc0: {  	_ =	task.clear_ibuf [dreg:s6], $0x2FFFF;
	_ =	strace $0x9FFFFFFF  }
0xc1: {  	(tm) =	ssettm $0x7FFFFFFF  }
tec
execute0_lowered:
.L_overlay_start_1:
0x0: {  	(tag) =	ssettag $0x1  }
0x1: {  	s5 =	rddreg [dreg:$0x0]  }
0x2: {  	s0 =	rddreg [dreg:$0x1]  }
0x3: {  	s2 =	simm.s32 $0x0;
	s3 =	srdreg.scid;
	s1 =	stileid.u32  }
0x4: {  	s10 =	simm.s32 $0x200;
	s11 =	simm.s32 $0x1;
	s12 =	simm.s32 $0x10000  }
0x5: {  	s13 =	simm.s32 $0x11000;
	s14 =	simm.s32 $0x0;
	[smem:$0x7FF] =	sst s2  }
0x6: {  	s6 =	sand.u32 $0x1, s3;
	s3 =	sadd.s32 $0x1C00, s5;
	s8 =	sshll.u32 s1, $0x1  }
0x7: {  	s4 =	sadd.s32 $0x69C00, s5;
	s7 =	ssub.s32 $0x2, s6;
	s8 =	sor.u32 s6, s8  }
0x8: {  	s5 =	sadd.s32 $0x9DC00, s5;
	s9 =	sshrl.u32 s7, $0x1;
	s6 =	sshll.u32 s8, $0x17  }
0x9: {  	v0 =	vimm.f32 $-3.000000010e+38;
	_ =	strace $0x8000004A;
	s9 =	ssub.s32 s7, s9;
	s6 =	sadd.s32 $0x6E752082, s6  }
0xa: {  	v1 =	vimm.s32 $0x0;
	v2 =	vlaneseq.u32;
	v3 =	vimm.s32 $0xFFFFFF81;
	s7 =	sshll.u32 s8, $0x9;
	s8 =	smax.u32 s9, $0x1;
	s9 =	simm.s32 $0x80  }
.LBB2_1:
0xb: {  	s15 =	simm.s32 $0x0  }
.LBB2_2:
0xc: {  	s16 =	simm.s32 $0x200;
	s17 =	simm.s32 $0x0  }
.LBB2_3:
0xd: {  	p0 =	seq.s32 s16, $0x3E00;
	[tilespmem:s17+$0x10000] =	vst v0;
	s18 =	smov.u32 s16;
	s16 =	sadd.s32 $0x200, s16  }
.Ltmp0:
0xe: {  	[tilespmem:s17+$0x11000] =	vst v1;
	(pc) =	sbr.rel @!p0 .LBB2_3-.Ltmp0, $2  }
0xf: {  	_ =	sdelay $0x2  }
0x10: {  	s17 =	sshra.s32 s18, $0x2  }
0x11: {  	s16 =	sadd.s32 $0x33, s15  }
0x12: {  	s18 =	sshll.u32 s15, $0xF;
	s31 =	sshrl.u32 s16, $0x4;
	s19 =	sshll.u32 s16, $0x1C  }
0x13: {  	[tilespmem:s17+$0x10000] =	vst v0;
	s16 =	sadd.s32 s3, s18;
	s18 =	simm.s32 $0x0;
	s20 =	sadd.s32 $0x1E3F1835, s31  }
0x14: {  	[tilespmem:s17+$0x11000] =	vst v1;
	s17 =	sadd.s32 s19, s6;
	s19 =	simm.s32 $0x0;
	v4 =	vmov s20;
	s20 =	simm.s32 $0x0  }
.LBB2_5:
0x15: {  	s21 =	sshll.u32 s20, $0x4  }
0x16: {  	s21 =	sadd.s32 s21, s16  }
0x17: {  	[tilespmem:s18], [sflag:$0x1] =	stream.strided.gather [hbm4b:s21+s9], $0x10000, s10, s9, $0x38;
	[tilespmem:$0x12000] =	vst v63  }
0x18: {  	_ =	swait.ge [sflag:s11], $0x10000  }
0x19: {  	s31 =	sshll.u32 s20, $0x10;
	[sflag:s11] =	ssyncset.done $0x0  }
0x1a: {  	s22 =	simm.s32 $0x0;
	s21 =	sadd.s32 s31, s17;
	[sflag:s11] =	ssyncadd.s32 $0xFFFF0000  }
.LBB2_6:
0x1b: {  	s23 =	sshll.u32 s22, $0x12  }
0x1c: {  	s23 =	sadd.s32 s23, s21  }
0x1d: {  	s24 =	sadd.s32 $0x0, s23  }
0x1e: {  	v5 =	vadd.s32 s24, v2  }
0x1f: {  	v6 =	vshrl.u32 v5, $0x13;
	v7 =	vshll.u32 v5, $0xD  }
0x20: {  	v5 =	vadd.s32 v4, v5;
	v6 =	vor.u32 v6, v7  }
0x21: {  	v6 =	vxor.u32 v5, v6  }
0x22: {  	v7 =	vshrl.u32 v6, $0x11;
	v8 =	vshll.u32 v6, $0xF  }
0x23: {  	v5 =	vadd.s32 v5, v6;
	v6 =	vor.u32 v7, v8  }
0x24: {  	v6 =	vxor.u32 v5, v6  }
0x25: {  	v7 =	vshrl.u32 v6, $0x6;
	v8 =	vshll.u32 v6, $0x1A  }
0x26: {  	v5 =	vadd.s32 v5, v6;
	v6 =	vor.u32 v7, v8  }
0x27: {  	v6 =	vxor.u32 v5, v6  }
0x28: {  	v7 =	vshrl.u32 v6, $0x1A;
	v8 =	vshll.u32 v6, $0x6  }
0x29: {  	v5 =	vadd.s32 v5, v6;
	v6 =	vor.u32 v7, v8  }
0x2a: {  	v6 =	vxor.u32 v5, v6  }
0x2b: {  	v6 =	vadd.s32 $0x6B9B236E, v6  }
0x2c: {  	v5 =	vadd.s32 v6, v5;
	v7 =	vshrl.u32 v6, $0xF;
	v6 =	vshll.u32 v6, $0x11  }
0x2d: {  	v5 =	vadd.s32 $0x6E752082, v5;
	v6 =	vor.u32 v7, v6  }
0x2e: {  	v6 =	vxor.u32 v5, v6  }
0x2f: {  	v7 =	vshrl.u32 v6, $0x3;
	v8 =	vshll.u32 v6, $0x1D  }
0x30: {  	v5 =	vadd.s32 v5, v6;
	v6 =	vor.u32 v7, v8  }
0x31: {  	v6 =	vxor.u32 v5, v6  }
0x32: {  	v7 =	vshrl.u32 v6, $0x10;
	v8 =	vshll.u32 v6, $0x10  }
0x33: {  	v5 =	vadd.s32 v5, v6;
	v6 =	vor.u32 v7, v8  }
0x34: {  	v6 =	vxor.u32 v5, v6  }
0x35: {  	v7 =	vshrl.u32 v6, $0x8;
	v8 =	vshll.u32 v6, $0x18  }
0x36: {  	v5 =	vadd.s32 v5, v6;
	v6 =	vor.u32 v7, v8  }
0x37: {  	v6 =	vxor.u32 v5, v6  }
0x38: {  	v6 =	vadd.s32 $0x1E3F1837, v6  }
0x39: {  	v5 =	vadd.s32 v6, v5;
	v7 =	vshrl.u32 v6, $0x13;
	v6 =	vshll.u32 v6, $0xD  }
0x3a: {  	v5 =	vadd.s32 $0x6B9B236D, v5;
	v6 =	vor.u32 v7, v6  }
0x3b: {  	v6 =	vxor.u32 v5, v6  }
0x3c: {  	v7 =	vshrl.u32 v6, $0x11;
	v8 =	vshll.u32 v6, $0xF  }
0x3d: {  	v5 =	vadd.s32 v5, v6;
	v6 =	vor.u32 v7, v8  }
0x3e: {  	v6 =	vxor.u32 v5, v6  }
0x3f: {  	v7 =	vshrl.u32 v6, $0x6;
	v8 =	vshll.u32 v6, $0x1A  }
0x40: {  	v5 =	vadd.s32 v5, v6;
	v6 =	vor.u32 v7, v8  }
0x41: {  	v6 =	vxor.u32 v5, v6  }
0x42: {  	v7 =	vshrl.u32 v6, $0x1A;
	v8 =	vshll.u32 v6, $0x6  }
0x43: {  	v5 =	vadd.s32 v5, v6;
	v6 =	vor.u32 v7, v8  }
0x44: {  	v6 =	vxor.u32 v5, v6  }
0x45: {  	v6 =	vadd.s32 $0x6E752085, v6  }
0x46: {  	v5 =	vadd.s32 v6, v5;
	v7 =	vshrl.u32 v6, $0xF;
	v6 =	vshll.u32 v6, $0x11  }
0x47: {  	s25 =	sadd.s32 $0x10, s23;
	v5 =	vadd.s32 $0x1E3F1835, v5;
	v6 =	vor.u32 v7, v6  }
0x48: {  	v7 =	vadd.s32 s25, v2;
	v6 =	vxor.u32 v5, v6  }
0x49: {  	v8 =	vshrl.u32 v7, $0x13;
	v9 =	vshrl.u32 v6, $0x3;
	v10 =	vshll.u32 v6, $0x1D  }
0x4a: {  	v11 =	vshll.u32 v7, $0xD;
	v5 =	vadd.s32 v5, v6;
	v6 =	vor.u32 v9, v10  }
0x4b: {  	v7 =	vadd.s32 v4, v7;
	v8 =	vor.u32 v8, v11;
	v6 =	vxor.u32 v5, v6  }
0x4c: {  	v8 =	vxor.u32 v7, v8;
	v9 =	vshrl.u32 v6, $0x10;
	v10 =	vshll.u32 v6, $0x10  }
0x4d: {  	v7 =	vadd.s32 v7, v8;
	v5 =	vadd.s32 v5, v6;
	v6 =	vor.u32 v9, v10  }
0x4e: {  	v9 =	vshrl.u32 v8, $0x11;
	v8 =	vshll.u32 v8, $0xF;
	v6 =	vxor.u32 v5, v6  }
0x4f: {  	v8 =	vor.u32 v9, v8;
	v9 =	vshrl.u32 v6, $0x8;
	v10 =	vshll.u32 v6, $0x18  }
0x50: {  	v8 =	vxor.u32 v7, v8;
	v5 =	vadd.s32 v5, v6;
	v6 =	vor.u32 v9, v10  }
0x51: {  	v7 =	vadd.s32 v7, v8;
	v6 =	vxor.u32 v5, v6  }
0x52: {  	v9 =	vshrl.u32 v8, $0x6;
	v8 =	vshll.u32 v8, $0x1A;
	v6 =	vadd.s32 $0x6B9B2371, v6  }
0x53: {  	v5 =	vadd.s32 v6, v5;
	v10 =	vshrl.u32 v6, $0x13;
	v6 =	vshll.u32 v6, $0xD  }
0x54: {  	v8 =	vor.u32 v9, v8;
	v5 =	vadd.s32 $0x6E752082, v5;
	v6 =	vor.u32 v10, v6  }
0x55: {  	v8 =	vxor.u32 v7, v8;
	v6 =	vxor.u32 v5, v6  }
0x56: {  	v9 =	vshrl.u32 v8, $0x1A;
	v10 =	vshrl.u32 v6, $0x11;
	v11 =	vshll.u32 v6, $0xF  }
0x57: {  	v12 =	vshll.u32 v8, $0x6;
	v5 =	vadd.s32 v5, v6;
	v6 =	vor.u32 v10, v11  }
0x58: {  	v7 =	vadd.s32 v7, v8;
	v8 =	vor.u32 v9, v12;
	v6 =	vxor.u32 v5, v6  }
0x59: {  	v8 =	vxor.u32 v7, v8;
	v9 =	vshrl.u32 v6, $0x6;
	v10 =	vshll.u32 v6, $0x1A  }
0x5a: {  	v8 =	vadd.s32 $0x6B9B236E, v8;
	v5 =	vadd.s32 v5, v6;
	v6 =	vor.u32 v9, v10  }
0x5b: {  	v7 =	vadd.s32 v8, v7;
	v6 =	vxor.u32 v5, v6  }
0x5c: {  	v9 =	vshrl.u32 v8, $0xF;
	v10 =	vshrl.u32 v6, $0x1A;
	v11 =	vshll.u32 v6, $0x6  }
0x5d: {  	v8 =	vshll.u32 v8, $0x11;
	v5 =	vadd.s32 v5, v6;
	v6 =	vor.u32 v10, v11  }
0x5e: {  	v7 =	vadd.s32 $0x6E752082, v7;
	v8 =	vor.u32 v9, v8;
	v6 =	vxor.u32 v5, v6  }
0x5f: {  	v8 =	vxor.u32 v7, v8;
	v5 =	vadd.s32 $0x6B9B236D, v5;
	v6 =	vadd.s32 $0x1E3F183A, v6  }
0x60: {  	v9 =	vshrl.u32 v8, $0x3;
	v10 =	vshll.u32 v8, $0x1D;
	v5 =	vxor.u32 v5, v6  }
0x61: {  	v6 =	vadd.s32 v7, v8;
	v7 =	vor.u32 v9, v10;
	v5 =	vshrl.u32 v5, $0x9  }
0x62: {  	v7 =	vxor.u32 v6, v7;
	v5 =	vcvt.s32.f32 v5  }
0x63: {  	v8 =	vshrl.u32 v7, $0x10;
	v9 =	vshll.u32 v7, $0x10  }
0x64: {  	v6 =	vadd.s32 v6, v7;
	v7 =	vor.u32 v8, v9;
	v5 =	vmul.f32 $1.192092900e-07, v5  }
0x65: {  	v7 =	vxor.u32 v6, v7  }
0x66: {  	v8 =	vshrl.u32 v7, $0x8;
	v9 =	vshll.u32 v7, $0x18;
	v10 =	vand.u32 $0x7FFFFF, v5  }
0x67: {  	s26 =	sadd.s32 $0x20, s23;
	v6 =	vadd.s32 v6, v7;
	v7 =	vor.u32 v8, v9;
	v8 =	vor.u32 $0x3F800000, v10  }
0x68: {  	v9 =	vadd.s32 s26, v2;
	v7 =	vxor.u32 v6, v7;
	v10 =	vmul.f32 $5.000000000e-01, v8  }
0x69: {  	v11 =	vadd.s32 v4, v9;
	v7 =	vadd.s32 $0x1E3F1837, v7;
	vm0 =	vgt.f32 v8, $1.414213540e+00  }
0x6a: {  	v12 =	vshrl.u32 v9, $0x13;
	v6 =	vadd.s32 v7, v6;
	v8 =	vsel vm0, v10, v8  }
0x6b: {  	v10 =	vshrl.u32 v7, $0x13;
	v7 =	vshll.u32 v7, $0xD;
	v8 =	vadd.f32 $-1.000000000e+00, v8  }
0x6c: {  	v9 =	vshll.u32 v9, $0xD;
	v6 =	vadd.s32 $0x6B9B236D, v6;
	v7 =	vor.u32 v10, v7  }
0x6d: {  	v9 =	vor.u32 v12, v9;
	v7 =	vxor.u32 v6, v7;
	v10 =	vmul.f32 $6.652066860e-02, v8  }
0x6e: {  	v9 =	vxor.u32 v11, v9;
	v12 =	vshrl.u32 v7, $0x11;
	v13 =	vshll.u32 v7, $0xF  }
0x6f: {  	v6 =	vadd.s32 v6, v7;
	v7 =	vor.u32 v12, v13;
	v10 =	vadd.f32 $-1.157495830e-01, v10  }
0x70: {  	s31 =	simm.s32 $0x0;
	v11 =	vadd.s32 v11, v9;
	v15 =	vshrl.u32 v9, $0x11;
	v7 =	vxor.u32 v6, v7  }
0x71: {  	v14 =	vld [tilespmem:s31+$0x0];
	v12 =	vshrl.u32 v7, $0x6;
	v13 =	vshll.u32 v7, $0x1A;
	v10 =	vmul.f32 v10, v8  }
0x72: {  	v9 =	vshll.u32 v9, $0xF;
	v6 =	vadd.s32 v6, v7;
	v7 =	vor.u32 v12, v13  }
0x73: {  	v9 =	vor.u32 v15, v9;
	v7 =	vxor.u32 v6, v7;
	v10 =	vadd.f32 $1.188077630e-01, v10  }
0x74: {  	v9 =	vxor.u32 v11, v9;
	v12 =	vshrl.u32 v7, $0x1A;
	v13 =	vshll.u32 v7, $0x6  }
0x75: {  	v6 =	vadd.s32 v6, v7;
	v7 =	vor.u32 v12, v13;
	v10 =	vmul.f32 v10, v8  }
0x76: {  	v11 =	vadd.s32 v11, v9;
	v12 =	vmax.f32 v14, $9.999999960e-13;
	v7 =	vxor.u32 v6, v7  }
0x77: {  	v13 =	vshrl.u32 v9, $0x6;
	v7 =	vadd.s32 $0x6E752085, v7;
	v10 =	vadd.f32 $-1.242143360e-01, v10  }
0x78: {  	v6 =	vadd.s32 v7, v6;
	v14 =	vshrl.u32 v7, $0xF;
	v7 =	vshll.u32 v7, $0x11  }
0x79: {  	v9 =	vshll.u32 v9, $0x1A;
	v6 =	vadd.s32 $0x1E3F1835, v6;
	v7 =	vor.u32 v14, v7  }
0x7a: {  	v9 =	vor.u32 v13, v9;
	v10 =	vmul.f32 v10, v8;
	v7 =	vxor.u32 v6, v7  }
0x7b: {  	v9 =	vxor.u32 v11, v9;
	v13 =	vshrl.u32 v7, $0x3;
	v14 =	vshll.u32 v7, $0x1D  }
0x7c: {  	v6 =	vadd.s32 v6, v7;
	v10 =	vadd.f32 $1.422134940e-01, v10;
	v7 =	vor.u32 v13, v14  }
0x7d: {  	v11 =	vadd.s32 v11, v9;
	v7 =	vxor.u32 v6, v7  }
0x7e: {  	v10 =	vmul.f32 v10, v8;
	v14 =	vshrl.u32 v7, $0x10;
	v15 =	vshll.u32 v7, $0x10  }
0x7f: {  	v13 =	vshrl.u32 v9, $0x1A;
	v6 =	vadd.s32 v6, v7;
	v7 =	vor.u32 v14, v15  }
0x80: {  	v9 =	vshll.u32 v9, $0x6;
	v10 =	vadd.f32 $-1.666707250e-01, v10;
	v7 =	vxor.u32 v6, v7  }
0x81: {  	v9 =	vor.u32 v13, v9;
	v13 =	vshrl.u32 v7, $0x8;
	v14 =	vshll.u32 v7, $0x18  }
0x82: {  	v6 =	vadd.s32 v6, v7;
	v10 =	vmul.f32 v10, v8;
	v7 =	vor.u32 v13, v14  }
0x83: {  	(erf) = vrcp.f32 v12;
	v9 =	vxor.u32 v11, v9;
	v7 =	vxor.u32 v6, v7  }
0x84: {  	v9 =	vadd.s32 $0x6B9B236E, v9;
	v10 =	vadd.f32 $2.000210140e-01, v10;
	v7 =	vadd.s32 $0x6B9B2371, v7  }
0x85: {  	v11 =	vadd.s32 v9, v11;
	v12 =	vshrl.u32 v9, $0xF;
	v6 =	vadd.s32 v7, v6  }
0x86: {  	v13 =	vshrl.u32 v7, $0x13;
	v7 =	vshll.u32 v7, $0xD;
	v10 =	vmul.f32 v10, v8  }
0x87: {  	v9 =	vshll.u32 v9, $0x11;
	v6 =	vadd.s32 $0x6E752082, v6;
	v7 =	vor.u32 v13, v7  }
0x88: {  	v11 =	vadd.s32 $0x6E752082, v11;
	v7 =	vxor.u32 v6, v7;
	v10 =	vadd.f32 $-2.500003580e-01, v10  }
0x89: {  	v9 =	vor.u32 v12, v9;
	v13 =	vshrl.u32 v7, $0x11;
	v14 =	vshll.u32 v7, $0xF  }
0x8a: {  	v6 =	vadd.s32 v6, v7;
	v7 =	vor.u32 v13, v14;
	v10 =	vmul.f32 v10, v8  }
0x8b: {  	v5 =	vshrl.u32 v5, $0x17;
	v9 =	vxor.u32 v11, v9;
	v7 =	vxor.u32 v6, v7  }
0x8c: {  	v12 =	vshrl.u32 v7, $0x6;
	v13 =	vshll.u32 v7, $0x1A;
	v10 =	vadd.f32 $3.333331050e-01, v10  }
0x8d: {  	v11 =	vadd.s32 v11, v9;
	v6 =	vadd.s32 v6, v7;
	v7 =	vor.u32 v12, v13  }
0x8e: {  	v12 =	vshrl.u32 v9, $0x3;
	v7 =	vxor.u32 v6, v7;
	v10 =	vmul.f32 v10, v8  }
0x8f: {  	v9 =	vshll.u32 v9, $0x1D;
	v13 =	vshrl.u32 v7, $0x1A;
	v14 =	vshll.u32 v7, $0x6  }
0x90: {  	v6 =	vadd.s32 v6, v7;
	v7 =	vor.u32 v13, v14;
	v10 =	vadd.f32 $-5.000000000e-01, v10  }
0x91: {  	v9 =	vor.u32 v12, v9;
	v12 =	vsel vm0, $0xFFFFFF82, v3;
	v7 =	vxor.u32 v6, v7  }
0x92: {  	v6 =	vadd.s32 $0x6B9B236D, v6;
	v7 =	vadd.s32 $0x1E3F183A, v7;
	v10 =	vmul.f32 v10, v8  }
0x93: {  	v5 =	vadd.s32 v5, v12;
	v9 =	vxor.u32 v11, v9;
	v6 =	vxor.u32 v6, v7  }
0x94: {  	v5 =	vcvt.s32.f32 v5;
	v6 =	vshrl.u32 v6, $0x9;
	v10 =	vadd.f32 $1.000000000e+00, v10  }
0x95: {  	v12 =	vshll.u32 v9, $0x10;
	v6 =	vcvt.s32.f32 v6  }
0x96: {  	s26 =	sadd.s32 $0x30, s23;
	v7 =	vmul.f32 $6.931471820e-01, v5;
	v8 =	vmul.f32 v10, v8;
	v10 =	vshrl.u32 v9, $0x10  }
0x97: {  	v9 =	vadd.s32 v11, v9;
	v10 =	vor.u32 v10, v12;
	v12 =	vadd.s32 s26, v2  }
0x98: {  	s24 =	sshll.u32 s22, $0x7;
	s25 =	sadd.s32 $0x0, s19;
	v7 =	vadd.f32 v8, v7;
	v10 =	vxor.u32 v9, v10;
	v8 =	vmul.f32 $1.192092900e-07, v6  }
0x99: {  	v5 =	vld [tilespmem:s24+$0x10000];
	v11 =	vor.u32 s25, v2;
	v6 =	vpop (erf);
	v15 =	vshrl.u32 v12, $0x13;
	v13 =	vshrl.u32 v10, $0x8  }
0x9a: {  	v6 =	vmul.f32 v6, v7;
	v7 =	vshll.u32 v10, $0x18;
	v14 =	vand.u32 $0x7FFFFF, v8  }
0x9b: {  	v9 =	vadd.s32 v9, v10;
	v7 =	vor.u32 v13, v7;
	v10 =	vor.u32 $0x3F800000, v14  }
0x9c: {  	v14 =	vadd.s32 v4, v12;
	v7 =	vxor.u32 v9, v7;
	v13 =	vmul.f32 $5.000000000e-01, v10  }
0x9d: {  	v12 =	vshll.u32 v12, $0xD;
	vm0 =	vgt.f32 v10, $1.414213540e+00;
	v7 =	vadd.s32 $0x1E3F1837, v7  }
0x9e: {  	vm1 =	vgt.f32 v6, v5;
	v16 =	vadd.s32 v7, v9;
	v9 =	vsel vm0, v13, v10  }
0x9f: {  	v10 =	vld [tilespmem:s24+$0x11000];
	v13 =	vshrl.u32 v7, $0x13;
	v7 =	vshll.u32 v7, $0xD;
	v9 =	vadd.f32 $-1.000000000e+00, v9  }
0xa0: {  	v12 =	vor.u32 v15, v12;
	v16 =	vadd.s32 $0x6B9B236D, v16;
	v7 =	vor.u32 v13, v7  }
0xa1: {  	v12 =	vxor.u32 v14, v12;
	v7 =	vxor.u32 v16, v7;
	v13 =	vmul.f32 $6.652066860e-02, v9  }
0xa2: {  	v18 =	vshrl.u32 v12, $0x11;
	v15 =	vshrl.u32 v7, $0x11;
	v17 =	vshll.u32 v7, $0xF  }
0xa3: {  	v16 =	vadd.s32 v16, v7;
	v15 =	vor.u32 v15, v17;
	v13 =	vadd.f32 $-1.157495830e-01, v13  }
0xa4: {  	v7 =	vsel vm1, v11, v10;
	v10 =	vadd.s32 v14, v12;
	v11 =	vxor.u32 v16, v15  }
0xa5: {  	s25 =	simm.s32 $0x10;
	v14 =	vshrl.u32 v11, $0x6;
	v15 =	vshll.u32 v11, $0x1A;
	v13 =	vmul.f32 v13, v9  }
0xa6: {  	v17 =	vld [tilespmem:s25+$0x0];
	v12 =	vshll.u32 v12, $0xF;
	v11 =	vadd.s32 v16, v11;
	v14 =	vor.u32 v14, v15  }
0xa7: {  	v12 =	vor.u32 v18, v12;
	v14 =	vxor.u32 v11, v14;
	v13 =	vadd.f32 $1.188077630e-01, v13  }
0xa8: {  	v12 =	vxor.u32 v10, v12;
	v15 =	vshrl.u32 v14, $0x1A;
	v16 =	vshll.u32 v14, $0x6  }
0xa9: {  	v11 =	vadd.s32 v11, v14;
	v14 =	vor.u32 v15, v16;
	v13 =	vmul.f32 v13, v9  }
0xaa: {  	v10 =	vadd.s32 v10, v12;
	v14 =	vxor.u32 v11, v14  }
0xab: {  	v16 =	vmax.f32 v17, $9.999999960e-13;
	v14 =	vadd.s32 $0x6E752085, v14;
	v13 =	vadd.f32 $-1.242143360e-01, v13  }
0xac: {  	v15 =	vshrl.u32 v12, $0x6;
	v12 =	vshll.u32 v12, $0x1A;
	v11 =	vadd.s32 v14, v11  }
0xad: {  	v17 =	vshrl.u32 v14, $0xF;
	v14 =	vshll.u32 v14, $0x11;
	v13 =	vmul.f32 v13, v9  }
0xae: {  	v12 =	vor.u32 v15, v12;
	v11 =	vadd.s32 $0x1E3F1835, v11;
	v14 =	vor.u32 v17, v14  }
0xaf: {  	v12 =	vxor.u32 v10, v12;
	v14 =	vxor.u32 v11, v14;
	v13 =	vadd.f32 $1.422134940e-01, v13  }
0xb0: {  	v10 =	vadd.s32 v10, v12;
	v15 =	vshrl.u32 v14, $0x3;
	v17 =	vshll.u32 v14, $0x1D  }
0xb1: {  	v11 =	vadd.s32 v11, v14;
	v14 =	vor.u32 v15, v17;
	v13 =	vmul.f32 v13, v9  }
0xb2: {  	v15 =	vshrl.u32 v12, $0x1A;
	v12 =	vshll.u32 v12, $0x6;
	v14 =	vxor.u32 v11, v14  }
0xb3: {  	v17 =	vshrl.u32 v14, $0x10;
	v63 =	vshll.u32 v14, $0x10;
	v13 =	vadd.f32 $-1.666707250e-01, v13  }
0xb4: {  	v12 =	vor.u32 v15, v12;
	v11 =	vadd.s32 v11, v14;
	v14 =	vor.u32 v17, v63  }
0xb5: {  	v12 =	vxor.u32 v10, v12;
	v14 =	vxor.u32 v11, v14;
	v15 =	vmul.f32 v13, v9  }
0xb6: {  	v17 =	vshll.u32 v14, $0x18;
	v13 =	vadd.s32 $0x6B9B236E, v12;
	v12 =	vshrl.u32 v14, $0x8  }
0xb7: {  	v11 =	vadd.s32 v11, v14;
	v12 =	vor.u32 v12, v17;
	v17 =	vadd.f32 $2.000210140e-01, v15  }
0xb8: {  	s28 =	simm.s32 $0x30;
	(erf) = vrcp.f32 v16;
	v15 =	vadd.s32 v13, v10;
	v10 =	vxor.u32 v11, v12  }
0xb9: {  	s30 =	simm.s32 $0x40;
	s29 =	simm.s32 $0x10;
	s26 =	simm.s32 $0x20;
	v14 =	vshrl.u32 v13, $0xF;
	v12 =	vadd.s32 $0x6B9B2371, v10;
	v10 =	vmul.f32 v17, v9  }
.LBB2_7:
0xba: {  	p0 =	sne.s32 s30, $0xFFF0;
	v11 =	vadd.s32 v12, v11;
	v16 =	vshrl.u32 v12, $0x13;
	v12 =	vshll.u32 v12, $0xD  }
0xbb: {  	v11 =	vadd.s32 $0x6E752082, v11;
	v12 =	vor.u32 v16, v12;
	v10 =	vadd.f32 $-2.500003580e-01, v10  }
0xbc: {  	v15 =	vadd.s32 $0x6E752082, v15;
	v13 =	vshll.u32 v13, $0x11;
	v12 =	vxor.u32 v11, v12  }
0xbd: {  	v16 =	vshrl.u32 v12, $0x11;
	v17 =	vshll.u32 v12, $0xF;
	v10 =	vmul.f32 v10, v9  }
0xbe: {  	v13 =	vor.u32 v14, v13;
	v11 =	vadd.s32 v11, v12;
	v12 =	vor.u32 v16, v17  }
0xbf: {  	v13 =	vxor.u32 v15, v13;
	v12 =	vxor.u32 v11, v12;
	v10 =	vadd.f32 $3.333331050e-01, v10  }
0xc0: {  	v14 =	vadd.s32 v15, v13;
	v17 =	vshrl.u32 v12, $0x6;
	v16 =	vshll.u32 v12, $0x1A  }
0xc1: {  	v11 =	vadd.s32 v11, v12;
	v12 =	vor.u32 v17, v16;
	v10 =	vmul.f32 v10, v9;
	v15 =	vpop (erf)  }
0xc2: {  	v16 =	vshrl.u32 v13, $0x3;
	v13 =	vshll.u32 v13, $0x1D;
	v12 =	vxor.u32 v11, v12  }
0xc3: {  	v17 =	vshrl.u32 v12, $0x1A;
	v18 =	vshll.u32 v12, $0x6;
	v10 =	vadd.f32 $-5.000000000e-01, v10  }
0xc4: {  	v13 =	vor.u32 v16, v13;
	v11 =	vadd.s32 v11, v12;
	v12 =	vor.u32 v17, v18  }
0xc5: {  	v8 =	vshrl.u32 v8, $0x17;
	v16 =	vsel vm0, $0xFFFFFF82, v3;
	v10 =	vmul.f32 v10, v9  }
0xc6: {  	v8 =	vadd.s32 v8, v16;
	v12 =	vxor.u32 v11, v12;
	v11 =	vadd.s32 $0x6B9B236D, v11  }
0xc7: {  	s31 =	sadd.s32 s25, s19;
	s25 =	smov.u32 s26;
	s26 =	smov.u32 s28;
	v8 =	vcvt.s32.f32 v8;
	v12 =	vadd.s32 $0x1E3F183A, v12;
	v10 =	vadd.f32 $1.000000000e+00, v10  }
0xc8: {  	s28 =	smov.u32 s30;
	v13 =	vxor.u32 v14, v13;
	v11 =	vxor.u32 v11, v12;
	v12 =	vor.u32 s31, v2  }
0xc9: {  	v8 =	vmul.f32 $6.931471820e-01, v8;
	v11 =	vshrl.u32 v11, $0x9;
	v9 =	vmul.f32 v10, v9  }
0xca: {  	v16 =	vshll.u32 v13, $0x10;
	v10 =	vshrl.u32 v13, $0x10;
	v11 =	vcvt.s32.f32 v11  }
0xcb: {  	s31 =	sadd.s32 s23, s30;
	v13 =	vadd.s32 v14, v13;
	v10 =	vor.u32 v10, v16;
	v9 =	vadd.f32 v9, v8  }
0xcc: {  	v14 =	vadd.s32 s31, v2;
	v10 =	vxor.u32 v13, v10;
	v8 =	vmul.f32 $1.192092900e-07, v11  }
0xcd: {  	v11 =	vadd.s32 v13, v10;
	v13 =	vshrl.u32 v10, $0x8;
	v9 =	vmul.f32 v15, v9  }
0xce: {  	v5 =	vmax.f32 v6, v5;
	v10 =	vshll.u32 v10, $0x18;
	v15 =	vand.u32 $0x7FFFFF, v8  }
0xcf: {  	v10 =	vor.u32 v13, v10;
	v13 =	vor.u32 $0x3F800000, v15;
	vm0 =	vgt.f32 v9, v5;
	v6 =	vmovc v9  }
0xd0: {  	v9 =	vxor.u32 v11, v10;
	v10 =	vmul.f32 $5.000000000e-01, v13;
	v7 =	vsel vm0, v12, v7  }
0xd1: {  	v12 =	vadd.s32 v4, v14;
	v9 =	vadd.s32 $0x1E3F1837, v9;
	vm0 =	vgt.f32 v13, $1.414213540e+00  }
0xd2: {  	v15 =	vshrl.u32 v14, $0x13;
	v11 =	vadd.s32 v9, v11;
	v10 =	vsel vm0, v10, v13  }
0xd3: {  	v13 =	vshrl.u32 v9, $0x13;
	v16 =	vshll.u32 v9, $0xD;
	v9 =	vadd.f32 $-1.000000000e+00, v10  }
0xd4: {  	v10 =	vshll.u32 v14, $0xD;
	v11 =	vadd.s32 $0x6B9B236D, v11;
	v13 =	vor.u32 v13, v16  }
0xd5: {  	v10 =	vor.u32 v15, v10;
	v13 =	vxor.u32 v11, v13;
	v14 =	vmul.f32 $6.652066860e-02, v9  }
0xd6: {  	v10 =	vxor.u32 v12, v10;
	v15 =	vshrl.u32 v13, $0x11;
	v16 =	vshll.u32 v13, $0xF  }
0xd7: {  	v11 =	vadd.s32 v11, v13;
	v13 =	vor.u32 v15, v16;
	v14 =	vadd.f32 $-1.157495830e-01, v14  }
0xd8: {  	s29 =	sadd.s32 $0x10, s29;
	v12 =	vadd.s32 v12, v10;
	v13 =	vxor.u32 v11, v13  }
0xd9: {  	v15 =	vshrl.u32 v13, $0x6;
	v16 =	vshll.u32 v13, $0x1A;
	v14 =	vmul.f32 v14, v9;
	v17 =	vld [tilespmem:s29+$0x0]  }
0xda: {  	v18 =	vshrl.u32 v10, $0x11;
	v11 =	vadd.s32 v11, v13;
	v13 =	vor.u32 v15, v16  }
0xdb: {  	v10 =	vshll.u32 v10, $0xF;
	v13 =	vxor.u32 v11, v13;
	v14 =	vadd.f32 $1.188077630e-01, v14  }
0xdc: {  	v10 =	vor.u32 v18, v10;
	v15 =	vshrl.u32 v13, $0x1A;
	v16 =	vshll.u32 v13, $0x6  }
0xdd: {  	v11 =	vadd.s32 v11, v13;
	v13 =	vor.u32 v15, v16;
	v14 =	vmul.f32 v14, v9  }
0xde: {  	v10 =	vxor.u32 v12, v10;
	v13 =	vxor.u32 v11, v13;
	v16 =	vmax.f32 v17, $9.999999960e-13  }
0xdf: {  	v12 =	vadd.s32 v12, v10;
	v13 =	vadd.s32 $0x6E752085, v13;
	v14 =	vadd.f32 $-1.242143360e-01, v14  }
0xe0: {  	v15 =	vshrl.u32 v10, $0x6;
	v10 =	vshll.u32 v10, $0x1A;
	v11 =	vadd.s32 v13, v11  }
0xe1: {  	v17 =	vshrl.u32 v13, $0xF;
	v13 =	vshll.u32 v13, $0x11;
	v14 =	vmul.f32 v14, v9  }
0xe2: {  	v10 =	vor.u32 v15, v10;
	v11 =	vadd.s32 $0x1E3F1835, v11;
	v13 =	vor.u32 v17, v13  }
0xe3: {  	v10 =	vxor.u32 v12, v10;
	v13 =	vxor.u32 v11, v13;
	v14 =	vadd.f32 $1.422134940e-01, v14  }
0xe4: {  	v12 =	vadd.s32 v12, v10;
	v15 =	vshrl.u32 v13, $0x3;
	v17 =	vshll.u32 v13, $0x1D  }
0xe5: {  	v11 =	vadd.s32 v11, v13;
	v13 =	vor.u32 v15, v17;
	v14 =	vmul.f32 v14, v9  }
0xe6: {  	v15 =	vshrl.u32 v10, $0x1A;
	v10 =	vshll.u32 v10, $0x6;
	v13 =	vxor.u32 v11, v13  }
0xe7: {  	v17 =	vshrl.u32 v13, $0x10;
	v18 =	vshll.u32 v13, $0x10;
	v14 =	vadd.f32 $-1.666707250e-01, v14  }
0xe8: {  	v10 =	vor.u32 v15, v10;
	v11 =	vadd.s32 v11, v13;
	v13 =	vor.u32 v17, v18  }
.Ltmp1:
0xe9: {  	v10 =	vxor.u32 v12, v10;
	v15 =	vxor.u32 v11, v13;
	v14 =	vmul.f32 v14, v9;
	(pc) =	sbr.rel @p0 .LBB2_7-.Ltmp1, $4  }
0xea: {  	v13 =	vadd.s32 $0x6B9B236E, v10;
	v10 =	vshrl.u32 v15, $0x8;
	v17 =	vshll.u32 v15, $0x18  }
0xeb: {  	v11 =	vadd.s32 v11, v15;
	v10 =	vor.u32 v10, v17;
	v17 =	vadd.f32 $2.000210140e-01, v14  }
0xec: {  	v15 =	vadd.s32 v13, v12;
	v10 =	vxor.u32 v11, v10;
	(erf) = vrcp.f32 v16  }
0xed: {  	s30 =	sadd.s32 $0x10, s30;
	v14 =	vshrl.u32 v13, $0xF;
	v12 =	vadd.s32 $0x6B9B2371, v10;
	v10 =	vmul.f32 v17, v9  }
0xee: {  	v13 =	vshll.u32 v13, $0x11  }
0xef: {  	v15 =	vadd.s32 $0x6E752082, v15;
	v13 =	vor.u32 v14, v13  }
0xf0: {  	v13 =	vxor.u32 v15, v13  }
0xf1: {  	v36 =	vshrl.u32 v13, $0x3;
	v16 =	vshll.u32 v13, $0x1D  }
0xf2: {  	v13 =	vadd.s32 v15, v13;
	v14 =	vor.u32 v36, v16  }
0xf3: {  	v14 =	vxor.u32 v13, v14  }
0xf4: {  	v37 =	vshrl.u32 v14, $0x10;
	v38 =	vshll.u32 v14, $0x10  }
0xf5: {  	v13 =	vadd.s32 v13, v14;
	v39 =	vor.u32 v37, v38  }
0xf6: {  	v14 =	vxor.u32 v13, v39  }
0xf7: {  	v40 =	vshrl.u32 v14, $0x8;
	v41 =	vshll.u32 v14, $0x18  }
0xf8: {  	v13 =	vadd.s32 v13, v14;
	v42 =	vor.u32 v40, v41  }
0xf9: {  	v14 =	vxor.u32 v13, v42  }
0xfa: {  	v14 =	vadd.s32 $0x1E3F1837, v14  }
0xfb: {  	v13 =	vadd.s32 v14, v13;
	v43 =	vshrl.u32 v14, $0x13;
	v14 =	vshll.u32 v14, $0xD  }
0xfc: {  	v13 =	vadd.s32 $0x6B9B236D, v13;
	v14 =	vor.u32 v43, v14  }
0xfd: {  	v14 =	vxor.u32 v13, v14  }
0xfe: {  	v44 =	vshrl.u32 v14, $0x11;
	v45 =	vshll.u32 v14, $0xF  }
0xff: {  	v13 =	vadd.s32 v13, v14;
	v46 =	vor.u32 v44, v45  }
0x100: {  	v14 =	vxor.u32 v13, v46  }
0x101: {  	v47 =	vshrl.u32 v14, $0x6;
	v48 =	vshll.u32 v14, $0x1A  }
0x102: {  	v13 =	vadd.s32 v13, v14;
	v49 =	vor.u32 v47, v48  }
0x103: {  	v14 =	vxor.u32 v13, v49  }
0x104: {  	v50 =	vshrl.u32 v14, $0x1A;
	v51 =	vshll.u32 v14, $0x6  }
0x105: {  	v13 =	vadd.s32 v13, v14;
	v52 =	vor.u32 v50, v51  }
0x106: {  	v14 =	vxor.u32 v13, v52  }
0x107: {  	v14 =	vadd.s32 $0x6E752085, v14  }
0x108: {  	v13 =	vadd.s32 v14, v13;
	v53 =	vshrl.u32 v14, $0xF;
	v14 =	vshll.u32 v14, $0x11  }
0x109: {  	v13 =	vadd.s32 $0x1E3F1835, v13;
	v14 =	vor.u32 v53, v14  }
0x10a: {  	v14 =	vxor.u32 v13, v14  }
0x10b: {  	v54 =	vshrl.u32 v14, $0x3;
	v55 =	vshll.u32 v14, $0x1D  }
0x10c: {  	v13 =	vadd.s32 v13, v14;
	v56 =	vor.u32 v54, v55  }
0x10d: {  	v14 =	vxor.u32 v13, v56  }
0x10e: {  	v11 =	vadd.s32 v12, v11;
	v59 =	vshrl.u32 v14, $0x10;
	v17 =	vshll.u32 v14, $0x10  }
0x10f: {  	v57 =	vshrl.u32 v12, $0x13;
	v13 =	vadd.s32 v13, v14;
	v60 =	vor.u32 v59, v17  }
0x110: {  	v58 =	vshll.u32 v12, $0xD;
	v11 =	vadd.s32 $0x6E752082, v11;
	v14 =	vxor.u32 v13, v60  }
0x111: {  	v12 =	vor.u32 v57, v58;
	v62 =	vshrl.u32 v14, $0x8;
	v63 =	vshll.u32 v14, $0x18  }
0x112: {  	v12 =	vxor.u32 v11, v12;
	v13 =	vadd.s32 v13, v14;
	v20 =	vor.u32 v62, v63  }
0x113: {  	v61 =	vshrl.u32 v12, $0x11;
	v18 =	vshll.u32 v12, $0xF;
	v14 =	vxor.u32 v13, v20  }
0x114: {  	v11 =	vadd.s32 v11, v12;
	v21 =	vor.u32 v61, v18;
	v14 =	vadd.s32 $0x6B9B2371, v14  }
0x115: {  	v13 =	vadd.s32 v14, v13;
	v22 =	vshrl.u32 v14, $0x13;
	v14 =	vshll.u32 v14, $0xD  }
0x116: {  	v12 =	vxor.u32 v11, v21;
	v13 =	vadd.s32 $0x6E752082, v13;
	v14 =	vor.u32 v22, v14  }
0x117: {  	v23 =	vshrl.u32 v12, $0x6;
	v25 =	vxor.u32 v13, v14  }
0x118: {  	v24 =	vshll.u32 v12, $0x1A;
	v27 =	vshrl.u32 v25, $0x11;
	v28 =	vshll.u32 v25, $0xF  }
0x119: {  	v11 =	vadd.s32 v11, v12;
	v12 =	vadd.s32 v13, v25;
	v29 =	vor.u32 v27, v28  }
0x11a: {  	v26 =	vor.u32 v23, v24;
	v13 =	vxor.u32 v12, v29  }
0x11b: {  	v14 =	vxor.u32 v11, v26;
	v32 =	vshrl.u32 v13, $0x6;
	v33 =	vshll.u32 v13, $0x1A  }
0x11c: {  	v30 =	vshrl.u32 v14, $0x1A;
	v12 =	vadd.s32 v12, v13;
	v34 =	vor.u32 v32, v33  }
0x11d: {  	v31 =	vshll.u32 v14, $0x6;
	v11 =	vadd.s32 v11, v14;
	v13 =	vxor.u32 v12, v34  }
0x11e: {  	v15 =	vor.u32 v30, v31;
	v36 =	vshrl.u32 v13, $0x1A;
	v37 =	vshll.u32 v13, $0x6  }
0x11f: {  	v35 =	vxor.u32 v11, v15;
	v12 =	vadd.s32 v12, v13;
	v38 =	vor.u32 v36, v37  }
0x120: {  	v11 =	vadd.s32 $0x6B9B236D, v11;
	v14 =	vadd.s32 $0x1E3F183A, v35;
	v13 =	vxor.u32 v12, v38  }
0x121: {  	v11 =	vxor.u32 v11, v14;
	v12 =	vadd.s32 $0x6B9B236D, v12;
	v13 =	vadd.s32 $0x1E3F183A, v13  }
0x122: {  	v11 =	vshrl.u32 v11, $0x9;
	v12 =	vxor.u32 v12, v13  }
0x123: {  	v11 =	vcvt.s32.f32 v11;
	v12 =	vshrl.u32 v12, $0x9  }
0x124: {  	v12 =	vcvt.s32.f32 v12  }
0x125: {  	v11 =	vmul.f32 $1.192092900e-07, v11  }
0x126: {  	v12 =	vmul.f32 $1.192092900e-07, v12  }
0x127: {  	v39 =	vand.u32 $0x7FFFFF, v11  }
0x128: {  	v13 =	vor.u32 $0x3F800000, v39;
	v41 =	vand.u32 $0x7FFFFF, v12  }
0x129: {  	v40 =	vmul.f32 $5.000000000e-01, v13;
	v42 =	vor.u32 $0x3F800000, v41  }
0x12a: {  	vm2 =	vgt.f32 v13, $1.414213540e+00;
	v15 =	vmul.f32 $5.000000000e-01, v42  }
0x12b: {  	v13 =	vsel vm2, v40, v13;
	vm1 =	vgt.f32 v42, $1.414213540e+00  }
0x12c: {  	v13 =	vadd.f32 $-1.000000000e+00, v13;
	v14 =	vsel vm1, v15, v42  }
0x12d: {  	v14 =	vadd.f32 $-1.000000000e+00, v14  }
0x12e: {  	v43 =	vmul.f32 $6.652066860e-02, v13  }
0x12f: {  	v45 =	vmul.f32 $6.652066860e-02, v14  }
0x130: {  	v44 =	vadd.f32 $-1.157495830e-01, v43  }
0x131: {  	v16 =	vadd.f32 $-1.157495830e-01, v45  }
0x132: {  	v15 =	vmul.f32 v44, v13  }
0x133: {  	v16 =	vmul.f32 v16, v14  }
0x134: {  	v15 =	vadd.f32 $1.188077630e-01, v15  }
0x135: {  	v16 =	vadd.f32 $1.188077630e-01, v16  }
0x136: {  	v15 =	vmul.f32 v15, v13  }
0x137: {  	v16 =	vmul.f32 v16, v14  }
0x138: {  	v15 =	vadd.f32 $-1.242143360e-01, v15  }
0x139: {  	v16 =	vadd.f32 $-1.242143360e-01, v16  }
0x13a: {  	v15 =	vmul.f32 v15, v13  }
0x13b: {  	v16 =	vmul.f32 v16, v14  }
0x13c: {  	v15 =	vadd.f32 $1.422134940e-01, v15  }
0x13d: {  	v16 =	vadd.f32 $1.422134940e-01, v16  }
0x13e: {  	v15 =	vmul.f32 v15, v13  }
0x13f: {  	v16 =	vmul.f32 v16, v14  }
0x140: {  	v10 =	vadd.f32 $-2.500003580e-01, v10;
	v15 =	vadd.f32 $-1.666707250e-01, v15  }
0x141: {  	v16 =	vadd.f32 $-1.666707250e-01, v16  }
0x142: {  	v10 =	vmul.f32 v10, v9;
	v15 =	vmul.f32 v15, v13  }
0x143: {  	v16 =	vmul.f32 v16, v14  }
0x144: {  	v10 =	vadd.f32 $3.333331050e-01, v10;
	v15 =	vadd.f32 $2.000210140e-01, v15  }
0x145: {  	v16 =	vadd.f32 $2.000210140e-01, v16  }
0x146: {  	v10 =	vmul.f32 v10, v9;
	v15 =	vmul.f32 v15, v13  }
0x147: {  	v16 =	vmul.f32 v16, v14  }
0x148: {  	s23 =	sadd.s32 $0x10, s29;
	v10 =	vadd.f32 $-5.000000000e-01, v10;
	v15 =	vadd.f32 $-2.500003580e-01, v15  }
0x149: {  	v46 =	vld [tilespmem:s23+$0x0];
	s23 =	sadd.s32 $0x10, s23;
	v16 =	vadd.f32 $-2.500003580e-01, v16  }
0x14a: {  	v10 =	vmul.f32 v10, v9;
	v19 =	vld [tilespmem:s23+$0x0];
	v15 =	vmul.f32 v15, v13  }
0x14b: {  	v8 =	vshrl.u32 v8, $0x17;
	v47 =	vsel vm0, $0xFFFFFF82, v3;
	v16 =	vmul.f32 v16, v14  }
0x14c: {  	v10 =	vadd.f32 $1.000000000e+00, v10;
	v8 =	vadd.s32 v8, v47;
	v15 =	vadd.f32 $3.333331050e-01, v15  }
0x14d: {  	v8 =	vcvt.s32.f32 v8;
	v16 =	vadd.f32 $3.333331050e-01, v16  }
0x14e: {  	v50 =	vmul.f32 v10, v9;
	v17 =	vmax.f32 v46, $9.999999960e-13;
	v15 =	vmul.f32 v15, v13  }
0x14f: {  	v49 =	vmax.f32 v19, $9.999999960e-13;
	(erf) = vrcp.f32 v17;
	v16 =	vmul.f32 v16, v14  }
0x150: {  	v11 =	vshrl.u32 v11, $0x17;
	v48 =	vsel vm2, $0xFFFFFF82, v3;
	v15 =	vadd.f32 $-5.000000000e-01, v15  }
0x151: {  	(erf) = vrcp.f32 v49;
	v11 =	vadd.s32 v11, v48;
	v16 =	vadd.f32 $-5.000000000e-01, v16  }
0x152: {  	v11 =	vcvt.s32.f32 v11;
	v15 =	vmul.f32 v15, v13  }
0x153: {  	v12 =	vshrl.u32 v12, $0x17;
	v52 =	vsel vm1, $0xFFFFFF82, v3;
	v16 =	vmul.f32 v16, v14  }
0x154: {  	v8 =	vmul.f32 $6.931471820e-01, v8;
	v54 =	vadd.s32 v12, v52;
	v51 =	vadd.f32 $1.000000000e+00, v15  }
0x155: {  	v53 =	vmul.f32 $6.931471820e-01, v11;
	v11 =	vcvt.s32.f32 v54;
	v56 =	vadd.f32 $1.000000000e+00, v16  }
0x156: {  	v8 =	vadd.f32 v50, v8;
	v10 =	vmul.f32 v51, v13  }
0x157: {  	v55 =	vpop (erf);
	v57 =	vmul.f32 $6.931471820e-01, v11;
	v58 =	vmul.f32 v56, v14  }
0x158: {  	s29 =	sadd.s32 s25, s19;
	v8 =	vmul.f32 v55, v8;
	v9 =	vadd.f32 v10, v53  }
0x159: {  	v5 =	vmax.f32 v6, v5;
	s22 =	sadd.s32 $0x1, s22;
	v60 =	vor.u32 s29, v2;
	v59 =	vpop (erf);
	v61 =	vadd.f32 v58, v57  }
0x15a: {  	s30 =	sadd.s32 s26, s19;
	p0 =	sne.s32 s22, $0x20;
	vm13 =	vgt.f32 v8, v5;
	v5 =	vmax.f32 v8, v5;
	v62 =	vpop (erf);
	v6 =	vmul.f32 v59, v9  }
.Ltmp2:
0x15b: {  	s31 =	sadd.s32 s28, s19;
	v7 =	vsel vm13, v60, v7;
	v63 =	vor.u32 s30, v2;
	v8 =	vmul.f32 v62, v61;
	(pc) =	sbr.rel @p0 .LBB2_6-.Ltmp2, $4  }
0x15c: {  	vm14 =	vgt.f32 v6, v5;
	v5 =	vmax.f32 v6, v5;
	v6 =	vor.u32 s31, v2  }
0x15d: {  	v7 =	vsel vm14, v63, v7;
	vm15 =	vgt.f32 v8, v5;
	v5 =	vmax.f32 v8, v5  }
0x15e: {  	v6 =	vsel vm15, v6, v7;
	[tilespmem:s24+$0x10000] =	vst v5  }
0x15f: {  	[tilespmem:s24+$0x11000] =	vst v6  }
0x160: {  	s20 =	sadd.s32 $0x1, s20  }
0x161: {  	p0 =	sne.s32 s20, $0x4  }
.Ltmp3:
0x162: {  	_ = 	snop;
	(pc) =	sbr.rel @p0 .LBB2_5-.Ltmp3, $2  }
0x163: {  	_ =	sdelay $0x2  }
0x164: {  	s19 =	sadd.s32 $0x10000, s19  }
0x165: {  	s16 =	sshll.u32 s15, $0xE  }
0x166: {  	s16 =	sor.u32 s7, s16  }
0x167: {  	s17 =	sadd.s32 s4, s16  }
0x168: {  	[hbm4b:s17+s2] =	stream.linear.scatter [tilespmem:s12], [sflag:$0x1], $0x1000, $0x38;
	[tilespmem:$0x12000] =	vst v63  }
0x169: {  	s15 =	sadd.s32 $0x1, s15;
	_ =	swait.ge [sflag:s11], $0x1000  }
0x16a: {  	p0 =	sne.s32 s15, $0xD;
	[sflag:s11] =	ssyncset.done $0x0  }
.Ltmp4:
0x16b: {  	s16 =	sadd.s32 s5, s16;
	[sflag:s11] =	ssyncadd.s32 $0xFFFFF000;
	(pc) =	sbr.rel @p0 .LBB2_2-.Ltmp4, $4  }
0x16c: {  	[hbm4b:s16+s2] =	stream.linear.scatter [tilespmem:s13], [sflag:$0x1], $0x1000, $0x38;
	[tilespmem:$0x12000] =	vst v63  }
0x16d: {  	_ =	swait.ge [sflag:s11], $0x1000  }
0x16e: {  	[sflag:s11] =	ssyncset.done $0x0  }
0x16f: {  	[sflag:s11] =	ssyncadd.s32 $0xFFFFF000  }
0x170: {  	s14 =	sadd.s32 $0x1, s14  }
0x171: {  	p0 =	sne.s32 s14, s8  }
.Ltmp5:
0x172: {  	_ = 	snop;
	(pc) =	sbr.rel @p0 .LBB2_1-.Ltmp5, $1  }
0x173: {  	_ =	sdelay $0x3  }
0x174: {  	_ =	sfence.sel $0x180000  }
0x175: {  	[bflag:$0x0] =	sbarrier.arrive $0xFFFF  }
0x176: {  	p0 =	sne.s32 s1, $0x0;
	_ =	strace $0x9000004A  }
0x177: {  	s0 =	sadd.s32 @!p0 $0x100000, s0;
	[bflag:$0x2] =	sbarrier.arrive $0xFFFF  }
0x178: {  	[sflag:s0] =	ssyncadd.tile.s32 @!p0 $0x1;
	_ =	shalt  }
.Lfunc_end2:
_tile_overlayer_lowered:
.L_overlay_start_2:
0x179: {  	(tag) =	ssettag $0x2  }
0x17a: {  	s0 =	rddreg [dreg:$0x0];
	s2 =	stileid.u32  }
0x17b: {  	s1 =	rddreg [dreg:$0x1];
	p0 =	sne.s32 s2, $0x0  }
0x17c: {  	s3 =	rddreg [dreg:$0x2];
	[bflag:$0x3] =	sbarrier.arrive $0xFFFF;
	s2 =	simm.s32 @!p0 $0x1C01  }
0x17d: {  	[timem:s3], [sflag:s2] =	dma.local @!p0 [hbm:s0], s1  }
0x17e: {  	s0 =	simm.s32 @!p0 $0x1  }
0x17f: {  	_ =	swait.ge @!p0 [sflag:s0], s1  }
0x180: {  	s1 =	ssub.s32 @!p0 $0x0, s1;
	[sflag:s0] =	ssyncset.done @!p0 $0x0  }
0x181: {  	[sflag:s0] =	ssyncadd.s32 @!p0 s1  }
0x182: {  	[bflag:$0x3] =	sbarrier.arrive $0xFFFF  }
0x183: {  	_ =	shalt  }

// kernel: sparse-core-data-format-call.cloned.1.call-start
scs
called_computation_lowered:
.L_overlay_start_0:
0x0: {  	s2 =	sld [smem:$0x3FD9]  }
0x1: {  	s3 =	sld [smem:$0x3FFE];
	_ =	sdelay $0x1  }
0x2: {  	s1 =	srdreg.scid  }
0x3: {  	s0 =	sand.u32 $0x1, s1  }
0x4: {  	s18 =	sshll.u32 s0, $0xA;
	s2 =	sadd.s32 s3, s2  }
0x5: {  	s2 =	sadd.s32 s2, s18  }
0x6: {  	[smem:$0x3FC3] =	sst s2  }
0x7: {  	_ = 	snop  }
0x8: {  	s2 =	sld [smem:$0x3FC9];
	(tm) =	ssettm $0x1  }
0x9: {  	s19 =	sld [smem:$0x3FFB];
	_ =	sdelay $0x3  }
0xa: {  	_ =	strace s19  }
0xb: {  	s3 =	sld [smem:$0x3FFC];
	_ =	sdelay $0x3  }
0xc: {  	_ =	strace s3  }
0xd: {  	s3 =	sld [smem:$0x3FFD];
	_ =	sdelay $0x3  }
0xe: {  	_ =	strace s3  }
0xf: {  	_ =	strace $0x8FFFFFFF  }
0x10: {  	s20 =	sld [smem:$0x3FDB];
	_ =	sdelay $0x1  }
0x11: {  	s4 =	simm.s32 $_scs_section_size  }
0x12: {  	s5 =	simm.s32 $_size__tile_overlayer_lowered;
	s6 =	simm.s32 $_tile_overlayer_lowered  }
0x13: {  	s23 =	simm.s32 $0x1BFF;
	s22 =	sshll.u32 s6, $0x1;
	s3 =	sadd.s32 s4, s20  }
0x14: {  	s7 =	simm.s32 $0x0;
	s21 =	sshll.u32 s5, $0x1;
	s5 =	sadd.s32 s22, s3  }
0x15: {  	[timem:s7], [sflag:s23] =	dma.local [hbm:s5], s21  }
0x16: {  	_ =	swait.ge [sflag:s23], s21  }
0x17: {  	s4 =	ssub.s32 $0x0, s21;
	[sflag:s23] =	ssyncset.done $0x0  }
0x18: {  	[sflag:s23] =	ssyncadd.s32 s4;
	_ =	sdelay $0x1  }
0x19: {  	s24 =	simm.s32 $0x1B8B  }
0x1a: {  	_ =	swait.ge [sflag:s24], $0x1  }
0x1b: {  	[sflag:s24] =	ssyncset.done $0x0  }
0x1c: {  	s26 =	simm.s32 $0x1B8E;
	s25 =	sld [smem:$0x3FFE];
	[sflag:s24] =	ssyncadd.s32 $0xFFFFFFFF  }
0x1d: {  	s27 =	simm.s32 $execute0_lowered;
	[smem:$0x3FD2] =	sst s26  }
0x1e: {  	s5 =	sshll.u32 s27, $0x1;
	_ =	strace $0x80000046;
	[dreg:$0x1] =	wrdreg $0xFFFFFFFF  }
0x1f: {  	s28 =	simm.s32 $_size_execute0_lowered;
	s3 =	sadd.s32 s3, s5;
	[dreg:$0x0] =	wrdreg $0x0  }
0x20: {  	s5 =	sshll.u32 s28, $0x1;
	[dreg:$0x2] =	wrdreg s3  }
0x21: {  	[dreg:$0x3] =	wrdreg s5  }
0x22: {  	[dreg:$0x4] =	wrdreg $0xC0  }
0x23: {  	_ =	task [dreg:s7], $0x5FFFF  }
0x24: {  	[dreg:$0x1] =	wrdreg $0xFFFFFFFF  }
0x25: {  	[dreg:$0x0] =	wrdreg $0x60  }
0x26: {  	[dreg:$0x2] =	wrdreg s2  }
0x27: {  	[dreg:$0x3] =	wrdreg s25  }
0x28: {  	[dreg:$0x4] =	wrdreg $0x9  }
0x29: {  	_ =	task.clear_ibuf [dreg:s7], $0x5FFFF;
	_ =	strace $0x90000046  }
0x2a: {  	s29 =	simm.s32 $0x9;
	_ =	strace $0x80000048  }
0x2b: {  	_ =	swait.ge [sflag:s29], $0x1  }
0x2c: {  	[sflag:s29] =	ssyncadd.s32 $0xFFFFFFFF  }
0x2d: {  	_ =	strace $0x90000048  }
0x2e: {  	_ =	sfence  }
0x2f: {  	s30 =	sld [smem:$0x0];
	_ =	sdelay $0x2  }
0x30: {  	s31 =	sshll.u32 s1, $0xD;
	s1 =	sshrl.u32 s1, $0x2  }
0x31: {  	s3 =	sand.u32 $0x4000, s31;
	s1 =	sadd.s32 s1, s30  }
0x32: {  	s0 =	sor.u32 s3, s0;
	s1 =	sshll.u32 s1, $0x11  }
0x33: {  	s0 =	sor.u32 s1, s0  }
0x34: {  	s0 =	sadd.s32 $0x8F2B, s0  }
0x35: {  	[sflag:s0] =	ssyncadd.remote.s32 $0x1  }
0x36: {  	_ =	sfence.sel $0xFFFF  }
0x37: {  	[dreg:$0x0] =	wrdreg $0xFFFFFFFF;
	(pc) =	sbr.abs _section_cstart, $3  }
0x38: {  	[dreg:$0x1] =	wrdreg $0xFFFFFFFF  }
0x39: {  	_ =	task.clear_ibuf [dreg:s7], $0x2FFFF;
	_ =	strace $0x9FFFFFFF  }
0x3a: {  	(tm) =	ssettm $0x7FFFFFFF  }
0x3b: {  	_ =	shalt  }
tec
execute0_lowered:
.L_overlay_start_1:
0x0: {  	(tag) =	ssettag $0x1  }
0x1: {  	s2 =	rddreg [dreg:$0x0]  }
0x2: {  	s1 =	rddreg [dreg:$0x1]  }
0x3: {  	s0 =	rddreg [dreg:$0x2];
	s4 =	srdreg.scid  }
0x4: {  	_ =	strace $0x80000047;
	s7 =	simm.s32 $0x2;
	s13 =	simm.s32 $0x0  }
0x5: {  	p0 =	por $0x0, $0x0;
	s14 =	simm.s32 $0x0;
	s16 =	simm.s32 $0x0  }
0x6: {  	s15 =	simm.s32 $0x0;
	s9 =	simm.s32 $0x0;
	s10 =	simm.s32 $0x0  }
.Ltmp0:
0x7: {  	s3 =	sadd.s32 $0x1C00, s1;
	s4 =	sshll.u32 s4, $0x4;
	(pc) =	sbr.rel .LBB1_1-.Ltmp0, $4  }
0x8: {  	s1 =	stileid.u32;
	s5 =	sand.u32 $0x10, s4;
	s4 =	simm.s32 $0x1  }
0x9: {  	s8 =	simm.s32 $0x0;
	s6 =	sor.u32 s1, s5;
	[sflag:s4] =	ssyncpa.u1 $0x0  }
0xa: {  	s5 =	sand.u32 $0x7, s1;
	s6 =	sshrl.u32 s6, $0x3;
	[sflag:s7] =	ssyncpa.u1 $0x0  }
0xb: {  	s7 =	simm.s32 $0x1000;
	s12 =	smov.u32 s5;
	s11 =	smov.u32 s6  }
.LBB1_5:
0xc: {  	s17 =	sadd.s32 $0x80, s9  }
0xd: {  	s13 =	sadd.s32 $0x80, s10;
	s18 =	smov.u32 s10;
	p2 =	sgt.s32 s17, $0x1FF  }
0xe: {  	s18 =	smov.u32 @p2 s13  }
0xf: {  	s19 =	smov.u32 s11;
	s13 =	sadd.s32 $0x4, s11;
	p3 =	sgt.s32 s18, $0x1FF  }
0x10: {  	s19 =	smov.u32 @p3 s13  }
0x11: {  	s20 =	smov.u32 s12;
	s13 =	sadd.s32 $0x8, s12;
	p4 =	sgt.s32 s19, $0x7  }
0x12: {  	p1 =	slt.u32 s8, $0x2;
	s20 =	smov.u32 @p4 s13  }
0x13: {  	s8 =	sadd.s32 $0x1, s8;
	s17 =	simm.s32 @p2 $0x0;
	p2 =	sgt.s32 s20, $0x7  }
0x14: {  	s21 =	simm.s32 @!p1 $0x2;
	s20 =	smov.u32 @p2 s5;
	p2 =	sne.s32 s8, $0x22  }
.Ltmp1:
0x15: {  	s14 =	smov.u32 s10;
	_ =	swait.ge @!p1 [sflag:s21], $0x4000;
	(pc) =	sbr.rel @!p2 .LBB1_6-.Ltmp1, $4  }
0x16: {  	s16 =	smov.u32 s11;
	s15 =	smov.u32 s12;
	[sflag:s21] =	ssyncset.done @!p1 $0x0  }
0x17: {  	p0 =	por !p0, !p0;
	s18 =	simm.s32 @p3 $0x0;
	[sflag:s21] =	ssyncadd.s32 @!p1 $0xFFFFC000  }
0x18: {  	s10 =	smov.u32 s18;
	s19 =	smov.u32 @p4 s6;
	s13 =	smov.u32 s9  }
0x19: {  	s9 =	smov.u32 s17;
	s11 =	smov.u32 s19;
	s12 =	smov.u32 s20  }
.LBB1_1:
0x1a: {  	p1 =	sgt.u32 s8, $0x1F  }
0x1b: {  	s17 =	sxor.u32 @!p1 $0xFFFFFFFF, s8;
	s18 =	sand.u32 @!p1 $0x78, s9;
	s19 =	sshll.u32 @!p1 s10, $0x9  }
0x1c: {  	s20 =	sshll.u32 @!p1 s9, $0x3;
	s21 =	sshll.u32 @!p1 s10, $0x7;
	s17 =	sshll.u32 @!p1 s17, $0xE  }
0x1d: {  	s19 =	sand.u32 @!p1 $0x3F000, s19;
	s20 =	sand.u32 @!p1 $0x3FC00, s20;
	s17 =	sand.u32 @!p1 $0x4000, s17  }
0x1e: {  	s19 =	sadd.s32 @!p1 s19, s20;
	s20 =	sand.u32 @!p1 $0x200, s21;
	s21 =	sand.u32 @!p1 $0x180, s21  }
0x1f: {  	s19 =	sor.u32 @!p1 s20, s19;
	s18 =	sor.u32 @!p1 s18, s21;
	s20 =	sshll.u32 @!p1 s12, $0x12  }
0x20: {  	s21 =	sshll.u32 @!p1 s11, $0xF;
	s19 =	sshrl.u32 @!p1 s19, $0x3;
	s20 =	sadd.s32 @!p1 s2, s20  }
0x21: {  	s18 =	sshrl.u32 @!p1 s18, $0x3;
	s20 =	sadd.s32 @!p1 s21, s20;
	s21 =	sand.u32 @!p1 $0x7, s9  }
0x22: {  	s19 =	sand.u32 @!p1 $0x7FC0, s19;
	s18 =	sadd.s32 @!p1 s18, s20;
	s20 =	sshll.u32 @!p1 s21, $0x12  }
0x23: {  	s18 =	sadd.s32 @!p1 s19, s18;
	s19 =	sor.u32 @!p1 $0x400, s20;
	s20 =	simm.s32 @!p1 $0x1000  }
0x24: {  	[tilespmem:s17], [sflag:$0x1] =	stream.strided.gather @!p1 [hbm4b:s18+s19], $0x4000, s20, s19, $0x38;
	[tilespmem:$0x10000] =	vst v63  }
0x25: {  	p1 =	seq.s32 s8, $0x0  }
0x26: {  	p2 =	seq.s32 @!p1 s8, $0x21  }
0x27: {  	p1 =	por p1, p2  }
.Ltmp2:
0x28: {  	_ = 	snop;
	(pc) =	sbr.rel @p1 .LBB1_5-.Ltmp2, $1  }
0x29: {  	_ =	sdelay $0x3  }
0x2a: {  	s17 =	simm.s32 $0x1  }
0x2b: {  	s17 =	simm.s32 @!p0 $0x0  }
0x2c: {  	s17 =	sshll.u32 s17, $0xE  }
0x2d: {  	s18 =	sor.u32 $0x40, s17  }
0x2e: {  	v1 =	vmov s18;
	_ =	sdelay $0x1  }
0x2f: {  	_ =	swait.ge [sflag:s4], $0x4000  }
0x30: {  	[sflag:s4] =	ssyncset.done $0x0  }
0x31: {  	s19 =	simm.s32 $0x0;
	[sflag:s4] =	ssyncadd.s32 $0xFFFFC000  }
0x32: {  	s17 =	sor.u32 $0x8070, s17;
	v7 =	vld.idx.msk [tilespmem:v1+s19+$0x30 ss:$0x1], $0xffff  }
0x33: {  	v0 =	vmov s17;
	v8 =	vld.idx.msk [tilespmem:v1+s19+$0xFFFFFFC0 ss:$0x1], $0xffff  }
0x34: {  	v6 =	vld.idx.msk [tilespmem:v1+s19+$0xFFFFFFD0 ss:$0x1], $0xffff  }
0x35: {  	v4 =	vld.idx.msk [tilespmem:v1+s19+$0xFFFFFFE0 ss:$0x1], $0xffff  }
0x36: {  	v2 =	vld.idx.msk [tilespmem:v1+s19+$0xFFFFFFF0 ss:$0x1], $0xffff  }
0x37: {  	s31 =	sshll.u32 s8, $0xE;
	v3 =	vld.idx.msk [tilespmem:v1+s19+$0x0 ss:$0x1], $0xffff  }
0x38: {  	s17 =	sand.u32 $0x4000, s31;
	v5 =	vld.idx.msk [tilespmem:v1+s19+$0x10 ss:$0x1], $0xffff;
	[tilespmem:v0+s19+$0x0 ss:$0x1] =	vst.idx.msk $0xffff, v7  }
0x39: {  	s20 =	simm.s32 $0x400;
	s18 =	simm.s32 $0x80;
	s17 =	sor.u32 $0x8000, s17;
	[tilespmem:v0+s19+$0xFFFFFF90 ss:$0x1] =	vst.idx.msk $0xffff, v8;
	v7 =	vld.idx.msk [tilespmem:v1+s19+$0x20 ss:$0x1], $0xffff  }
.LBB1_3:
0x3a: {  	p1 =	sne.s32 s20, $0xFE00;
	v8 =	vld.idx.msk [tilespmem:v1+s18+$0x30 ss:$0x1], $0xffff;
	[tilespmem:v0+s19+$0xFFFFFFA0 ss:$0x1] =	vst.idx.msk $0xffff, v6  }
0x3b: {  	v9 =	vld.idx.msk [tilespmem:v1+s18+$0xFFFFFFC0 ss:$0x1], $0xffff;
	[tilespmem:v0+s19+$0xFFFFFFB0 ss:$0x1] =	vst.idx.msk $0xffff, v4  }
0x3c: {  	v6 =	vld.idx.msk [tilespmem:v1+s18+$0xFFFFFFD0 ss:$0x1], $0xffff;
	[tilespmem:v0+s19+$0xFFFFFFC0 ss:$0x1] =	vst.idx.msk $0xffff, v2  }
.Ltmp3:
0x3d: {  	v4 =	vld.idx.msk [tilespmem:v1+s18+$0xFFFFFFE0 ss:$0x1], $0xffff;
	[tilespmem:v0+s19+$0xFFFFFFD0 ss:$0x1] =	vst.idx.msk $0xffff, v3;
	(pc) =	sbr.rel @p1 .LBB1_3-.Ltmp3, $4  }
0x3e: {  	v2 =	vld.idx.msk [tilespmem:v1+s18+$0xFFFFFFF0 ss:$0x1], $0xffff;
	[tilespmem:v0+s19+$0xFFFFFFE0 ss:$0x1] =	vst.idx.msk $0xffff, v5  }
0x3f: {  	v3 =	vld.idx.msk [tilespmem:v1+s18+$0x0 ss:$0x1], $0xffff;
	[tilespmem:v0+s19+$0xFFFFFFF0 ss:$0x1] =	vst.idx.msk $0xffff, v7;
	s19 =	smov.u32 s18  }
0x40: {  	v5 =	vld.idx.msk [tilespmem:v1+s19+$0x10 ss:$0x1], $0xffff;
	[tilespmem:v0+s19+$0x0 ss:$0x1] =	vst.idx.msk $0xffff, v8  }
0x41: {  	s18 =	sshra.s32 s20, $0x2;
	s20 =	sadd.s32 $0x200, s20;
	[tilespmem:v0+s19+$0xFFFFFF90 ss:$0x1] =	vst.idx.msk $0xffff, v9;
	v7 =	vld.idx.msk [tilespmem:v1+s19+$0x20 ss:$0x1], $0xffff  }
0x42: {  	_ =	sdelay $0x3  }
0x43: {  	[tilespmem:v0+s19+$0xFFFFFFA0 ss:$0x1] =	vst.idx.msk $0xffff, v6  }
0x44: {  	v56 =	vld.idx.msk [tilespmem:v1+s18+$0x30 ss:$0x1], $0xffff;
	[tilespmem:v0+s19+$0xFFFFFFB0 ss:$0x1] =	vst.idx.msk $0xffff, v4  }
0x45: {  	v57 =	vld.idx.msk [tilespmem:v1+s18+$0xFFFFFFC0 ss:$0x1], $0xffff;
	[tilespmem:v0+s19+$0xFFFFFFC0 ss:$0x1] =	vst.idx.msk $0xffff, v2  }
0x46: {  	v58 =	vld.idx.msk [tilespmem:v1+s18+$0xFFFFFFD0 ss:$0x1], $0xffff;
	[tilespmem:v0+s19+$0xFFFFFFD0 ss:$0x1] =	vst.idx.msk $0xffff, v3  }
0x47: {  	v59 =	vld.idx.msk [tilespmem:v1+s18+$0xFFFFFFE0 ss:$0x1], $0xffff;
	[tilespmem:v0+s19+$0xFFFFFFE0 ss:$0x1] =	vst.idx.msk $0xffff, v5  }
0x48: {  	v60 =	vld.idx.msk [tilespmem:v1+s18+$0xFFFFFFF0 ss:$0x1], $0xffff;
	[tilespmem:v0+s19+$0xFFFFFFF0 ss:$0x1] =	vst.idx.msk $0xffff, v7  }
0x49: {  	v61 =	vld.idx.msk [tilespmem:v1+s18+$0x0 ss:$0x1], $0xffff;
	[tilespmem:v0+s18+$0x0 ss:$0x1] =	vst.idx.msk $0xffff, v56  }
0x4a: {  	v62 =	vld.idx.msk [tilespmem:v1+s18+$0x10 ss:$0x1], $0xffff;
	[tilespmem:v0+s18+$0xFFFFFF90 ss:$0x1] =	vst.idx.msk $0xffff, v57  }
0x4b: {  	s16 =	sshll.u32 s16, $0x7;
	v63 =	vld.idx.msk [tilespmem:v1+s18+$0x20 ss:$0x1], $0xffff;
	s29 =	sand.u32 $0x78, s13;
	s30 =	sshll.u32 s13, $0x3;
	[tilespmem:v0+s18+$0xFFFFFFA0 ss:$0x1] =	vst.idx.msk $0xffff, v58  }
0x4c: {  	s15 =	sshll.u32 s15, $0x12;
	s14 =	sshll.u32 s14, $0x9;
	s16 =	sand.u32 $0x380, s16;
	[tilespmem:v0+s18+$0xFFFFFFB0 ss:$0x1] =	vst.idx.msk $0xffff, v59  }
.Ltmp4:
0x4d: {  	s16 =	sor.u32 s29, s16;
	s19 =	sand.u32 $0xC00, s30;
	[tilespmem:v0+s18+$0xFFFFFFC0 ss:$0x1] =	vst.idx.msk $0xffff, v60;
	(pc) =	sbr.rel .LBB1_5-.Ltmp4, $4  }
0x4e: {  	s31 =	sand.u32 $0x7, s13;
	s15 =	sadd.s32 s3, s15;
	[tilespmem:v0+s18+$0xFFFFFFD0 ss:$0x1] =	vst.idx.msk $0xffff, v61;
	s16 =	sor.u32 s19, s16  }
0x4f: {  	s13 =	sshll.u32 s31, $0x12;
	s14 =	sadd.s32 s14, s15;
	[tilespmem:v0+s18+$0xFFFFFFE0 ss:$0x1] =	vst.idx.msk $0xffff, v62;
	s16 =	sshrl.u32 s16, $0x3  }
0x50: {  	s13 =	sor.u32 $0x80, s13;
	[tilespmem:v0+s18+$0xFFFFFFF0 ss:$0x1] =	vst.idx.msk $0xffff, v63;
	s14 =	sadd.s32 s16, s14  }
0x51: {  	[hbm4b:s14+s13] =	stream.strided.scatter [tilespmem:s17], [sflag:$0x2], $0x4000, s7, s13, $0x38;
	[tilespmem:$0x10000] =	vst v63  }
.LBB1_6:
0x52: {  	_ =	sfence.sel $0x180000  }
0x53: {  	s2 =	simm.s32 $0x1;
	[bflag:$0x0] =	sbarrier.arrive $0xFFFF  }
0x54: {  	s31 =	simm.s32 $0x2;
	[sflag:s2] =	ssyncpa.u1 $0x1  }
0x55: {  	[sflag:s31] =	ssyncpa.u1 $0x1  }
0x56: {  	p0 =	sne.s32 s1, $0x0;
	_ =	strace $0x90000047  }
0x57: {  	s0 =	sadd.s32 @!p0 $0x100000, s0;
	[bflag:$0x2] =	sbarrier.arrive $0xFFFF  }
0x58: {  	[sflag:s0] =	ssyncadd.tile.s32 @!p0 $0x1;
	_ =	shalt  }
.Lfunc_end1:
_tile_overlayer_lowered:
.L_overlay_start_2:
0x59: {  	(tag) =	ssettag $0x2  }
0x5a: {  	s0 =	rddreg [dreg:$0x0];
	s2 =	stileid.u32  }
0x5b: {  	s1 =	rddreg [dreg:$0x1];
	p0 =	sne.s32 s2, $0x0  }
0x5c: {  	s3 =	rddreg [dreg:$0x2];
	[bflag:$0x3] =	sbarrier.arrive $0xFFFF;
	s2 =	simm.s32 @!p0 $0x1C01  }
0x5d: {  	[timem:s3], [sflag:s2] =	dma.local @!p0 [hbm:s0], s1  }
0x5e: {  	s0 =	simm.s32 @!p0 $0x1  }
0x5f: {  	_ =	swait.ge @!p0 [sflag:s0], s1  }
0x60: {  	s1 =	ssub.s32 @!p0 $0x0, s1;
	[sflag:s0] =	ssyncset.done @!p0 $0x0  }
0x61: {  	[sflag:s0] =	ssyncadd.s32 @!p0 s1  }
0x62: {  	[bflag:$0x3] =	sbarrier.arrive $0xFFFF  }
0x63: {  	_ =	shalt  }

</sc_bundles>
